<compile_context>
chip_gen: v7x
topology: tpu7x:2x2x1
jax: 0.10.2.dev20260603
libtpu: 0.0.44.dev20260713+nightly
codegen_flags: <defaults>
</compile_context>

<pallas_src>
import functools
import jax
import jax.numpy as jnp
from jax import lax
from jax.experimental import pallas as pl
from jax.experimental.pallas import tpu as pltpu
from jax.experimental.pallas import tpu_sc as plsc

N = 10000
G = 64
NC, NS, L = 2, 16, 16
NW = NC * NS
CHUNK = 128
N_PAD = 10112
RPT = N_PAD // NS

_SC_MESH = plsc.VectorSubcoreMesh(core_axis_name="c", subcore_axis_name="s")
_SC_PARAMS = pltpu.CompilerParams(needs_layout_passes=False,
                                  use_tc_tiling_on_sc=False)


def _deg_body(dst_hbm, out_hbm, dstbuf, hist):
    c = lax.axis_index("c")
    s = lax.axis_index("s")
    wid = s * NC + c
    ept = dstbuf.shape[0]

    zeros = jnp.zeros((L,), jnp.float32)

    def zero(i, carry):
        hist[pl.ds(pl.multiple_of(i * L, L), L)] = zeros
        return carry

    lax.fori_loop(0, N_PAD // L, zero, 0, unroll=8)

    pltpu.sync_copy(dst_hbm.at[wid], dstbuf)

    ones = jnp.full((L,), 1.0, jnp.float32)

    def body(i, carry):
        idx = dstbuf[pl.ds(pl.multiple_of(i * L, L), L)]
        plsc.addupdate_scatter(hist, [idx], ones)
        return carry

    lax.fori_loop(0, ept // L, body, 0, unroll=8)
    pltpu.sync_copy(hist, out_hbm.at[wid])


def _make_deg_call(ept):
    return pl.kernel(
        _deg_body,
        out_type=jax.ShapeDtypeStruct((NW, N_PAD), jnp.float32),
        mesh=_SC_MESH,
        compiler_params=_SC_PARAMS,
        scratch_types=[
            pltpu.VMEM((ept,), jnp.int32),
            pltpu.VMEM((N_PAD,), jnp.float32),
        ],
    )


NBUF = 8
LA = 6


def _edge_body(y_hbm, src_hbm, dst_hbm, z_hbm, out_hbm, sbuf, dbuf,
               rows, acc, gsem, ssem):
    c = lax.axis_index("c")
    s = lax.axis_index("s")
    wid = s * NC + c
    nch = sbuf.shape[0]

    def gather(j, b):
        return pltpu.make_async_copy(y_hbm.at[sbuf.at[j]], rows[b], gsem[b])

    def scat(j, b):
        return pltpu.make_async_copy(rows[b], acc.at[dbuf.at[j]], ssem[b])

    pltpu.sync_copy(z_hbm, acc.at[pl.ds(s * RPT, RPT)])
    pltpu.sync_copy(src_hbm.at[wid], sbuf)
    pltpu.sync_copy(dst_hbm.at[wid], dbuf)
    plsc.subcore_barrier()

    for b in range(LA):
        gather(b, b).start()

    def grp(g, carry):
        for b in range(NBUF):
            j = g * NBUF + b
            bn = (b + LA) % NBUF

            @pl.when(j + LA < nch)
            def _():
                @pl.when(j >= NBUF - LA)
                def _():
                    scat(j - (NBUF - LA), bn).wait()

                gather(j + LA, bn).start()

            gather(j, b).wait()
            scat(j, b).start(add=True)
        return carry

    lax.fori_loop(0, nch // NBUF, grp, 0)
    for k in range(NBUF):
        c0 = nch - NBUF + k
        scat(c0, c0 % NBUF).wait()

    plsc.subcore_barrier()
    pltpu.sync_copy(acc.at[pl.ds(s * RPT, RPT)],
                    out_hbm.at[c].at[pl.ds(s * RPT, RPT)])


def _make_edge_call(nch, feat):
    return pl.kernel(
        _edge_body,
        out_type=jax.ShapeDtypeStruct((NC, N_PAD, feat), jnp.float32),
        mesh=_SC_MESH,
        compiler_params=_SC_PARAMS,
        scratch_types=[
            pltpu.VMEM((nch, CHUNK), jnp.int32),
            pltpu.VMEM((nch, CHUNK), jnp.int32),
            tuple(pltpu.VMEM((CHUNK, feat), jnp.float32)
                  for _ in range(NBUF)),
            pltpu.VMEM_SHARED((N_PAD, feat), jnp.float32),
            tuple(pltpu.SemaphoreType.DMA for _ in range(NBUF)),
            tuple(pltpu.SemaphoreType.DMA for _ in range(NBUF)),
        ],
    )


def _tc1_body(x_ref, w_ref, degp_ref, y_ref, dinv_ref):
    degp = degp_ref[...]
    ones = jnp.ones((NW, 1), jnp.float32)
    deg = lax.dot_general(degp, ones, (((0,), (0,)), ((), ())),
                          precision=lax.Precision.HIGHEST) + 1.0
    dinv = 1.0 / jnp.sqrt(deg)
    xw = jnp.dot(x_ref[...], w_ref[...])
    y_ref[...] = xw * dinv
    dinv_ref[...] = dinv


def _tc2_body(acc_ref, y_ref, dinv_ref, b_ref, w_ref, x1_ref, y2_ref):
    dinv = dinv_ref[...]
    tot = acc_ref[0] + acc_ref[1] + y_ref[...]
    x1 = jax.nn.relu(tot * dinv + b_ref[...])
    x1_ref[...] = x1
    y2_ref[...] = jnp.dot(x1, w_ref[...]) * dinv


def _tc3_body(acc_ref, y_ref, dinv_ref, b_ref, x1_ref, batch_ref,
              wf1_ref, bf1_ref, wf2_ref, bf2_ref, out_ref):
    dinv = dinv_ref[...]
    tot = acc_ref[0] + acc_ref[1] + y_ref[...]
    x2 = jax.nn.relu(tot * dinv + b_ref[...])
    xj = jnp.concatenate([x1_ref[:N], x2[:N]], axis=1)
    gids = lax.broadcasted_iota(jnp.int32, (G, N), 0)
    m = (batch_ref[...] == gids).astype(jnp.float32)
    sums = jnp.dot(m, xj, precision=lax.Precision.HIGHEST)
    counts = jnp.sum(m, axis=1, keepdims=True)
    pool = sums / jnp.maximum(counts, 1.0)
    h = jax.nn.relu(jnp.dot(pool, wf1_ref[...]) + bf1_ref[...])
    out_ref[...] = jnp.dot(h, wf2_ref[...]) + bf2_ref[...]


def _tc_call(body, out_shapes):
    return pl.pallas_call(body, out_shape=out_shapes)


def kernel(x, edge_index, batch, W1, b1, W2, b2, Wf1, bf1, Wf2, bf2):
    E = edge_index.shape[1]
    ept = -(-E // NW)
    nch = -(-(-(-ept // CHUNK)) // NBUF) * NBUF
    e_pad = NW * nch * CHUNK

    src = jnp.concatenate(
        [edge_index[0], jnp.zeros((e_pad - E,), jnp.int32)]
    ).reshape(NW, nch, CHUNK)
    dst = jnp.concatenate(
        [edge_index[1], jnp.full((e_pad - E,), N, jnp.int32)]
    ).reshape(NW, nch, CHUNK)

    x_pad = jnp.pad(x, ((0, N_PAD - N), (0, 0)))
    z32 = jnp.zeros((RPT, 32), jnp.float32)
    z64 = jnp.zeros((RPT, 64), jnp.float32)

    deg_parts = _make_deg_call(nch * CHUNK)(dst.reshape(NW, nch * CHUNK))

    y1, dinv = _tc_call(_tc1_body, (
        jax.ShapeDtypeStruct((N_PAD, 32), jnp.float32),
        jax.ShapeDtypeStruct((N_PAD, 1), jnp.float32),
    ))(x_pad, W1, deg_parts)

    acc1 = _make_edge_call(nch, 32)(y1, src, dst, z32)

    x1, y2 = _tc_call(_tc2_body, (
        jax.ShapeDtypeStruct((N_PAD, 32), jnp.float32),
        jax.ShapeDtypeStruct((N_PAD, 64), jnp.float32),
    ))(acc1, y1, dinv, b1.reshape(1, 32), W2)

    acc2 = _make_edge_call(nch, 64)(y2, src, dst, z64)

    out = _tc_call(_tc3_body, (
        jax.ShapeDtypeStruct((G, 1), jnp.float32),
    ))(acc2, y2, dinv, b2.reshape(1, 64), x1, batch.reshape(1, N),
       Wf1, bf1.reshape(1, 128), Wf2, bf2.reshape(1, 1))[0]

    return out.reshape(-1)

# --- scband reference (transcript-rebuilt; emitter-appended) ---
"""Pipeline reference for scband-gcn-30966714204819 (READ-ONLY COPY).

The authoritative reference and input builder live on the scoring server;
editing this copy changes nothing except your own understanding.
"""

import jax, jax.numpy as jnp
import numpy as np

N = 10000
E = 320000
D = 128
G = 64


def setup_inputs(seed: int = 0) -> dict:
    key = jax.random.key(seed)
    ks = jax.random.split(key, 12)
    x = jax.random.normal(ks[0], (N, D), dtype=jnp.float32)
    edge_index = jax.random.randint(ks[1], (2, E), 0, N, dtype=jnp.int32)
    batch = jnp.sort(jax.random.randint(ks[2], (N,), 0, G, dtype=jnp.int32))
    W1 = jax.random.normal(ks[3], (D, 32), dtype=jnp.float32) / np.sqrt(D)
    b1 = jnp.zeros((32,), dtype=jnp.float32)
    W2 = jax.random.normal(ks[4], (32, 64), dtype=jnp.float32) / np.sqrt(32)
    b2 = jnp.zeros((64,), dtype=jnp.float32)
    Wf1 = jax.random.normal(ks[5], (96, 128), dtype=jnp.float32) / np.sqrt(96)
    bf1 = jnp.zeros((128,), dtype=jnp.float32)
    Wf2 = jax.random.normal(ks[6], (128, 1), dtype=jnp.float32) / np.sqrt(128)
    bf2 = jnp.zeros((1,), dtype=jnp.float32)
    return {"x": x, "edge_index": edge_index, "batch": batch,
            "W1": W1, "b1": b1, "W2": W2, "b2": b2,
            "Wf1": Wf1, "bf1": bf1, "Wf2": Wf2, "bf2": bf2}


def _gcn_conv(x, src, dst, W, b):
    n = x.shape[0]
    loop = jnp.arange(n, dtype=src.dtype)
    s = jnp.concatenate([src, loop])
    d = jnp.concatenate([dst, loop])
    deg = jnp.zeros((n,), x.dtype).at[d].add(1.0)
    dinv = 1.0 / jnp.sqrt(deg)
    norm = dinv[s] * dinv[d]
    xw = x @ W
    msg = xw[s] * norm[:, None]
    out = jnp.zeros((n, W.shape[1]), x.dtype).at[d].add(msg)
    return out + b


def reference(x, edge_index, batch, W1, b1, W2, b2, Wf1, bf1, Wf2, bf2):
    src, dst = edge_index[0], edge_index[1]
    x1 = jax.nn.relu(_gcn_conv(x, src, dst, W1, b1))
    x2 = jax.nn.relu(_gcn_conv(x1, src, dst, W2, b2))
    x_jump = jnp.concatenate([x1, x2], axis=-1)  # JumpingKnowledge('cat')
    sums = jax.ops.segment_sum(x_jump, batch, num_segments=G)
    counts = jax.ops.segment_sum(jnp.ones((x_jump.shape[0],), x_jump.dtype), batch, num_segments=G)
    x_pool = sums / jnp.maximum(counts, 1.0)[:, None]
    h = jax.nn.relu(x_pool @ Wf1 + bf1)
    out = (h @ Wf2 + bf2).reshape(-1)
    return out

if __name__ == "__main__":
    import jax
    _d = setup_inputs()
    print(jax.jit(kernel)(*tuple(_d.values())))

</pallas_src>

<mosaic_0001>
#map = affine_map<(d0, d1) -> (0, 0)>
#map1 = affine_map<(d0, d1) -> (0, 0, 0)>
module attributes {stable_mosaic.version = 14 : i64} {
  func.func @_edge_body(%arg0: i32, %arg1: i32, %arg2: memref<10112x64xf32, #tpu.memory_space<hbm>>, %arg3: memref<32x80x128xi32, #tpu.memory_space<hbm>>, %arg4: memref<32x80x128xi32, #tpu.memory_space<hbm>>, %arg5: memref<632x64xf32, #tpu.memory_space<hbm>>, %arg6: memref<2x10112x64xf32, #tpu.memory_space<hbm>>, %arg7: memref<80x128xi32, #tpu.memory_space<vmem>>, %arg8: memref<80x128xi32, #tpu.memory_space<vmem>>, %arg9: memref<128x64xf32, #tpu.memory_space<vmem>>, %arg10: memref<128x64xf32, #tpu.memory_space<vmem>>, %arg11: memref<128x64xf32, #tpu.memory_space<vmem>>, %arg12: memref<128x64xf32, #tpu.memory_space<vmem>>, %arg13: memref<128x64xf32, #tpu.memory_space<vmem>>, %arg14: memref<128x64xf32, #tpu.memory_space<vmem>>, %arg15: memref<128x64xf32, #tpu.memory_space<vmem>>, %arg16: memref<128x64xf32, #tpu.memory_space<vmem>>, %arg17: memref<10112x64xf32, #tpu.memory_space<vmem_shared>>, %arg18: memref<!tpu.dma_semaphore, #tpu.memory_space<semaphore_mem>>, %arg19: memref<!tpu.dma_semaphore, #tpu.memory_space<semaphore_mem>>, %arg20: memref<!tpu.dma_semaphore, #tpu.memory_space<semaphore_mem>>, %arg21: memref<!tpu.dma_semaphore, #tpu.memory_space<semaphore_mem>>, %arg22: memref<!tpu.dma_semaphore, #tpu.memory_space<semaphore_mem>>, %arg23: memref<!tpu.dma_semaphore, #tpu.memory_space<semaphore_mem>>, %arg24: memref<!tpu.dma_semaphore, #tpu.memory_space<semaphore_mem>>, %arg25: memref<!tpu.dma_semaphore, #tpu.memory_space<semaphore_mem>>, %arg26: memref<!tpu.dma_semaphore, #tpu.memory_space<semaphore_mem>>, %arg27: memref<!tpu.dma_semaphore, #tpu.memory_space<semaphore_mem>>, %arg28: memref<!tpu.dma_semaphore, #tpu.memory_space<semaphore_mem>>, %arg29: memref<!tpu.dma_semaphore, #tpu.memory_space<semaphore_mem>>, %arg30: memref<!tpu.dma_semaphore, #tpu.memory_space<semaphore_mem>>, %arg31: memref<!tpu.dma_semaphore, #tpu.memory_space<semaphore_mem>>, %arg32: memref<!tpu.dma_semaphore, #tpu.memory_space<semaphore_mem>>, %arg33: memref<!tpu.dma_semaphore, #tpu.memory_space<semaphore_mem>>) attributes {dimension_semantics = [#tpu.dimension_semantics<core_parallel>, #tpu.dimension_semantics<subcore_parallel>], iteration_bounds = array<i64: 2, 16>, scalar_prefetch = 0 : i64, scratch_operands = 27 : i64, tpu.core_type = #tpu.core_type<sc_vector_subcore>, window_params = [{transform_indices = #map}, {transform_indices = #map1}, {transform_indices = #map1}, {transform_indices = #map}, {transform_indices = #map1}]} {
    %mul3A = arith.constant 2 : i32
    %mul3A_0 = arith.muli %arg1, %mul3A : i32
    %add3A = arith.addi %mul3A_0, %arg0 : i32
    %mul3A_1 = arith.constant 632 : i32
    %mul3A_2 = arith.muli %arg1, %mul3A_1 : i32
    "tpu.region"() ({
      %run_scoped3A = tpu.sem_alloc : memref<!tpu.dma_semaphore, #tpu.memory_space<semaphore_mem>>
      %dma_start3A_109 = arith.constant 0 : i32
      %dma_start3A_110 = tpu.memref_slice %arg17[%mul3A_2, %dma_start3A_109] : memref<10112x64xf32, #tpu.memory_space<vmem_shared>> -> memref<632x64xf32, #tpu.memory_space<vmem_shared>>
      tpu.enqueue_dma source(%arg5 : memref<632x64xf32, #tpu.memory_space<hbm>>) target(%dma_start3A_110 : memref<632x64xf32, #tpu.memory_space<vmem_shared>>) target_semaphore(%run_scoped3A : memref<!tpu.dma_semaphore, #tpu.memory_space<semaphore_mem>>)
      %dma_wait3A_111 = arith.constant 0 : i32
      %dma_wait3A_112 = tpu.memref_slice %arg17[%mul3A_2, %dma_wait3A_111] : memref<10112x64xf32, #tpu.memory_space<vmem_shared>> -> memref<632x64xf32, #tpu.memory_space<vmem_shared>>
      tpu.wait_dma2 semaphore(%run_scoped3A : memref<!tpu.dma_semaphore, #tpu.memory_space<semaphore_mem>>) src(%arg5 : memref<632x64xf32, #tpu.memory_space<hbm>>) dst(%dma_wait3A_112 : memref<632x64xf32, #tpu.memory_space<vmem_shared>>)
      tpu.yield
    }) : () -> ()
    "tpu.region"() ({
      %run_scoped3A = tpu.sem_alloc : memref<!tpu.dma_semaphore, #tpu.memory_space<semaphore_mem>>
      %dma_start3A_109 = arith.constant 0 : i32
      %dma_start3A_110 = arith.constant 0 : i32
      %dma_start3A_111 = tpu.memref_slice %arg3[%add3A, %dma_start3A_109, %dma_start3A_110] : memref<32x80x128xi32, #tpu.memory_space<hbm>> -> memref<1x80x128xi32, #tpu.memory_space<hbm>>
      %dma_start3A_112 = tpu.memref_squeeze %dma_start3A_111 : memref<1x80x128xi32, #tpu.memory_space<hbm>> -> memref<80x128xi32, #tpu.memory_space<hbm>>
      %dma_start3A_113 = arith.constant 0 : i32
      %dma_start3A_114 = arith.constant 0 : i32
      %dma_start3A_115 = tpu.memref_slice %arg3[%add3A, %dma_start3A_113, %dma_start3A_114] : memref<32x80x128xi32, #tpu.memory_space<hbm>> -> memref<1x80x128xi32, #tpu.memory_space<hbm>>
      %dma_start3A_116 = tpu.memref_squeeze %dma_start3A_115 : memref<1x80x128xi32, #tpu.memory_space<hbm>> -> memref<80x128xi32, #tpu.memory_space<hbm>>
      tpu.enqueue_dma source(%dma_start3A_116 : memref<80x128xi32, #tpu.memory_space<hbm>>) target(%arg7 : memref<80x128xi32, #tpu.memory_space<vmem>>) target_semaphore(%run_scoped3A : memref<!tpu.dma_semaphore, #tpu.memory_space<semaphore_mem>>)
      %dma_wait3A_117 = arith.constant 0 : i32
      %dma_wait3A_118 = arith.constant 0 : i32
      %dma_wait3A_119 = tpu.memref_slice %arg3[%add3A, %dma_wait3A_117, %dma_wait3A_118] : memref<32x80x128xi32, #tpu.memory_space<hbm>> -> memref<1x80x128xi32, #tpu.memory_space<hbm>>
      %dma_wait3A_120 = tpu.memref_squeeze %dma_wait3A_119 : memref<1x80x128xi32, #tpu.memory_space<hbm>> -> memref<80x128xi32, #tpu.memory_space<hbm>>
      %dma_wait3A_121 = arith.constant 0 : i32
      %dma_wait3A_122 = arith.constant 0 : i32
      %dma_wait3A_123 = tpu.memref_slice %arg3[%add3A, %dma_wait3A_121, %dma_wait3A_122] : memref<32x80x128xi32, #tpu.memory_space<hbm>> -> memref<1x80x128xi32, #tpu.memory_space<hbm>>
      %dma_wait3A_124 = tpu.memref_squeeze %dma_wait3A_123 : memref<1x80x128xi32, #tpu.memory_space<hbm>> -> memref<80x128xi32, #tpu.memory_space<hbm>>
      tpu.wait_dma2 semaphore(%run_scoped3A : memref<!tpu.dma_semaphore, #tpu.memory_space<semaphore_mem>>) src(%dma_wait3A_124 : memref<80x128xi32, #tpu.memory_space<hbm>>) dst(%arg7 : memref<80x128xi32, #tpu.memory_space<vmem>>)
      tpu.yield
    }) : () -> ()
    "tpu.region"() ({
      %run_scoped3A = tpu.sem_alloc : memref<!tpu.dma_semaphore, #tpu.memory_space<semaphore_mem>>
      %dma_start3A_109 = arith.constant 0 : i32
      %dma_start3A_110 = arith.constant 0 : i32
      %dma_start3A_111 = tpu.memref_slice %arg4[%add3A, %dma_start3A_109, %dma_start3A_110] : memref<32x80x128xi32, #tpu.memory_space<hbm>> -> memref<1x80x128xi32, #tpu.memory_space<hbm>>
      %dma_start3A_112 = tpu.memref_squeeze %dma_start3A_111 : memref<1x80x128xi32, #tpu.memory_space<hbm>> -> memref<80x128xi32, #tpu.memory_space<hbm>>
      %dma_start3A_113 = arith.constant 0 : i32
      %dma_start3A_114 = arith.constant 0 : i32
      %dma_start3A_115 = tpu.memref_slice %arg4[%add3A, %dma_start3A_113, %dma_start3A_114] : memref<32x80x128xi32, #tpu.memory_space<hbm>> -> memref<1x80x128xi32, #tpu.memory_space<hbm>>
      %dma_start3A_116 = tpu.memref_squeeze %dma_start3A_115 : memref<1x80x128xi32, #tpu.memory_space<hbm>> -> memref<80x128xi32, #tpu.memory_space<hbm>>
      tpu.enqueue_dma source(%dma_start3A_116 : memref<80x128xi32, #tpu.memory_space<hbm>>) target(%arg8 : memref<80x128xi32, #tpu.memory_space<vmem>>) target_semaphore(%run_scoped3A : memref<!tpu.dma_semaphore, #tpu.memory_space<semaphore_mem>>)
      %dma_wait3A_117 = arith.constant 0 : i32
      %dma_wait3A_118 = arith.constant 0 : i32
      %dma_wait3A_119 = tpu.memref_slice %arg4[%add3A, %dma_wait3A_117, %dma_wait3A_118] : memref<32x80x128xi32, #tpu.memory_space<hbm>> -> memref<1x80x128xi32, #tpu.memory_space<hbm>>
      %dma_wait3A_120 = tpu.memref_squeeze %dma_wait3A_119 : memref<1x80x128xi32, #tpu.memory_space<hbm>> -> memref<80x128xi32, #tpu.memory_space<hbm>>
      %dma_wait3A_121 = arith.constant 0 : i32
      %dma_wait3A_122 = arith.constant 0 : i32
      %dma_wait3A_123 = tpu.memref_slice %arg4[%add3A, %dma_wait3A_121, %dma_wait3A_122] : memref<32x80x128xi32, #tpu.memory_space<hbm>> -> memref<1x80x128xi32, #tpu.memory_space<hbm>>
      %dma_wait3A_124 = tpu.memref_squeeze %dma_wait3A_123 : memref<1x80x128xi32, #tpu.memory_space<hbm>> -> memref<80x128xi32, #tpu.memory_space<hbm>>
      tpu.wait_dma2 semaphore(%run_scoped3A : memref<!tpu.dma_semaphore, #tpu.memory_space<semaphore_mem>>) src(%dma_wait3A_124 : memref<80x128xi32, #tpu.memory_space<hbm>>) dst(%arg8 : memref<80x128xi32, #tpu.memory_space<vmem>>)
      tpu.yield
    }) : () -> ()
    %barrier3A = arith.constant 0 : index
    tpu.barrier barrier_id(%barrier3A)
    %dma_start3A = arith.constant 0 : i32
    %dma_start3A_3 = arith.constant 0 : i32
    %dma_start3A_4 = tpu.memref_slice %arg7[%dma_start3A, %dma_start3A_3] : memref<80x128xi32, #tpu.memory_space<vmem>> -> memref<1x128xi32, #tpu.memory_space<vmem>>
    %dma_start3A_5 = tpu.memref_squeeze %dma_start3A_4 : memref<1x128xi32, #tpu.memory_space<vmem>> -> memref<128xi32, #tpu.memory_space<vmem>>
    %dma_start3A_6 = arith.constant 0 : i32
    %dma_start3A_7 = arith.constant 0 : i32
    %dma_start3A_8 = tpu.memref_slice %arg2[%dma_start3A_6, %dma_start3A_7] : memref<10112x64xf32, #tpu.memory_space<hbm>> -> memref<10112x64xf32, #tpu.memory_space<hbm>>
    tpu.enqueue_indirect_dma source(%dma_start3A_8 : memref<10112x64xf32, #tpu.memory_space<hbm>>) target(%arg9 : memref<128x64xf32, #tpu.memory_space<vmem>>) offsets(%dma_start3A_5 : memref<128xi32, #tpu.memory_space<vmem>>) semaphore(%arg18 : memref<!tpu.dma_semaphore, #tpu.memory_space<semaphore_mem>>)
    %dma_start3A_9 = arith.constant 1 : i32
    %dma_start3A_10 = arith.constant 0 : i32
    %dma_start3A_11 = tpu.memref_slice %arg7[%dma_start3A_9, %dma_start3A_10] : memref<80x128xi32, #tpu.memory_space<vmem>> -> memref<1x128xi32, #tpu.memory_space<vmem>>
    %dma_start3A_12 = tpu.memref_squeeze %dma_start3A_11 : memref<1x128xi32, #tpu.memory_space<vmem>> -> memref<128xi32, #tpu.memory_space<vmem>>
    %dma_start3A_13 = arith.constant 0 : i32
    %dma_start3A_14 = arith.constant 0 : i32
    %dma_start3A_15 = tpu.memref_slice %arg2[%dma_start3A_13, %dma_start3A_14] : memref<10112x64xf32, #tpu.memory_space<hbm>> -> memref<10112x64xf32, #tpu.memory_space<hbm>>
    tpu.enqueue_indirect_dma source(%dma_start3A_15 : memref<10112x64xf32, #tpu.memory_space<hbm>>) target(%arg10 : memref<128x64xf32, #tpu.memory_space<vmem>>) offsets(%dma_start3A_12 : memref<128xi32, #tpu.memory_space<vmem>>) semaphore(%arg19 : memref<!tpu.dma_semaphore, #tpu.memory_space<semaphore_mem>>)
    %dma_start3A_16 = arith.constant 2 : i32
    %dma_start3A_17 = arith.constant 0 : i32
    %dma_start3A_18 = tpu.memref_slice %arg7[%dma_start3A_16, %dma_start3A_17] : memref<80x128xi32, #tpu.memory_space<vmem>> -> memref<1x128xi32, #tpu.memory_space<vmem>>
    %dma_start3A_19 = tpu.memref_squeeze %dma_start3A_18 : memref<1x128xi32, #tpu.memory_space<vmem>> -> memref<128xi32, #tpu.memory_space<vmem>>
    %dma_start3A_20 = arith.constant 0 : i32
    %dma_start3A_21 = arith.constant 0 : i32
    %dma_start3A_22 = tpu.memref_slice %arg2[%dma_start3A_20, %dma_start3A_21] : memref<10112x64xf32, #tpu.memory_space<hbm>> -> memref<10112x64xf32, #tpu.memory_space<hbm>>
    tpu.enqueue_indirect_dma source(%dma_start3A_22 : memref<10112x64xf32, #tpu.memory_space<hbm>>) target(%arg11 : memref<128x64xf32, #tpu.memory_space<vmem>>) offsets(%dma_start3A_19 : memref<128xi32, #tpu.memory_space<vmem>>) semaphore(%arg20 : memref<!tpu.dma_semaphore, #tpu.memory_space<semaphore_mem>>)
    %dma_start3A_23 = arith.constant 3 : i32
    %dma_start3A_24 = arith.constant 0 : i32
    %dma_start3A_25 = tpu.memref_slice %arg7[%dma_start3A_23, %dma_start3A_24] : memref<80x128xi32, #tpu.memory_space<vmem>> -> memref<1x128xi32, #tpu.memory_space<vmem>>
    %dma_start3A_26 = tpu.memref_squeeze %dma_start3A_25 : memref<1x128xi32, #tpu.memory_space<vmem>> -> memref<128xi32, #tpu.memory_space<vmem>>
    %dma_start3A_27 = arith.constant 0 : i32
    %dma_start3A_28 = arith.constant 0 : i32
    %dma_start3A_29 = tpu.memref_slice %arg2[%dma_start3A_27, %dma_start3A_28] : memref<10112x64xf32, #tpu.memory_space<hbm>> -> memref<10112x64xf32, #tpu.memory_space<hbm>>
    tpu.enqueue_indirect_dma source(%dma_start3A_29 : memref<10112x64xf32, #tpu.memory_space<hbm>>) target(%arg12 : memref<128x64xf32, #tpu.memory_space<vmem>>) offsets(%dma_start3A_26 : memref<128xi32, #tpu.memory_space<vmem>>) semaphore(%arg21 : memref<!tpu.dma_semaphore, #tpu.memory_space<semaphore_mem>>)
    %dma_start3A_30 = arith.constant 4 : i32
    %dma_start3A_31 = arith.constant 0 : i32
    %dma_start3A_32 = tpu.memref_slice %arg7[%dma_start3A_30, %dma_start3A_31] : memref<80x128xi32, #tpu.memory_space<vmem>> -> memref<1x128xi32, #tpu.memory_space<vmem>>
    %dma_start3A_33 = tpu.memref_squeeze %dma_start3A_32 : memref<1x128xi32, #tpu.memory_space<vmem>> -> memref<128xi32, #tpu.memory_space<vmem>>
    %dma_start3A_34 = arith.constant 0 : i32
    %dma_start3A_35 = arith.constant 0 : i32
    %dma_start3A_36 = tpu.memref_slice %arg2[%dma_start3A_34, %dma_start3A_35] : memref<10112x64xf32, #tpu.memory_space<hbm>> -> memref<10112x64xf32, #tpu.memory_space<hbm>>
    tpu.enqueue_indirect_dma source(%dma_start3A_36 : memref<10112x64xf32, #tpu.memory_space<hbm>>) target(%arg13 : memref<128x64xf32, #tpu.memory_space<vmem>>) offsets(%dma_start3A_33 : memref<128xi32, #tpu.memory_space<vmem>>) semaphore(%arg22 : memref<!tpu.dma_semaphore, #tpu.memory_space<semaphore_mem>>)
    %dma_start3A_37 = arith.constant 5 : i32
    %dma_start3A_38 = arith.constant 0 : i32
    %dma_start3A_39 = tpu.memref_slice %arg7[%dma_start3A_37, %dma_start3A_38] : memref<80x128xi32, #tpu.memory_space<vmem>> -> memref<1x128xi32, #tpu.memory_space<vmem>>
    %dma_start3A_40 = tpu.memref_squeeze %dma_start3A_39 : memref<1x128xi32, #tpu.memory_space<vmem>> -> memref<128xi32, #tpu.memory_space<vmem>>
    %dma_start3A_41 = arith.constant 0 : i32
    %dma_start3A_42 = arith.constant 0 : i32
    %dma_start3A_43 = tpu.memref_slice %arg2[%dma_start3A_41, %dma_start3A_42] : memref<10112x64xf32, #tpu.memory_space<hbm>> -> memref<10112x64xf32, #tpu.memory_space<hbm>>
    tpu.enqueue_indirect_dma source(%dma_start3A_43 : memref<10112x64xf32, #tpu.memory_space<hbm>>) target(%arg14 : memref<128x64xf32, #tpu.memory_space<vmem>>) offsets(%dma_start3A_40 : memref<128xi32, #tpu.memory_space<vmem>>) semaphore(%arg23 : memref<!tpu.dma_semaphore, #tpu.memory_space<semaphore_mem>>)
    %scan3A = arith.constant 0 : i32
    %scan3A_44 = arith.constant 0 : i32
    %scan3A_45 = arith.constant 10 : i32
    %scan3A_46 = arith.addi %scan3A_44, %scan3A_45 : i32
    %scan3A_47 = arith.constant 1 : i32
    scf.for %scan3A_109 = %scan3A_44 to %scan3A_46 step %scan3A_47  : i32 {
      %mul3A_110 = arith.constant 8 : i32
      %mul3A_111 = arith.muli %scan3A_109, %mul3A_110 : i32
      %add3A_112 = arith.constant 0 : i32
      %add3A_113 = arith.addi %mul3A_111, %add3A_112 : i32
      %add3A_114 = arith.constant 6 : i32
      %add3A_115 = arith.addi %add3A_113, %add3A_114 : i32
      %lt3A = arith.constant 80 : i32
      %lt3A_116 = arith.cmpi slt, %add3A_115, %lt3A : i32
      %convert_element_type3A = arith.extui %lt3A_116 : i1 to i32
      %cond3A = arith.constant 0 : i32
      %cond3A_117 = arith.cmpi ne, %convert_element_type3A, %cond3A : i32
      scf.if %cond3A_117 {
        %ge3A = arith.constant 2 : i32
        %ge3A_291 = arith.cmpi sge, %add3A_113, %ge3A : i32
        %convert_element_type3A_292 = arith.extui %ge3A_291 : i1 to i32
        %cond3A_293 = arith.constant 0 : i32
        %cond3A_294 = arith.cmpi ne, %convert_element_type3A_292, %cond3A_293 : i32
        scf.if %cond3A_294 {
          %sub3A = arith.constant 2 : i32
          %sub3A_303 = arith.subi %add3A_113, %sub3A : i32
          %dma_wait3A_304 = arith.constant 0 : i32
          %dma_wait3A_305 = tpu.memref_slice %arg8[%sub3A_303, %dma_wait3A_304] : memref<80x128xi32, #tpu.memory_space<vmem>> -> memref<1x128xi32, #tpu.memory_space<vmem>>
          %dma_wait3A_306 = tpu.memref_squeeze %dma_wait3A_305 : memref<1x128xi32, #tpu.memory_space<vmem>> -> memref<128xi32, #tpu.memory_space<vmem>>
          %dma_wait3A_307 = arith.constant 0 : i32
          %dma_wait3A_308 = arith.constant 0 : i32
          %dma_wait3A_309 = tpu.memref_slice %arg17[%dma_wait3A_307, %dma_wait3A_308] : memref<10112x64xf32, #tpu.memory_space<vmem_shared>> -> memref<10112x64xf32, #tpu.memory_space<vmem_shared>>
          tpu.wait_indirect_dma semaphore(%arg32 : memref<!tpu.dma_semaphore, #tpu.memory_space<semaphore_mem>>) src(%arg15 : memref<128x64xf32, #tpu.memory_space<vmem>>) dst(%dma_wait3A_309 : memref<10112x64xf32, #tpu.memory_space<vmem_shared>>)
        } else {
        }
        %add3A_295 = arith.constant 6 : i32
        %add3A_296 = arith.addi %add3A_113, %add3A_295 : i32
        %dma_start3A_297 = arith.constant 0 : i32
        %dma_start3A_298 = tpu.memref_slice %arg7[%add3A_296, %dma_start3A_297] : memref<80x128xi32, #tpu.memory_space<vmem>> -> memref<1x128xi32, #tpu.memory_space<vmem>>
        %dma_start3A_299 = tpu.memref_squeeze %dma_start3A_298 : memref<1x128xi32, #tpu.memory_space<vmem>> -> memref<128xi32, #tpu.memory_space<vmem>>
        %dma_start3A_300 = arith.constant 0 : i32
        %dma_start3A_301 = arith.constant 0 : i32
        %dma_start3A_302 = tpu.memref_slice %arg2[%dma_start3A_300, %dma_start3A_301] : memref<10112x64xf32, #tpu.memory_space<hbm>> -> memref<10112x64xf32, #tpu.memory_space<hbm>>
        tpu.enqueue_indirect_dma source(%dma_start3A_302 : memref<10112x64xf32, #tpu.memory_space<hbm>>) target(%arg15 : memref<128x64xf32, #tpu.memory_space<vmem>>) offsets(%dma_start3A_299 : memref<128xi32, #tpu.memory_space<vmem>>) semaphore(%arg24 : memref<!tpu.dma_semaphore, #tpu.memory_space<semaphore_mem>>)
      } else {
      }
      %dma_wait3A_118 = arith.constant 0 : i32
      %dma_wait3A_119 = tpu.memref_slice %arg7[%add3A_113, %dma_wait3A_118] : memref<80x128xi32, #tpu.memory_space<vmem>> -> memref<1x128xi32, #tpu.memory_space<vmem>>
      %dma_wait3A_120 = tpu.memref_squeeze %dma_wait3A_119 : memref<1x128xi32, #tpu.memory_space<vmem>> -> memref<128xi32, #tpu.memory_space<vmem>>
      %dma_wait3A_121 = arith.constant 0 : i32
      %dma_wait3A_122 = arith.constant 0 : i32
      %dma_wait3A_123 = tpu.memref_slice %arg2[%dma_wait3A_121, %dma_wait3A_122] : memref<10112x64xf32, #tpu.memory_space<hbm>> -> memref<10112x64xf32, #tpu.memory_space<hbm>>
      tpu.wait_indirect_dma semaphore(%arg18 : memref<!tpu.dma_semaphore, #tpu.memory_space<semaphore_mem>>) src(%dma_wait3A_123 : memref<10112x64xf32, #tpu.memory_space<hbm>>) dst(%arg9 : memref<128x64xf32, #tpu.memory_space<vmem>>)
      %dma_start3A_124 = arith.constant 0 : i32
      %dma_start3A_125 = tpu.memref_slice %arg8[%add3A_113, %dma_start3A_124] : memref<80x128xi32, #tpu.memory_space<vmem>> -> memref<1x128xi32, #tpu.memory_space<vmem>>
      %dma_start3A_126 = tpu.memref_squeeze %dma_start3A_125 : memref<1x128xi32, #tpu.memory_space<vmem>> -> memref<128xi32, #tpu.memory_space<vmem>>
      %dma_start3A_127 = arith.constant 0 : i32
      %dma_start3A_128 = arith.constant 0 : i32
      %dma_start3A_129 = tpu.memref_slice %arg17[%dma_start3A_127, %dma_start3A_128] : memref<10112x64xf32, #tpu.memory_space<vmem_shared>> -> memref<10112x64xf32, #tpu.memory_space<vmem_shared>>
      tpu.enqueue_indirect_dma source(%arg9 : memref<128x64xf32, #tpu.memory_space<vmem>>) target(%dma_start3A_129 : memref<10112x64xf32, #tpu.memory_space<vmem_shared>>) offsets(%dma_start3A_126 : memref<128xi32, #tpu.memory_space<vmem>>) semaphore(%arg26 : memref<!tpu.dma_semaphore, #tpu.memory_space<semaphore_mem>>) {add = true}
      %mul3A_130 = arith.constant 8 : i32
      %mul3A_131 = arith.muli %scan3A_109, %mul3A_130 : i32
      %add3A_132 = arith.constant 1 : i32
      %add3A_133 = arith.addi %mul3A_131, %add3A_132 : i32
      %add3A_134 = arith.constant 6 : i32
      %add3A_135 = arith.addi %add3A_133, %add3A_134 : i32
      %lt3A_136 = arith.constant 80 : i32
      %lt3A_137 = arith.cmpi slt, %add3A_135, %lt3A_136 : i32
      %convert_element_type3A_138 = arith.extui %lt3A_137 : i1 to i32
      %cond3A_139 = arith.constant 0 : i32
      %cond3A_140 = arith.cmpi ne, %convert_element_type3A_138, %cond3A_139 : i32
      scf.if %cond3A_140 {
        %ge3A = arith.constant 2 : i32
        %ge3A_291 = arith.cmpi sge, %add3A_133, %ge3A : i32
        %convert_element_type3A_292 = arith.extui %ge3A_291 : i1 to i32
        %cond3A_293 = arith.constant 0 : i32
        %cond3A_294 = arith.cmpi ne, %convert_element_type3A_292, %cond3A_293 : i32
        scf.if %cond3A_294 {
          %sub3A = arith.constant 2 : i32
          %sub3A_303 = arith.subi %add3A_133, %sub3A : i32
          %dma_wait3A_304 = arith.constant 0 : i32
          %dma_wait3A_305 = tpu.memref_slice %arg8[%sub3A_303, %dma_wait3A_304] : memref<80x128xi32, #tpu.memory_space<vmem>> -> memref<1x128xi32, #tpu.memory_space<vmem>>
          %dma_wait3A_306 = tpu.memref_squeeze %dma_wait3A_305 : memref<1x128xi32, #tpu.memory_space<vmem>> -> memref<128xi32, #tpu.memory_space<vmem>>
          %dma_wait3A_307 = arith.constant 0 : i32
          %dma_wait3A_308 = arith.constant 0 : i32
          %dma_wait3A_309 = tpu.memref_slice %arg17[%dma_wait3A_307, %dma_wait3A_308] : memref<10112x64xf32, #tpu.memory_space<vmem_shared>> -> memref<10112x64xf32, #tpu.memory_space<vmem_shared>>
          tpu.wait_indirect_dma semaphore(%arg33 : memref<!tpu.dma_semaphore, #tpu.memory_space<semaphore_mem>>) src(%arg16 : memref<128x64xf32, #tpu.memory_space<vmem>>) dst(%dma_wait3A_309 : memref<10112x64xf32, #tpu.memory_space<vmem_shared>>)
        } else {
        }
        %add3A_295 = arith.constant 6 : i32
        %add3A_296 = arith.addi %add3A_133, %add3A_295 : i32
        %dma_start3A_297 = arith.constant 0 : i32
        %dma_start3A_298 = tpu.memref_slice %arg7[%add3A_296, %dma_start3A_297] : memref<80x128xi32, #tpu.memory_space<vmem>> -> memref<1x128xi32, #tpu.memory_space<vmem>>
        %dma_start3A_299 = tpu.memref_squeeze %dma_start3A_298 : memref<1x128xi32, #tpu.memory_space<vmem>> -> memref<128xi32, #tpu.memory_space<vmem>>
        %dma_start3A_300 = arith.constant 0 : i32
        %dma_start3A_301 = arith.constant 0 : i32
        %dma_start3A_302 = tpu.memref_slice %arg2[%dma_start3A_300, %dma_start3A_301] : memref<10112x64xf32, #tpu.memory_space<hbm>> -> memref<10112x64xf32, #tpu.memory_space<hbm>>
        tpu.enqueue_indirect_dma source(%dma_start3A_302 : memref<10112x64xf32, #tpu.memory_space<hbm>>) target(%arg16 : memref<128x64xf32, #tpu.memory_space<vmem>>) offsets(%dma_start3A_299 : memref<128xi32, #tpu.memory_space<vmem>>) semaphore(%arg25 : memref<!tpu.dma_semaphore, #tpu.memory_space<semaphore_mem>>)
      } else {
      }
      %dma_wait3A_141 = arith.constant 0 : i32
      %dma_wait3A_142 = tpu.memref_slice %arg7[%add3A_133, %dma_wait3A_141] : memref<80x128xi32, #tpu.memory_space<vmem>> -> memref<1x128xi32, #tpu.memory_space<vmem>>
      %dma_wait3A_143 = tpu.memref_squeeze %dma_wait3A_142 : memref<1x128xi32, #tpu.memory_space<vmem>> -> memref<128xi32, #tpu.memory_space<vmem>>
      %dma_wait3A_144 = arith.constant 0 : i32
      %dma_wait3A_145 = arith.constant 0 : i32
      %dma_wait3A_146 = tpu.memref_slice %arg2[%dma_wait3A_144, %dma_wait3A_145] : memref<10112x64xf32, #tpu.memory_space<hbm>> -> memref<10112x64xf32, #tpu.memory_space<hbm>>
      tpu.wait_indirect_dma semaphore(%arg19 : memref<!tpu.dma_semaphore, #tpu.memory_space<semaphore_mem>>) src(%dma_wait3A_146 : memref<10112x64xf32, #tpu.memory_space<hbm>>) dst(%arg10 : memref<128x64xf32, #tpu.memory_space<vmem>>)
      %dma_start3A_147 = arith.constant 0 : i32
      %dma_start3A_148 = tpu.memref_slice %arg8[%add3A_133, %dma_start3A_147] : memref<80x128xi32, #tpu.memory_space<vmem>> -> memref<1x128xi32, #tpu.memory_space<vmem>>
      %dma_start3A_149 = tpu.memref_squeeze %dma_start3A_148 : memref<1x128xi32, #tpu.memory_space<vmem>> -> memref<128xi32, #tpu.memory_space<vmem>>
      %dma_start3A_150 = arith.constant 0 : i32
      %dma_start3A_151 = arith.constant 0 : i32
      %dma_start3A_152 = tpu.memref_slice %arg17[%dma_start3A_150, %dma_start3A_151] : memref<10112x64xf32, #tpu.memory_space<vmem_shared>> -> memref<10112x64xf32, #tpu.memory_space<vmem_shared>>
      tpu.enqueue_indirect_dma source(%arg10 : memref<128x64xf32, #tpu.memory_space<vmem>>) target(%dma_start3A_152 : memref<10112x64xf32, #tpu.memory_space<vmem_shared>>) offsets(%dma_start3A_149 : memref<128xi32, #tpu.memory_space<vmem>>) semaphore(%arg27 : memref<!tpu.dma_semaphore, #tpu.memory_space<semaphore_mem>>) {add = true}
      %mul3A_153 = arith.constant 8 : i32
      %mul3A_154 = arith.muli %scan3A_109, %mul3A_153 : i32
      %add3A_155 = arith.constant 2 : i32
      %add3A_156 = arith.addi %mul3A_154, %add3A_155 : i32
      %add3A_157 = arith.constant 6 : i32
      %add3A_158 = arith.addi %add3A_156, %add3A_157 : i32
      %lt3A_159 = arith.constant 80 : i32
      %lt3A_160 = arith.cmpi slt, %add3A_158, %lt3A_159 : i32
      %convert_element_type3A_161 = arith.extui %lt3A_160 : i1 to i32
      %cond3A_162 = arith.constant 0 : i32
      %cond3A_163 = arith.cmpi ne, %convert_element_type3A_161, %cond3A_162 : i32
      scf.if %cond3A_163 {
        %ge3A = arith.constant 2 : i32
        %ge3A_291 = arith.cmpi sge, %add3A_156, %ge3A : i32
        %convert_element_type3A_292 = arith.extui %ge3A_291 : i1 to i32
        %cond3A_293 = arith.constant 0 : i32
        %cond3A_294 = arith.cmpi ne, %convert_element_type3A_292, %cond3A_293 : i32
        scf.if %cond3A_294 {
          %sub3A = arith.constant 2 : i32
          %sub3A_303 = arith.subi %add3A_156, %sub3A : i32
          %dma_wait3A_304 = arith.constant 0 : i32
          %dma_wait3A_305 = tpu.memref_slice %arg8[%sub3A_303, %dma_wait3A_304] : memref<80x128xi32, #tpu.memory_space<vmem>> -> memref<1x128xi32, #tpu.memory_space<vmem>>
          %dma_wait3A_306 = tpu.memref_squeeze %dma_wait3A_305 : memref<1x128xi32, #tpu.memory_space<vmem>> -> memref<128xi32, #tpu.memory_space<vmem>>
          %dma_wait3A_307 = arith.constant 0 : i32
          %dma_wait3A_308 = arith.constant 0 : i32
          %dma_wait3A_309 = tpu.memref_slice %arg17[%dma_wait3A_307, %dma_wait3A_308] : memref<10112x64xf32, #tpu.memory_space<vmem_shared>> -> memref<10112x64xf32, #tpu.memory_space<vmem_shared>>
          tpu.wait_indirect_dma semaphore(%arg26 : memref<!tpu.dma_semaphore, #tpu.memory_space<semaphore_mem>>) src(%arg9 : memref<128x64xf32, #tpu.memory_space<vmem>>) dst(%dma_wait3A_309 : memref<10112x64xf32, #tpu.memory_space<vmem_shared>>)
        } else {
        }
        %add3A_295 = arith.constant 6 : i32
        %add3A_296 = arith.addi %add3A_156, %add3A_295 : i32
        %dma_start3A_297 = arith.constant 0 : i32
        %dma_start3A_298 = tpu.memref_slice %arg7[%add3A_296, %dma_start3A_297] : memref<80x128xi32, #tpu.memory_space<vmem>> -> memref<1x128xi32, #tpu.memory_space<vmem>>
        %dma_start3A_299 = tpu.memref_squeeze %dma_start3A_298 : memref<1x128xi32, #tpu.memory_space<vmem>> -> memref<128xi32, #tpu.memory_space<vmem>>
        %dma_start3A_300 = arith.constant 0 : i32
        %dma_start3A_301 = arith.constant 0 : i32
        %dma_start3A_302 = tpu.memref_slice %arg2[%dma_start3A_300, %dma_start3A_301] : memref<10112x64xf32, #tpu.memory_space<hbm>> -> memref<10112x64xf32, #tpu.memory_space<hbm>>
        tpu.enqueue_indirect_dma source(%dma_start3A_302 : memref<10112x64xf32, #tpu.memory_space<hbm>>) target(%arg9 : memref<128x64xf32, #tpu.memory_space<vmem>>) offsets(%dma_start3A_299 : memref<128xi32, #tpu.memory_space<vmem>>) semaphore(%arg18 : memref<!tpu.dma_semaphore, #tpu.memory_space<semaphore_mem>>)
      } else {
      }
      %dma_wait3A_164 = arith.constant 0 : i32
      %dma_wait3A_165 = tpu.memref_slice %arg7[%add3A_156, %dma_wait3A_164] : memref<80x128xi32, #tpu.memory_space<vmem>> -> memref<1x128xi32, #tpu.memory_space<vmem>>
      %dma_wait3A_166 = tpu.memref_squeeze %dma_wait3A_165 : memref<1x128xi32, #tpu.memory_space<vmem>> -> memref<128xi32, #tpu.memory_space<vmem>>
      %dma_wait3A_167 = arith.constant 0 : i32
      %dma_wait3A_168 = arith.constant 0 : i32
      %dma_wait3A_169 = tpu.memref_slice %arg2[%dma_wait3A_167, %dma_wait3A_168] : memref<10112x64xf32, #tpu.memory_space<hbm>> -> memref<10112x64xf32, #tpu.memory_space<hbm>>
      tpu.wait_indirect_dma semaphore(%arg20 : memref<!tpu.dma_semaphore, #tpu.memory_space<semaphore_mem>>) src(%dma_wait3A_169 : memref<10112x64xf32, #tpu.memory_space<hbm>>) dst(%arg11 : memref<128x64xf32, #tpu.memory_space<vmem>>)
      %dma_start3A_170 = arith.constant 0 : i32
      %dma_start3A_171 = tpu.memref_slice %arg8[%add3A_156, %dma_start3A_170] : memref<80x128xi32, #tpu.memory_space<vmem>> -> memref<1x128xi32, #tpu.memory_space<vmem>>
      %dma_start3A_172 = tpu.memref_squeeze %dma_start3A_171 : memref<1x128xi32, #tpu.memory_space<vmem>> -> memref<128xi32, #tpu.memory_space<vmem>>
      %dma_start3A_173 = arith.constant 0 : i32
      %dma_start3A_174 = arith.constant 0 : i32
      %dma_start3A_175 = tpu.memref_slice %arg17[%dma_start3A_173, %dma_start3A_174] : memref<10112x64xf32, #tpu.memory_space<vmem_shared>> -> memref<10112x64xf32, #tpu.memory_space<vmem_shared>>
      tpu.enqueue_indirect_dma source(%arg11 : memref<128x64xf32, #tpu.memory_space<vmem>>) target(%dma_start3A_175 : memref<10112x64xf32, #tpu.memory_space<vmem_shared>>) offsets(%dma_start3A_172 : memref<128xi32, #tpu.memory_space<vmem>>) semaphore(%arg28 : memref<!tpu.dma_semaphore, #tpu.memory_space<semaphore_mem>>) {add = true}
      %mul3A_176 = arith.constant 8 : i32
      %mul3A_177 = arith.muli %scan3A_109, %mul3A_176 : i32
      %add3A_178 = arith.constant 3 : i32
      %add3A_179 = arith.addi %mul3A_177, %add3A_178 : i32
      %add3A_180 = arith.constant 6 : i32
      %add3A_181 = arith.addi %add3A_179, %add3A_180 : i32
      %lt3A_182 = arith.constant 80 : i32
      %lt3A_183 = arith.cmpi slt, %add3A_181, %lt3A_182 : i32
      %convert_element_type3A_184 = arith.extui %lt3A_183 : i1 to i32
      %cond3A_185 = arith.constant 0 : i32
      %cond3A_186 = arith.cmpi ne, %convert_element_type3A_184, %cond3A_185 : i32
      scf.if %cond3A_186 {
        %ge3A = arith.constant 2 : i32
        %ge3A_291 = arith.cmpi sge, %add3A_179, %ge3A : i32
        %convert_element_type3A_292 = arith.extui %ge3A_291 : i1 to i32
        %cond3A_293 = arith.constant 0 : i32
        %cond3A_294 = arith.cmpi ne, %convert_element_type3A_292, %cond3A_293 : i32
        scf.if %cond3A_294 {
          %sub3A = arith.constant 2 : i32
          %sub3A_303 = arith.subi %add3A_179, %sub3A : i32
          %dma_wait3A_304 = arith.constant 0 : i32
          %dma_wait3A_305 = tpu.memref_slice %arg8[%sub3A_303, %dma_wait3A_304] : memref<80x128xi32, #tpu.memory_space<vmem>> -> memref<1x128xi32, #tpu.memory_space<vmem>>
          %dma_wait3A_306 = tpu.memref_squeeze %dma_wait3A_305 : memref<1x128xi32, #tpu.memory_space<vmem>> -> memref<128xi32, #tpu.memory_space<vmem>>
          %dma_wait3A_307 = arith.constant 0 : i32
          %dma_wait3A_308 = arith.constant 0 : i32
          %dma_wait3A_309 = tpu.memref_slice %arg17[%dma_wait3A_307, %dma_wait3A_308] : memref<10112x64xf32, #tpu.memory_space<vmem_shared>> -> memref<10112x64xf32, #tpu.memory_space<vmem_shared>>
          tpu.wait_indirect_dma semaphore(%arg27 : memref<!tpu.dma_semaphore, #tpu.memory_space<semaphore_mem>>) src(%arg10 : memref<128x64xf32, #tpu.memory_space<vmem>>) dst(%dma_wait3A_309 : memref<10112x64xf32, #tpu.memory_space<vmem_shared>>)
        } else {
        }
        %add3A_295 = arith.constant 6 : i32
        %add3A_296 = arith.addi %add3A_179, %add3A_295 : i32
        %dma_start3A_297 = arith.constant 0 : i32
        %dma_start3A_298 = tpu.memref_slice %arg7[%add3A_296, %dma_start3A_297] : memref<80x128xi32, #tpu.memory_space<vmem>> -> memref<1x128xi32, #tpu.memory_space<vmem>>
        %dma_start3A_299 = tpu.memref_squeeze %dma_start3A_298 : memref<1x128xi32, #tpu.memory_space<vmem>> -> memref<128xi32, #tpu.memory_space<vmem>>
        %dma_start3A_300 = arith.constant 0 : i32
        %dma_start3A_301 = arith.constant 0 : i32
        %dma_start3A_302 = tpu.memref_slice %arg2[%dma_start3A_300, %dma_start3A_301] : memref<10112x64xf32, #tpu.memory_space<hbm>> -> memref<10112x64xf32, #tpu.memory_space<hbm>>
        tpu.enqueue_indirect_dma source(%dma_start3A_302 : memref<10112x64xf32, #tpu.memory_space<hbm>>) target(%arg10 : memref<128x64xf32, #tpu.memory_space<vmem>>) offsets(%dma_start3A_299 : memref<128xi32, #tpu.memory_space<vmem>>) semaphore(%arg19 : memref<!tpu.dma_semaphore, #tpu.memory_space<semaphore_mem>>)
      } else {
      }
      %dma_wait3A_187 = arith.constant 0 : i32
      %dma_wait3A_188 = tpu.memref_slice %arg7[%add3A_179, %dma_wait3A_187] : memref<80x128xi32, #tpu.memory_space<vmem>> -> memref<1x128xi32, #tpu.memory_space<vmem>>
      %dma_wait3A_189 = tpu.memref_squeeze %dma_wait3A_188 : memref<1x128xi32, #tpu.memory_space<vmem>> -> memref<128xi32, #tpu.memory_space<vmem>>
      %dma_wait3A_190 = arith.constant 0 : i32
      %dma_wait3A_191 = arith.constant 0 : i32
      %dma_wait3A_192 = tpu.memref_slice %arg2[%dma_wait3A_190, %dma_wait3A_191] : memref<10112x64xf32, #tpu.memory_space<hbm>> -> memref<10112x64xf32, #tpu.memory_space<hbm>>
      tpu.wait_indirect_dma semaphore(%arg21 : memref<!tpu.dma_semaphore, #tpu.memory_space<semaphore_mem>>) src(%dma_wait3A_192 : memref<10112x64xf32, #tpu.memory_space<hbm>>) dst(%arg12 : memref<128x64xf32, #tpu.memory_space<vmem>>)
      %dma_start3A_193 = arith.constant 0 : i32
      %dma_start3A_194 = tpu.memref_slice %arg8[%add3A_179, %dma_start3A_193] : memref<80x128xi32, #tpu.memory_space<vmem>> -> memref<1x128xi32, #tpu.memory_space<vmem>>
      %dma_start3A_195 = tpu.memref_squeeze %dma_start3A_194 : memref<1x128xi32, #tpu.memory_space<vmem>> -> memref<128xi32, #tpu.memory_space<vmem>>
      %dma_start3A_196 = arith.constant 0 : i32
      %dma_start3A_197 = arith.constant 0 : i32
      %dma_start3A_198 = tpu.memref_slice %arg17[%dma_start3A_196, %dma_start3A_197] : memref<10112x64xf32, #tpu.memory_space<vmem_shared>> -> memref<10112x64xf32, #tpu.memory_space<vmem_shared>>
      tpu.enqueue_indirect_dma source(%arg12 : memref<128x64xf32, #tpu.memory_space<vmem>>) target(%dma_start3A_198 : memref<10112x64xf32, #tpu.memory_space<vmem_shared>>) offsets(%dma_start3A_195 : memref<128xi32, #tpu.memory_space<vmem>>) semaphore(%arg29 : memref<!tpu.dma_semaphore, #tpu.memory_space<semaphore_mem>>) {add = true}
      %mul3A_199 = arith.constant 8 : i32
      %mul3A_200 = arith.muli %scan3A_109, %mul3A_199 : i32
      %add3A_201 = arith.constant 4 : i32
      %add3A_202 = arith.addi %mul3A_200, %add3A_201 : i32
      %add3A_203 = arith.constant 6 : i32
      %add3A_204 = arith.addi %add3A_202, %add3A_203 : i32
      %lt3A_205 = arith.constant 80 : i32
      %lt3A_206 = arith.cmpi slt, %add3A_204, %lt3A_205 : i32
      %convert_element_type3A_207 = arith.extui %lt3A_206 : i1 to i32
      %cond3A_208 = arith.constant 0 : i32
      %cond3A_209 = arith.cmpi ne, %convert_element_type3A_207, %cond3A_208 : i32
      scf.if %cond3A_209 {
        %ge3A = arith.constant 2 : i32
        %ge3A_291 = arith.cmpi sge, %add3A_202, %ge3A : i32
        %convert_element_type3A_292 = arith.extui %ge3A_291 : i1 to i32
        %cond3A_293 = arith.constant 0 : i32
        %cond3A_294 = arith.cmpi ne, %convert_element_type3A_292, %cond3A_293 : i32
        scf.if %cond3A_294 {
          %sub3A = arith.constant 2 : i32
          %sub3A_303 = arith.subi %add3A_202, %sub3A : i32
          %dma_wait3A_304 = arith.constant 0 : i32
          %dma_wait3A_305 = tpu.memref_slice %arg8[%sub3A_303, %dma_wait3A_304] : memref<80x128xi32, #tpu.memory_space<vmem>> -> memref<1x128xi32, #tpu.memory_space<vmem>>
          %dma_wait3A_306 = tpu.memref_squeeze %dma_wait3A_305 : memref<1x128xi32, #tpu.memory_space<vmem>> -> memref<128xi32, #tpu.memory_space<vmem>>
          %dma_wait3A_307 = arith.constant 0 : i32
          %dma_wait3A_308 = arith.constant 0 : i32
          %dma_wait3A_309 = tpu.memref_slice %arg17[%dma_wait3A_307, %dma_wait3A_308] : memref<10112x64xf32, #tpu.memory_space<vmem_shared>> -> memref<10112x64xf32, #tpu.memory_space<vmem_shared>>
          tpu.wait_indirect_dma semaphore(%arg28 : memref<!tpu.dma_semaphore, #tpu.memory_space<semaphore_mem>>) src(%arg11 : memref<128x64xf32, #tpu.memory_space<vmem>>) dst(%dma_wait3A_309 : memref<10112x64xf32, #tpu.memory_space<vmem_shared>>)
        } else {
        }
        %add3A_295 = arith.constant 6 : i32
        %add3A_296 = arith.addi %add3A_202, %add3A_295 : i32
        %dma_start3A_297 = arith.constant 0 : i32
        %dma_start3A_298 = tpu.memref_slice %arg7[%add3A_296, %dma_start3A_297] : memref<80x128xi32, #tpu.memory_space<vmem>> -> memref<1x128xi32, #tpu.memory_space<vmem>>
        %dma_start3A_299 = tpu.memref_squeeze %dma_start3A_298 : memref<1x128xi32, #tpu.memory_space<vmem>> -> memref<128xi32, #tpu.memory_space<vmem>>
        %dma_start3A_300 = arith.constant 0 : i32
        %dma_start3A_301 = arith.constant 0 : i32
        %dma_start3A_302 = tpu.memref_slice %arg2[%dma_start3A_300, %dma_start3A_301] : memref<10112x64xf32, #tpu.memory_space<hbm>> -> memref<10112x64xf32, #tpu.memory_space<hbm>>
        tpu.enqueue_indirect_dma source(%dma_start3A_302 : memref<10112x64xf32, #tpu.memory_space<hbm>>) target(%arg11 : memref<128x64xf32, #tpu.memory_space<vmem>>) offsets(%dma_start3A_299 : memref<128xi32, #tpu.memory_space<vmem>>) semaphore(%arg20 : memref<!tpu.dma_semaphore, #tpu.memory_space<semaphore_mem>>)
      } else {
      }
      %dma_wait3A_210 = arith.constant 0 : i32
      %dma_wait3A_211 = tpu.memref_slice %arg7[%add3A_202, %dma_wait3A_210] : memref<80x128xi32, #tpu.memory_space<vmem>> -> memref<1x128xi32, #tpu.memory_space<vmem>>
      %dma_wait3A_212 = tpu.memref_squeeze %dma_wait3A_211 : memref<1x128xi32, #tpu.memory_space<vmem>> -> memref<128xi32, #tpu.memory_space<vmem>>
      %dma_wait3A_213 = arith.constant 0 : i32
      %dma_wait3A_214 = arith.constant 0 : i32
      %dma_wait3A_215 = tpu.memref_slice %arg2[%dma_wait3A_213, %dma_wait3A_214] : memref<10112x64xf32, #tpu.memory_space<hbm>> -> memref<10112x64xf32, #tpu.memory_space<hbm>>
      tpu.wait_indirect_dma semaphore(%arg22 : memref<!tpu.dma_semaphore, #tpu.memory_space<semaphore_mem>>) src(%dma_wait3A_215 : memref<10112x64xf32, #tpu.memory_space<hbm>>) dst(%arg13 : memref<128x64xf32, #tpu.memory_space<vmem>>)
      %dma_start3A_216 = arith.constant 0 : i32
      %dma_start3A_217 = tpu.memref_slice %arg8[%add3A_202, %dma_start3A_216] : memref<80x128xi32, #tpu.memory_space<vmem>> -> memref<1x128xi32, #tpu.memory_space<vmem>>
      %dma_start3A_218 = tpu.memref_squeeze %dma_start3A_217 : memref<1x128xi32, #tpu.memory_space<vmem>> -> memref<128xi32, #tpu.memory_space<vmem>>
      %dma_start3A_219 = arith.constant 0 : i32
      %dma_start3A_220 = arith.constant 0 : i32
      %dma_start3A_221 = tpu.memref_slice %arg17[%dma_start3A_219, %dma_start3A_220] : memref<10112x64xf32, #tpu.memory_space<vmem_shared>> -> memref<10112x64xf32, #tpu.memory_space<vmem_shared>>
      tpu.enqueue_indirect_dma source(%arg13 : memref<128x64xf32, #tpu.memory_space<vmem>>) target(%dma_start3A_221 : memref<10112x64xf32, #tpu.memory_space<vmem_shared>>) offsets(%dma_start3A_218 : memref<128xi32, #tpu.memory_space<vmem>>) semaphore(%arg30 : memref<!tpu.dma_semaphore, #tpu.memory_space<semaphore_mem>>) {add = true}
      %mul3A_222 = arith.constant 8 : i32
      %mul3A_223 = arith.muli %scan3A_109, %mul3A_222 : i32
      %add3A_224 = arith.constant 5 : i32
      %add3A_225 = arith.addi %mul3A_223, %add3A_224 : i32
      %add3A_226 = arith.constant 6 : i32
      %add3A_227 = arith.addi %add3A_225, %add3A_226 : i32
      %lt3A_228 = arith.constant 80 : i32
      %lt3A_229 = arith.cmpi slt, %add3A_227, %lt3A_228 : i32
      %convert_element_type3A_230 = arith.extui %lt3A_229 : i1 to i32
      %cond3A_231 = arith.constant 0 : i32
      %cond3A_232 = arith.cmpi ne, %convert_element_type3A_230, %cond3A_231 : i32
      scf.if %cond3A_232 {
        %ge3A = arith.constant 2 : i32
        %ge3A_291 = arith.cmpi sge, %add3A_225, %ge3A : i32
        %convert_element_type3A_292 = arith.extui %ge3A_291 : i1 to i32
        %cond3A_293 = arith.constant 0 : i32
        %cond3A_294 = arith.cmpi ne, %convert_element_type3A_292, %cond3A_293 : i32
        scf.if %cond3A_294 {
          %sub3A = arith.constant 2 : i32
          %sub3A_303 = arith.subi %add3A_225, %sub3A : i32
          %dma_wait3A_304 = arith.constant 0 : i32
          %dma_wait3A_305 = tpu.memref_slice %arg8[%sub3A_303, %dma_wait3A_304] : memref<80x128xi32, #tpu.memory_space<vmem>> -> memref<1x128xi32, #tpu.memory_space<vmem>>
          %dma_wait3A_306 = tpu.memref_squeeze %dma_wait3A_305 : memref<1x128xi32, #tpu.memory_space<vmem>> -> memref<128xi32, #tpu.memory_space<vmem>>
          %dma_wait3A_307 = arith.constant 0 : i32
          %dma_wait3A_308 = arith.constant 0 : i32
          %dma_wait3A_309 = tpu.memref_slice %arg17[%dma_wait3A_307, %dma_wait3A_308] : memref<10112x64xf32, #tpu.memory_space<vmem_shared>> -> memref<10112x64xf32, #tpu.memory_space<vmem_shared>>
          tpu.wait_indirect_dma semaphore(%arg29 : memref<!tpu.dma_semaphore, #tpu.memory_space<semaphore_mem>>) src(%arg12 : memref<128x64xf32, #tpu.memory_space<vmem>>) dst(%dma_wait3A_309 : memref<10112x64xf32, #tpu.memory_space<vmem_shared>>)
        } else {
        }
        %add3A_295 = arith.constant 6 : i32
        %add3A_296 = arith.addi %add3A_225, %add3A_295 : i32
        %dma_start3A_297 = arith.constant 0 : i32
        %dma_start3A_298 = tpu.memref_slice %arg7[%add3A_296, %dma_start3A_297] : memref<80x128xi32, #tpu.memory_space<vmem>> -> memref<1x128xi32, #tpu.memory_space<vmem>>
        %dma_start3A_299 = tpu.memref_squeeze %dma_start3A_298 : memref<1x128xi32, #tpu.memory_space<vmem>> -> memref<128xi32, #tpu.memory_space<vmem>>
        %dma_start3A_300 = arith.constant 0 : i32
        %dma_start3A_301 = arith.constant 0 : i32
        %dma_start3A_302 = tpu.memref_slice %arg2[%dma_start3A_300, %dma_start3A_301] : memref<10112x64xf32, #tpu.memory_space<hbm>> -> memref<10112x64xf32, #tpu.memory_space<hbm>>
        tpu.enqueue_indirect_dma source(%dma_start3A_302 : memref<10112x64xf32, #tpu.memory_space<hbm>>) target(%arg12 : memref<128x64xf32, #tpu.memory_space<vmem>>) offsets(%dma_start3A_299 : memref<128xi32, #tpu.memory_space<vmem>>) semaphore(%arg21 : memref<!tpu.dma_semaphore, #tpu.memory_space<semaphore_mem>>)
      } else {
      }
      %dma_wait3A_233 = arith.constant 0 : i32
      %dma_wait3A_234 = tpu.memref_slice %arg7[%add3A_225, %dma_wait3A_233] : memref<80x128xi32, #tpu.memory_space<vmem>> -> memref<1x128xi32, #tpu.memory_space<vmem>>
      %dma_wait3A_235 = tpu.memref_squeeze %dma_wait3A_234 : memref<1x128xi32, #tpu.memory_space<vmem>> -> memref<128xi32, #tpu.memory_space<vmem>>
      %dma_wait3A_236 = arith.constant 0 : i32
      %dma_wait3A_237 = arith.constant 0 : i32
      %dma_wait3A_238 = tpu.memref_slice %arg2[%dma_wait3A_236, %dma_wait3A_237] : memref<10112x64xf32, #tpu.memory_space<hbm>> -> memref<10112x64xf32, #tpu.memory_space<hbm>>
      tpu.wait_indirect_dma semaphore(%arg23 : memref<!tpu.dma_semaphore, #tpu.memory_space<semaphore_mem>>) src(%dma_wait3A_238 : memref<10112x64xf32, #tpu.memory_space<hbm>>) dst(%arg14 : memref<128x64xf32, #tpu.memory_space<vmem>>)
      %dma_start3A_239 = arith.constant 0 : i32
      %dma_start3A_240 = tpu.memref_slice %arg8[%add3A_225, %dma_start3A_239] : memref<80x128xi32, #tpu.memory_space<vmem>> -> memref<1x128xi32, #tpu.memory_space<vmem>>
      %dma_start3A_241 = tpu.memref_squeeze %dma_start3A_240 : memref<1x128xi32, #tpu.memory_space<vmem>> -> memref<128xi32, #tpu.memory_space<vmem>>
      %dma_start3A_242 = arith.constant 0 : i32
      %dma_start3A_243 = arith.constant 0 : i32
      %dma_start3A_244 = tpu.memref_slice %arg17[%dma_start3A_242, %dma_start3A_243] : memref<10112x64xf32, #tpu.memory_space<vmem_shared>> -> memref<10112x64xf32, #tpu.memory_space<vmem_shared>>
      tpu.enqueue_indirect_dma source(%arg14 : memref<128x64xf32, #tpu.memory_space<vmem>>) target(%dma_start3A_244 : memref<10112x64xf32, #tpu.memory_space<vmem_shared>>) offsets(%dma_start3A_241 : memref<128xi32, #tpu.memory_space<vmem>>) semaphore(%arg31 : memref<!tpu.dma_semaphore, #tpu.memory_space<semaphore_mem>>) {add = true}
      %mul3A_245 = arith.constant 8 : i32
      %mul3A_246 = arith.muli %scan3A_109, %mul3A_245 : i32
      %add3A_247 = arith.constant 6 : i32
      %add3A_248 = arith.addi %mul3A_246, %add3A_247 : i32
      %add3A_249 = arith.constant 6 : i32
      %add3A_250 = arith.addi %add3A_248, %add3A_249 : i32
      %lt3A_251 = arith.constant 80 : i32
      %lt3A_252 = arith.cmpi slt, %add3A_250, %lt3A_251 : i32
      %convert_element_type3A_253 = arith.extui %lt3A_252 : i1 to i32
      %cond3A_254 = arith.constant 0 : i32
      %cond3A_255 = arith.cmpi ne, %convert_element_type3A_253, %cond3A_254 : i32
      scf.if %cond3A_255 {
        %ge3A = arith.constant 2 : i32
        %ge3A_291 = arith.cmpi sge, %add3A_248, %ge3A : i32
        %convert_element_type3A_292 = arith.extui %ge3A_291 : i1 to i32
        %cond3A_293 = arith.constant 0 : i32
        %cond3A_294 = arith.cmpi ne, %convert_element_type3A_292, %cond3A_293 : i32
        scf.if %cond3A_294 {
          %sub3A = arith.constant 2 : i32
          %sub3A_303 = arith.subi %add3A_248, %sub3A : i32
          %dma_wait3A_304 = arith.constant 0 : i32
          %dma_wait3A_305 = tpu.memref_slice %arg8[%sub3A_303, %dma_wait3A_304] : memref<80x128xi32, #tpu.memory_space<vmem>> -> memref<1x128xi32, #tpu.memory_space<vmem>>
          %dma_wait3A_306 = tpu.memref_squeeze %dma_wait3A_305 : memref<1x128xi32, #tpu.memory_space<vmem>> -> memref<128xi32, #tpu.memory_space<vmem>>
          %dma_wait3A_307 = arith.constant 0 : i32
          %dma_wait3A_308 = arith.constant 0 : i32
          %dma_wait3A_309 = tpu.memref_slice %arg17[%dma_wait3A_307, %dma_wait3A_308] : memref<10112x64xf32, #tpu.memory_space<vmem_shared>> -> memref<10112x64xf32, #tpu.memory_space<vmem_shared>>
          tpu.wait_indirect_dma semaphore(%arg30 : memref<!tpu.dma_semaphore, #tpu.memory_space<semaphore_mem>>) src(%arg13 : memref<128x64xf32, #tpu.memory_space<vmem>>) dst(%dma_wait3A_309 : memref<10112x64xf32, #tpu.memory_space<vmem_shared>>)
        } else {
        }
        %add3A_295 = arith.constant 6 : i32
        %add3A_296 = arith.addi %add3A_248, %add3A_295 : i32
        %dma_start3A_297 = arith.constant 0 : i32
        %dma_start3A_298 = tpu.memref_slice %arg7[%add3A_296, %dma_start3A_297] : memref<80x128xi32, #tpu.memory_space<vmem>> -> memref<1x128xi32, #tpu.memory_space<vmem>>
        %dma_start3A_299 = tpu.memref_squeeze %dma_start3A_298 : memref<1x128xi32, #tpu.memory_space<vmem>> -> memref<128xi32, #tpu.memory_space<vmem>>
        %dma_start3A_300 = arith.constant 0 : i32
        %dma_start3A_301 = arith.constant 0 : i32
        %dma_start3A_302 = tpu.memref_slice %arg2[%dma_start3A_300, %dma_start3A_301] : memref<10112x64xf32, #tpu.memory_space<hbm>> -> memref<10112x64xf32, #tpu.memory_space<hbm>>
        tpu.enqueue_indirect_dma source(%dma_start3A_302 : memref<10112x64xf32, #tpu.memory_space<hbm>>) target(%arg13 : memref<128x64xf32, #tpu.memory_space<vmem>>) offsets(%dma_start3A_299 : memref<128xi32, #tpu.memory_space<vmem>>) semaphore(%arg22 : memref<!tpu.dma_semaphore, #tpu.memory_space<semaphore_mem>>)
      } else {
      }
      %dma_wait3A_256 = arith.constant 0 : i32
      %dma_wait3A_257 = tpu.memref_slice %arg7[%add3A_248, %dma_wait3A_256] : memref<80x128xi32, #tpu.memory_space<vmem>> -> memref<1x128xi32, #tpu.memory_space<vmem>>
      %dma_wait3A_258 = tpu.memref_squeeze %dma_wait3A_257 : memref<1x128xi32, #tpu.memory_space<vmem>> -> memref<128xi32, #tpu.memory_space<vmem>>
      %dma_wait3A_259 = arith.constant 0 : i32
      %dma_wait3A_260 = arith.constant 0 : i32
      %dma_wait3A_261 = tpu.memref_slice %arg2[%dma_wait3A_259, %dma_wait3A_260] : memref<10112x64xf32, #tpu.memory_space<hbm>> -> memref<10112x64xf32, #tpu.memory_space<hbm>>
      tpu.wait_indirect_dma semaphore(%arg24 : memref<!tpu.dma_semaphore, #tpu.memory_space<semaphore_mem>>) src(%dma_wait3A_261 : memref<10112x64xf32, #tpu.memory_space<hbm>>) dst(%arg15 : memref<128x64xf32, #tpu.memory_space<vmem>>)
      %dma_start3A_262 = arith.constant 0 : i32
      %dma_start3A_263 = tpu.memref_slice %arg8[%add3A_248, %dma_start3A_262] : memref<80x128xi32, #tpu.memory_space<vmem>> -> memref<1x128xi32, #tpu.memory_space<vmem>>
      %dma_start3A_264 = tpu.memref_squeeze %dma_start3A_263 : memref<1x128xi32, #tpu.memory_space<vmem>> -> memref<128xi32, #tpu.memory_space<vmem>>
      %dma_start3A_265 = arith.constant 0 : i32
      %dma_start3A_266 = arith.constant 0 : i32
      %dma_start3A_267 = tpu.memref_slice %arg17[%dma_start3A_265, %dma_start3A_266] : memref<10112x64xf32, #tpu.memory_space<vmem_shared>> -> memref<10112x64xf32, #tpu.memory_space<vmem_shared>>
      tpu.enqueue_indirect_dma source(%arg15 : memref<128x64xf32, #tpu.memory_space<vmem>>) target(%dma_start3A_267 : memref<10112x64xf32, #tpu.memory_space<vmem_shared>>) offsets(%dma_start3A_264 : memref<128xi32, #tpu.memory_space<vmem>>) semaphore(%arg32 : memref<!tpu.dma_semaphore, #tpu.memory_space<semaphore_mem>>) {add = true}
      %mul3A_268 = arith.constant 8 : i32
      %mul3A_269 = arith.muli %scan3A_109, %mul3A_268 : i32
      %add3A_270 = arith.constant 7 : i32
      %add3A_271 = arith.addi %mul3A_269, %add3A_270 : i32
      %add3A_272 = arith.constant 6 : i32
      %add3A_273 = arith.addi %add3A_271, %add3A_272 : i32
      %lt3A_274 = arith.constant 80 : i32
      %lt3A_275 = arith.cmpi slt, %add3A_273, %lt3A_274 : i32
      %convert_element_type3A_276 = arith.extui %lt3A_275 : i1 to i32
      %cond3A_277 = arith.constant 0 : i32
      %cond3A_278 = arith.cmpi ne, %convert_element_type3A_276, %cond3A_277 : i32
      scf.if %cond3A_278 {
        %ge3A = arith.constant 2 : i32
        %ge3A_291 = arith.cmpi sge, %add3A_271, %ge3A : i32
        %convert_element_type3A_292 = arith.extui %ge3A_291 : i1 to i32
        %cond3A_293 = arith.constant 0 : i32
        %cond3A_294 = arith.cmpi ne, %convert_element_type3A_292, %cond3A_293 : i32
        scf.if %cond3A_294 {
          %sub3A = arith.constant 2 : i32
          %sub3A_303 = arith.subi %add3A_271, %sub3A : i32
          %dma_wait3A_304 = arith.constant 0 : i32
          %dma_wait3A_305 = tpu.memref_slice %arg8[%sub3A_303, %dma_wait3A_304] : memref<80x128xi32, #tpu.memory_space<vmem>> -> memref<1x128xi32, #tpu.memory_space<vmem>>
          %dma_wait3A_306 = tpu.memref_squeeze %dma_wait3A_305 : memref<1x128xi32, #tpu.memory_space<vmem>> -> memref<128xi32, #tpu.memory_space<vmem>>
          %dma_wait3A_307 = arith.constant 0 : i32
          %dma_wait3A_308 = arith.constant 0 : i32
          %dma_wait3A_309 = tpu.memref_slice %arg17[%dma_wait3A_307, %dma_wait3A_308] : memref<10112x64xf32, #tpu.memory_space<vmem_shared>> -> memref<10112x64xf32, #tpu.memory_space<vmem_shared>>
          tpu.wait_indirect_dma semaphore(%arg31 : memref<!tpu.dma_semaphore, #tpu.memory_space<semaphore_mem>>) src(%arg14 : memref<128x64xf32, #tpu.memory_space<vmem>>) dst(%dma_wait3A_309 : memref<10112x64xf32, #tpu.memory_space<vmem_shared>>)
        } else {
        }
        %add3A_295 = arith.constant 6 : i32
        %add3A_296 = arith.addi %add3A_271, %add3A_295 : i32
        %dma_start3A_297 = arith.constant 0 : i32
        %dma_start3A_298 = tpu.memref_slice %arg7[%add3A_296, %dma_start3A_297] : memref<80x128xi32, #tpu.memory_space<vmem>> -> memref<1x128xi32, #tpu.memory_space<vmem>>
        %dma_start3A_299 = tpu.memref_squeeze %dma_start3A_298 : memref<1x128xi32, #tpu.memory_space<vmem>> -> memref<128xi32, #tpu.memory_space<vmem>>
        %dma_start3A_300 = arith.constant 0 : i32
        %dma_start3A_301 = arith.constant 0 : i32
        %dma_start3A_302 = tpu.memref_slice %arg2[%dma_start3A_300, %dma_start3A_301] : memref<10112x64xf32, #tpu.memory_space<hbm>> -> memref<10112x64xf32, #tpu.memory_space<hbm>>
        tpu.enqueue_indirect_dma source(%dma_start3A_302 : memref<10112x64xf32, #tpu.memory_space<hbm>>) target(%arg14 : memref<128x64xf32, #tpu.memory_space<vmem>>) offsets(%dma_start3A_299 : memref<128xi32, #tpu.memory_space<vmem>>) semaphore(%arg23 : memref<!tpu.dma_semaphore, #tpu.memory_space<semaphore_mem>>)
      } else {
      }
      %dma_wait3A_279 = arith.constant 0 : i32
      %dma_wait3A_280 = tpu.memref_slice %arg7[%add3A_271, %dma_wait3A_279] : memref<80x128xi32, #tpu.memory_space<vmem>> -> memref<1x128xi32, #tpu.memory_space<vmem>>
      %dma_wait3A_281 = tpu.memref_squeeze %dma_wait3A_280 : memref<1x128xi32, #tpu.memory_space<vmem>> -> memref<128xi32, #tpu.memory_space<vmem>>
      %dma_wait3A_282 = arith.constant 0 : i32
      %dma_wait3A_283 = arith.constant 0 : i32
      %dma_wait3A_284 = tpu.memref_slice %arg2[%dma_wait3A_282, %dma_wait3A_283] : memref<10112x64xf32, #tpu.memory_space<hbm>> -> memref<10112x64xf32, #tpu.memory_space<hbm>>
      tpu.wait_indirect_dma semaphore(%arg25 : memref<!tpu.dma_semaphore, #tpu.memory_space<semaphore_mem>>) src(%dma_wait3A_284 : memref<10112x64xf32, #tpu.memory_space<hbm>>) dst(%arg16 : memref<128x64xf32, #tpu.memory_space<vmem>>)
      %dma_start3A_285 = arith.constant 0 : i32
      %dma_start3A_286 = tpu.memref_slice %arg8[%add3A_271, %dma_start3A_285] : memref<80x128xi32, #tpu.memory_space<vmem>> -> memref<1x128xi32, #tpu.memory_space<vmem>>
      %dma_start3A_287 = tpu.memref_squeeze %dma_start3A_286 : memref<1x128xi32, #tpu.memory_space<vmem>> -> memref<128xi32, #tpu.memory_space<vmem>>
      %dma_start3A_288 = arith.constant 0 : i32
      %dma_start3A_289 = arith.constant 0 : i32
      %dma_start3A_290 = tpu.memref_slice %arg17[%dma_start3A_288, %dma_start3A_289] : memref<10112x64xf32, #tpu.memory_space<vmem_shared>> -> memref<10112x64xf32, #tpu.memory_space<vmem_shared>>
      tpu.enqueue_indirect_dma source(%arg16 : memref<128x64xf32, #tpu.memory_space<vmem>>) target(%dma_start3A_290 : memref<10112x64xf32, #tpu.memory_space<vmem_shared>>) offsets(%dma_start3A_287 : memref<128xi32, #tpu.memory_space<vmem>>) semaphore(%arg33 : memref<!tpu.dma_semaphore, #tpu.memory_space<semaphore_mem>>) {add = true}
    }
    %scan3A_48 = arith.constant 10 : i32
    %dma_wait3A = arith.constant 72 : i32
    %dma_wait3A_49 = arith.constant 0 : i32
    %dma_wait3A_50 = tpu.memref_slice %arg8[%dma_wait3A, %dma_wait3A_49] : memref<80x128xi32, #tpu.memory_space<vmem>> -> memref<1x128xi32, #tpu.memory_space<vmem>>
    %dma_wait3A_51 = tpu.memref_squeeze %dma_wait3A_50 : memref<1x128xi32, #tpu.memory_space<vmem>> -> memref<128xi32, #tpu.memory_space<vmem>>
    %dma_wait3A_52 = arith.constant 0 : i32
    %dma_wait3A_53 = arith.constant 0 : i32
    %dma_wait3A_54 = tpu.memref_slice %arg17[%dma_wait3A_52, %dma_wait3A_53] : memref<10112x64xf32, #tpu.memory_space<vmem_shared>> -> memref<10112x64xf32, #tpu.memory_space<vmem_shared>>
    tpu.wait_indirect_dma semaphore(%arg26 : memref<!tpu.dma_semaphore, #tpu.memory_space<semaphore_mem>>) src(%arg9 : memref<128x64xf32, #tpu.memory_space<vmem>>) dst(%dma_wait3A_54 : memref<10112x64xf32, #tpu.memory_space<vmem_shared>>)
    %dma_wait3A_55 = arith.constant 73 : i32
    %dma_wait3A_56 = arith.constant 0 : i32
    %dma_wait3A_57 = tpu.memref_slice %arg8[%dma_wait3A_55, %dma_wait3A_56] : memref<80x128xi32, #tpu.memory_space<vmem>> -> memref<1x128xi32, #tpu.memory_space<vmem>>
    %dma_wait3A_58 = tpu.memref_squeeze %dma_wait3A_57 : memref<1x128xi32, #tpu.memory_space<vmem>> -> memref<128xi32, #tpu.memory_space<vmem>>
    %dma_wait3A_59 = arith.constant 0 : i32
    %dma_wait3A_60 = arith.constant 0 : i32
    %dma_wait3A_61 = tpu.memref_slice %arg17[%dma_wait3A_59, %dma_wait3A_60] : memref<10112x64xf32, #tpu.memory_space<vmem_shared>> -> memref<10112x64xf32, #tpu.memory_space<vmem_shared>>
    tpu.wait_indirect_dma semaphore(%arg27 : memref<!tpu.dma_semaphore, #tpu.memory_space<semaphore_mem>>) src(%arg10 : memref<128x64xf32, #tpu.memory_space<vmem>>) dst(%dma_wait3A_61 : memref<10112x64xf32, #tpu.memory_space<vmem_shared>>)
    %dma_wait3A_62 = arith.constant 74 : i32
    %dma_wait3A_63 = arith.constant 0 : i32
    %dma_wait3A_64 = tpu.memref_slice %arg8[%dma_wait3A_62, %dma_wait3A_63] : memref<80x128xi32, #tpu.memory_space<vmem>> -> memref<1x128xi32, #tpu.memory_space<vmem>>
    %dma_wait3A_65 = tpu.memref_squeeze %dma_wait3A_64 : memref<1x128xi32, #tpu.memory_space<vmem>> -> memref<128xi32, #tpu.memory_space<vmem>>
    %dma_wait3A_66 = arith.constant 0 : i32
    %dma_wait3A_67 = arith.constant 0 : i32
    %dma_wait3A_68 = tpu.memref_slice %arg17[%dma_wait3A_66, %dma_wait3A_67] : memref<10112x64xf32, #tpu.memory_space<vmem_shared>> -> memref<10112x64xf32, #tpu.memory_space<vmem_shared>>
    tpu.wait_indirect_dma semaphore(%arg28 : memref<!tpu.dma_semaphore, #tpu.memory_space<semaphore_mem>>) src(%arg11 : memref<128x64xf32, #tpu.memory_space<vmem>>) dst(%dma_wait3A_68 : memref<10112x64xf32, #tpu.memory_space<vmem_shared>>)
    %dma_wait3A_69 = arith.constant 75 : i32
    %dma_wait3A_70 = arith.constant 0 : i32
    %dma_wait3A_71 = tpu.memref_slice %arg8[%dma_wait3A_69, %dma_wait3A_70] : memref<80x128xi32, #tpu.memory_space<vmem>> -> memref<1x128xi32, #tpu.memory_space<vmem>>
    %dma_wait3A_72 = tpu.memref_squeeze %dma_wait3A_71 : memref<1x128xi32, #tpu.memory_space<vmem>> -> memref<128xi32, #tpu.memory_space<vmem>>
    %dma_wait3A_73 = arith.constant 0 : i32
    %dma_wait3A_74 = arith.constant 0 : i32
    %dma_wait3A_75 = tpu.memref_slice %arg17[%dma_wait3A_73, %dma_wait3A_74] : memref<10112x64xf32, #tpu.memory_space<vmem_shared>> -> memref<10112x64xf32, #tpu.memory_space<vmem_shared>>
    tpu.wait_indirect_dma semaphore(%arg29 : memref<!tpu.dma_semaphore, #tpu.memory_space<semaphore_mem>>) src(%arg12 : memref<128x64xf32, #tpu.memory_space<vmem>>) dst(%dma_wait3A_75 : memref<10112x64xf32, #tpu.memory_space<vmem_shared>>)
    %dma_wait3A_76 = arith.constant 76 : i32
    %dma_wait3A_77 = arith.constant 0 : i32
    %dma_wait3A_78 = tpu.memref_slice %arg8[%dma_wait3A_76, %dma_wait3A_77] : memref<80x128xi32, #tpu.memory_space<vmem>> -> memref<1x128xi32, #tpu.memory_space<vmem>>
    %dma_wait3A_79 = tpu.memref_squeeze %dma_wait3A_78 : memref<1x128xi32, #tpu.memory_space<vmem>> -> memref<128xi32, #tpu.memory_space<vmem>>
    %dma_wait3A_80 = arith.constant 0 : i32
    %dma_wait3A_81 = arith.constant 0 : i32
    %dma_wait3A_82 = tpu.memref_slice %arg17[%dma_wait3A_80, %dma_wait3A_81] : memref<10112x64xf32, #tpu.memory_space<vmem_shared>> -> memref<10112x64xf32, #tpu.memory_space<vmem_shared>>
    tpu.wait_indirect_dma semaphore(%arg30 : memref<!tpu.dma_semaphore, #tpu.memory_space<semaphore_mem>>) src(%arg13 : memref<128x64xf32, #tpu.memory_space<vmem>>) dst(%dma_wait3A_82 : memref<10112x64xf32, #tpu.memory_space<vmem_shared>>)
    %dma_wait3A_83 = arith.constant 77 : i32
    %dma_wait3A_84 = arith.constant 0 : i32
    %dma_wait3A_85 = tpu.memref_slice %arg8[%dma_wait3A_83, %dma_wait3A_84] : memref<80x128xi32, #tpu.memory_space<vmem>> -> memref<1x128xi32, #tpu.memory_space<vmem>>
    %dma_wait3A_86 = tpu.memref_squeeze %dma_wait3A_85 : memref<1x128xi32, #tpu.memory_space<vmem>> -> memref<128xi32, #tpu.memory_space<vmem>>
    %dma_wait3A_87 = arith.constant 0 : i32
    %dma_wait3A_88 = arith.constant 0 : i32
    %dma_wait3A_89 = tpu.memref_slice %arg17[%dma_wait3A_87, %dma_wait3A_88] : memref<10112x64xf32, #tpu.memory_space<vmem_shared>> -> memref<10112x64xf32, #tpu.memory_space<vmem_shared>>
    tpu.wait_indirect_dma semaphore(%arg31 : memref<!tpu.dma_semaphore, #tpu.memory_space<semaphore_mem>>) src(%arg14 : memref<128x64xf32, #tpu.memory_space<vmem>>) dst(%dma_wait3A_89 : memref<10112x64xf32, #tpu.memory_space<vmem_shared>>)
    %dma_wait3A_90 = arith.constant 78 : i32
    %dma_wait3A_91 = arith.constant 0 : i32
    %dma_wait3A_92 = tpu.memref_slice %arg8[%dma_wait3A_90, %dma_wait3A_91] : memref<80x128xi32, #tpu.memory_space<vmem>> -> memref<1x128xi32, #tpu.memory_space<vmem>>
    %dma_wait3A_93 = tpu.memref_squeeze %dma_wait3A_92 : memref<1x128xi32, #tpu.memory_space<vmem>> -> memref<128xi32, #tpu.memory_space<vmem>>
    %dma_wait3A_94 = arith.constant 0 : i32
    %dma_wait3A_95 = arith.constant 0 : i32
    %dma_wait3A_96 = tpu.memref_slice %arg17[%dma_wait3A_94, %dma_wait3A_95] : memref<10112x64xf32, #tpu.memory_space<vmem_shared>> -> memref<10112x64xf32, #tpu.memory_space<vmem_shared>>
    tpu.wait_indirect_dma semaphore(%arg32 : memref<!tpu.dma_semaphore, #tpu.memory_space<semaphore_mem>>) src(%arg15 : memref<128x64xf32, #tpu.memory_space<vmem>>) dst(%dma_wait3A_96 : memref<10112x64xf32, #tpu.memory_space<vmem_shared>>)
    %dma_wait3A_97 = arith.constant 79 : i32
    %dma_wait3A_98 = arith.constant 0 : i32
    %dma_wait3A_99 = tpu.memref_slice %arg8[%dma_wait3A_97, %dma_wait3A_98] : memref<80x128xi32, #tpu.memory_space<vmem>> -> memref<1x128xi32, #tpu.memory_space<vmem>>
    %dma_wait3A_100 = tpu.memref_squeeze %dma_wait3A_99 : memref<1x128xi32, #tpu.memory_space<vmem>> -> memref<128xi32, #tpu.memory_space<vmem>>
    %dma_wait3A_101 = arith.constant 0 : i32
    %dma_wait3A_102 = arith.constant 0 : i32
    %dma_wait3A_103 = tpu.memref_slice %arg17[%dma_wait3A_101, %dma_wait3A_102] : memref<10112x64xf32, #tpu.memory_space<vmem_shared>> -> memref<10112x64xf32, #tpu.memory_space<vmem_shared>>
    tpu.wait_indirect_dma semaphore(%arg33 : memref<!tpu.dma_semaphore, #tpu.memory_space<semaphore_mem>>) src(%arg16 : memref<128x64xf32, #tpu.memory_space<vmem>>) dst(%dma_wait3A_103 : memref<10112x64xf32, #tpu.memory_space<vmem_shared>>)
    %barrier3A_104 = arith.constant 0 : index
    tpu.barrier barrier_id(%barrier3A_104)
    %mul3A_105 = arith.constant 632 : i32
    %mul3A_106 = arith.muli %arg1, %mul3A_105 : i32
    %mul3A_107 = arith.constant 632 : i32
    %mul3A_108 = arith.muli %arg1, %mul3A_107 : i32
    "tpu.region"() ({
      %run_scoped3A = tpu.sem_alloc : memref<!tpu.dma_semaphore, #tpu.memory_space<semaphore_mem>>
      %dma_start3A_109 = arith.constant 0 : i32
      %dma_start3A_110 = arith.constant 0 : i32
      %dma_start3A_111 = tpu.memref_slice %arg6[%arg0, %dma_start3A_109, %dma_start3A_110] : memref<2x10112x64xf32, #tpu.memory_space<hbm>> -> memref<1x10112x64xf32, #tpu.memory_space<hbm>>
      %dma_start3A_112 = tpu.memref_squeeze %dma_start3A_111 : memref<1x10112x64xf32, #tpu.memory_space<hbm>> -> memref<10112x64xf32, #tpu.memory_space<hbm>>
      %dma_start3A_113 = arith.constant 0 : i32
      %dma_start3A_114 = tpu.memref_slice %dma_start3A_112[%mul3A_108, %dma_start3A_113] : memref<10112x64xf32, #tpu.memory_space<hbm>> -> memref<632x64xf32, #tpu.memory_space<hbm>>
      %dma_start3A_115 = arith.constant 0 : i32
      %dma_start3A_116 = tpu.memref_slice %arg17[%mul3A_106, %dma_start3A_115] : memref<10112x64xf32, #tpu.memory_space<vmem_shared>> -> memref<632x64xf32, #tpu.memory_space<vmem_shared>>
      tpu.enqueue_dma source(%dma_start3A_116 : memref<632x64xf32, #tpu.memory_space<vmem_shared>>) target(%dma_start3A_114 : memref<632x64xf32, #tpu.memory_space<hbm>>) target_semaphore(%run_scoped3A : memref<!tpu.dma_semaphore, #tpu.memory_space<semaphore_mem>>)
      %dma_wait3A_117 = arith.constant 0 : i32
      %dma_wait3A_118 = arith.constant 0 : i32
      %dma_wait3A_119 = tpu.memref_slice %arg6[%arg0, %dma_wait3A_117, %dma_wait3A_118] : memref<2x10112x64xf32, #tpu.memory_space<hbm>> -> memref<1x10112x64xf32, #tpu.memory_space<hbm>>
      %dma_wait3A_120 = tpu.memref_squeeze %dma_wait3A_119 : memref<1x10112x64xf32, #tpu.memory_space<hbm>> -> memref<10112x64xf32, #tpu.memory_space<hbm>>
      %dma_wait3A_121 = arith.constant 0 : i32
      %dma_wait3A_122 = tpu.memref_slice %dma_wait3A_120[%mul3A_108, %dma_wait3A_121] : memref<10112x64xf32, #tpu.memory_space<hbm>> -> memref<632x64xf32, #tpu.memory_space<hbm>>
      %dma_wait3A_123 = arith.constant 0 : i32
      %dma_wait3A_124 = tpu.memref_slice %arg17[%mul3A_106, %dma_wait3A_123] : memref<10112x64xf32, #tpu.memory_space<vmem_shared>> -> memref<632x64xf32, #tpu.memory_space<vmem_shared>>
      tpu.wait_dma2 semaphore(%run_scoped3A : memref<!tpu.dma_semaphore, #tpu.memory_space<semaphore_mem>>) src(%dma_wait3A_124 : memref<632x64xf32, #tpu.memory_space<vmem_shared>>) dst(%dma_wait3A_122 : memref<632x64xf32, #tpu.memory_space<hbm>>)
      tpu.yield
    }) : () -> ()
    return
  }
}

#map = affine_map<(d0, d1) -> (0, 0)>
module attributes {stable_mosaic.version = 14 : i64} {
  func.func @_deg_body(%arg0: i32, %arg1: i32, %arg2: memref<32x10240xi32, #tpu.memory_space<hbm>>, %arg3: memref<32x10112xf32, #tpu.memory_space<hbm>>, %arg4: memref<10240xi32, #tpu.memory_space<vmem>>, %arg5: memref<10112xf32, #tpu.memory_space<vmem>>) attributes {dimension_semantics = [#tpu.dimension_semantics<core_parallel>, #tpu.dimension_semantics<subcore_parallel>], iteration_bounds = array<i64: 2, 16>, scalar_prefetch = 0 : i64, scratch_operands = 2 : i64, tpu.core_type = #tpu.core_type<sc_vector_subcore>, window_params = [{transform_indices = #map}, {transform_indices = #map}]} {
    %mul3A = arith.constant 2 : i32
    %mul3A_0 = arith.muli %arg1, %mul3A : i32
    %add3A = arith.addi %mul3A_0, %arg0 : i32
    %broadcast_in_dim3A = arith.constant 0.000000e+00 : f32
    %broadcast_in_dim3A_1 = vector.broadcast %broadcast_in_dim3A : f32 to vector<16xf32>
    %scan3A = arith.constant 0 : i32
    %scan3A_2 = arith.constant 0 : i32
    %scan3A_3 = arith.constant 632 : i32
    %scan3A_4 = arith.addi %scan3A_2, %scan3A_3 : i32
    %scan3A_5 = arith.constant 8 : i32
    scf.for %scan3A_15 = %scan3A_2 to %scan3A_4 step %scan3A_5  : i32 {
      %mul3A_16 = arith.constant 16 : i32
      %mul3A_17 = arith.muli %scan3A_15, %mul3A_16 : i32
      %multiple_of3A = tpu.assume_multiple %mul3A_17, 16 : i32
      %swap3A = arith.index_cast %multiple_of3A : i32 to index
      %swap3A_18 = tpu.vector_load %arg5[%swap3A] {strides = array<i32>} : memref<10112xf32, #tpu.memory_space<vmem>>, vector<16xf32>,
      tpu.vector_store %arg5[%swap3A], %broadcast_in_dim3A_1 {strides = array<i32>} : memref<10112xf32, #tpu.memory_space<vmem>>, vector<16xf32>,
      %scan3A_19 = arith.constant 1 : i32
      %scan3A_20 = arith.addi %scan3A_15, %scan3A_19 : i32
      %mul3A_21 = arith.constant 16 : i32
      %mul3A_22 = arith.muli %scan3A_20, %mul3A_21 : i32
      %multiple_of3A_23 = tpu.assume_multiple %mul3A_22, 16 : i32
      %swap3A_24 = arith.index_cast %multiple_of3A_23 : i32 to index
      %swap3A_25 = tpu.vector_load %arg5[%swap3A_24] {strides = array<i32>} : memref<10112xf32, #tpu.memory_space<vmem>>, vector<16xf32>,
      tpu.vector_store %arg5[%swap3A_24], %broadcast_in_dim3A_1 {strides = array<i32>} : memref<10112xf32, #tpu.memory_space<vmem>>, vector<16xf32>,
      %scan3A_26 = arith.constant 2 : i32
      %scan3A_27 = arith.addi %scan3A_15, %scan3A_26 : i32
      %mul3A_28 = arith.constant 16 : i32
      %mul3A_29 = arith.muli %scan3A_27, %mul3A_28 : i32
      %multiple_of3A_30 = tpu.assume_multiple %mul3A_29, 16 : i32
      %swap3A_31 = arith.index_cast %multiple_of3A_30 : i32 to index
      %swap3A_32 = tpu.vector_load %arg5[%swap3A_31] {strides = array<i32>} : memref<10112xf32, #tpu.memory_space<vmem>>, vector<16xf32>,
      tpu.vector_store %arg5[%swap3A_31], %broadcast_in_dim3A_1 {strides = array<i32>} : memref<10112xf32, #tpu.memory_space<vmem>>, vector<16xf32>,
      %scan3A_33 = arith.constant 3 : i32
      %scan3A_34 = arith.addi %scan3A_15, %scan3A_33 : i32
      %mul3A_35 = arith.constant 16 : i32
      %mul3A_36 = arith.muli %scan3A_34, %mul3A_35 : i32
      %multiple_of3A_37 = tpu.assume_multiple %mul3A_36, 16 : i32
      %swap3A_38 = arith.index_cast %multiple_of3A_37 : i32 to index
      %swap3A_39 = tpu.vector_load %arg5[%swap3A_38] {strides = array<i32>} : memref<10112xf32, #tpu.memory_space<vmem>>, vector<16xf32>,
      tpu.vector_store %arg5[%swap3A_38], %broadcast_in_dim3A_1 {strides = array<i32>} : memref<10112xf32, #tpu.memory_space<vmem>>, vector<16xf32>,
      %scan3A_40 = arith.constant 4 : i32
      %scan3A_41 = arith.addi %scan3A_15, %scan3A_40 : i32
      %mul3A_42 = arith.constant 16 : i32
      %mul3A_43 = arith.muli %scan3A_41, %mul3A_42 : i32
      %multiple_of3A_44 = tpu.assume_multiple %mul3A_43, 16 : i32
      %swap3A_45 = arith.index_cast %multiple_of3A_44 : i32 to index
      %swap3A_46 = tpu.vector_load %arg5[%swap3A_45] {strides = array<i32>} : memref<10112xf32, #tpu.memory_space<vmem>>, vector<16xf32>,
      tpu.vector_store %arg5[%swap3A_45], %broadcast_in_dim3A_1 {strides = array<i32>} : memref<10112xf32, #tpu.memory_space<vmem>>, vector<16xf32>,
      %scan3A_47 = arith.constant 5 : i32
      %scan3A_48 = arith.addi %scan3A_15, %scan3A_47 : i32
      %mul3A_49 = arith.constant 16 : i32
      %mul3A_50 = arith.muli %scan3A_48, %mul3A_49 : i32
      %multiple_of3A_51 = tpu.assume_multiple %mul3A_50, 16 : i32
      %swap3A_52 = arith.index_cast %multiple_of3A_51 : i32 to index
      %swap3A_53 = tpu.vector_load %arg5[%swap3A_52] {strides = array<i32>} : memref<10112xf32, #tpu.memory_space<vmem>>, vector<16xf32>,
      tpu.vector_store %arg5[%swap3A_52], %broadcast_in_dim3A_1 {strides = array<i32>} : memref<10112xf32, #tpu.memory_space<vmem>>, vector<16xf32>,
      %scan3A_54 = arith.constant 6 : i32
      %scan3A_55 = arith.addi %scan3A_15, %scan3A_54 : i32
      %mul3A_56 = arith.constant 16 : i32
      %mul3A_57 = arith.muli %scan3A_55, %mul3A_56 : i32
      %multiple_of3A_58 = tpu.assume_multiple %mul3A_57, 16 : i32
      %swap3A_59 = arith.index_cast %multiple_of3A_58 : i32 to index
      %swap3A_60 = tpu.vector_load %arg5[%swap3A_59] {strides = array<i32>} : memref<10112xf32, #tpu.memory_space<vmem>>, vector<16xf32>,
      tpu.vector_store %arg5[%swap3A_59], %broadcast_in_dim3A_1 {strides = array<i32>} : memref<10112xf32, #tpu.memory_space<vmem>>, vector<16xf32>,
      %scan3A_61 = arith.constant 7 : i32
      %scan3A_62 = arith.addi %scan3A_15, %scan3A_61 : i32
      %mul3A_63 = arith.constant 16 : i32
      %mul3A_64 = arith.muli %scan3A_62, %mul3A_63 : i32
      %multiple_of3A_65 = tpu.assume_multiple %mul3A_64, 16 : i32
      %swap3A_66 = arith.index_cast %multiple_of3A_65 : i32 to index
      %swap3A_67 = tpu.vector_load %arg5[%swap3A_66] {strides = array<i32>} : memref<10112xf32, #tpu.memory_space<vmem>>, vector<16xf32>,
      tpu.vector_store %arg5[%swap3A_66], %broadcast_in_dim3A_1 {strides = array<i32>} : memref<10112xf32, #tpu.memory_space<vmem>>, vector<16xf32>,
    }
    %scan3A_6 = arith.constant 632 : i32
    "tpu.region"() ({
      %run_scoped3A = tpu.sem_alloc : memref<!tpu.dma_semaphore, #tpu.memory_space<semaphore_mem>>
      %dma_start3A = arith.constant 0 : i32
      %dma_start3A_15 = tpu.memref_slice %arg2[%add3A, %dma_start3A] : memref<32x10240xi32, #tpu.memory_space<hbm>> -> memref<1x10240xi32, #tpu.memory_space<hbm>>
      %dma_start3A_16 = tpu.memref_squeeze %dma_start3A_15 : memref<1x10240xi32, #tpu.memory_space<hbm>> -> memref<10240xi32, #tpu.memory_space<hbm>>
      %dma_start3A_17 = arith.constant 0 : i32
      %dma_start3A_18 = tpu.memref_slice %arg2[%add3A, %dma_start3A_17] : memref<32x10240xi32, #tpu.memory_space<hbm>> -> memref<1x10240xi32, #tpu.memory_space<hbm>>
      %dma_start3A_19 = tpu.memref_squeeze %dma_start3A_18 : memref<1x10240xi32, #tpu.memory_space<hbm>> -> memref<10240xi32, #tpu.memory_space<hbm>>
      tpu.enqueue_dma source(%dma_start3A_19 : memref<10240xi32, #tpu.memory_space<hbm>>) target(%arg4 : memref<10240xi32, #tpu.memory_space<vmem>>) target_semaphore(%run_scoped3A : memref<!tpu.dma_semaphore, #tpu.memory_space<semaphore_mem>>)
      %dma_wait3A = arith.constant 0 : i32
      %dma_wait3A_20 = tpu.memref_slice %arg2[%add3A, %dma_wait3A] : memref<32x10240xi32, #tpu.memory_space<hbm>> -> memref<1x10240xi32, #tpu.memory_space<hbm>>
      %dma_wait3A_21 = tpu.memref_squeeze %dma_wait3A_20 : memref<1x10240xi32, #tpu.memory_space<hbm>> -> memref<10240xi32, #tpu.memory_space<hbm>>
      %dma_wait3A_22 = arith.constant 0 : i32
      %dma_wait3A_23 = tpu.memref_slice %arg2[%add3A, %dma_wait3A_22] : memref<32x10240xi32, #tpu.memory_space<hbm>> -> memref<1x10240xi32, #tpu.memory_space<hbm>>
      %dma_wait3A_24 = tpu.memref_squeeze %dma_wait3A_23 : memref<1x10240xi32, #tpu.memory_space<hbm>> -> memref<10240xi32, #tpu.memory_space<hbm>>
      tpu.wait_dma2 semaphore(%run_scoped3A : memref<!tpu.dma_semaphore, #tpu.memory_space<semaphore_mem>>) src(%dma_wait3A_24 : memref<10240xi32, #tpu.memory_space<hbm>>) dst(%arg4 : memref<10240xi32, #tpu.memory_space<vmem>>)
      tpu.yield
    }) : () -> ()
    %broadcast_in_dim3A_7 = arith.constant 1.000000e+00 : f32
    %broadcast_in_dim3A_8 = vector.broadcast %broadcast_in_dim3A_7 : f32 to vector<16xf32>
    %scan3A_9 = arith.constant 0 : i32
    %scan3A_10 = arith.constant 0 : i32
    %scan3A_11 = arith.constant 640 : i32
    %scan3A_12 = arith.addi %scan3A_10, %scan3A_11 : i32
    %scan3A_13 = arith.constant 8 : i32
    scf.for %scan3A_15 = %scan3A_10 to %scan3A_12 step %scan3A_13  : i32 {
      %mul3A_16 = arith.constant 16 : i32
      %mul3A_17 = arith.muli %scan3A_15, %mul3A_16 : i32
      %multiple_of3A = tpu.assume_multiple %mul3A_17, 16 : i32
      %get3A = arith.index_cast %multiple_of3A : i32 to index
      %get3A_18 = tpu.vector_load %arg4[%get3A] {strides = array<i32>} : memref<10240xi32, #tpu.memory_space<vmem>>, vector<16xi32>,
      tpu.vector_store_idx %arg5[%get3A_18], %broadcast_in_dim3A_8 {add = true} : memref<10112xf32, #tpu.memory_space<vmem>>[vector<16xi32>], vector<16xf32>,
      %scan3A_19 = arith.constant 1 : i32
      %scan3A_20 = arith.addi %scan3A_15, %scan3A_19 : i32
      %mul3A_21 = arith.constant 16 : i32
      %mul3A_22 = arith.muli %scan3A_20, %mul3A_21 : i32
      %multiple_of3A_23 = tpu.assume_multiple %mul3A_22, 16 : i32
      %get3A_24 = arith.index_cast %multiple_of3A_23 : i32 to index
      %get3A_25 = tpu.vector_load %arg4[%get3A_24] {strides = array<i32>} : memref<10240xi32, #tpu.memory_space<vmem>>, vector<16xi32>,
      tpu.vector_store_idx %arg5[%get3A_25], %broadcast_in_dim3A_8 {add = true} : memref<10112xf32, #tpu.memory_space<vmem>>[vector<16xi32>], vector<16xf32>,
      %scan3A_26 = arith.constant 2 : i32
      %scan3A_27 = arith.addi %scan3A_15, %scan3A_26 : i32
      %mul3A_28 = arith.constant 16 : i32
      %mul3A_29 = arith.muli %scan3A_27, %mul3A_28 : i32
      %multiple_of3A_30 = tpu.assume_multiple %mul3A_29, 16 : i32
      %get3A_31 = arith.index_cast %multiple_of3A_30 : i32 to index
      %get3A_32 = tpu.vector_load %arg4[%get3A_31] {strides = array<i32>} : memref<10240xi32, #tpu.memory_space<vmem>>, vector<16xi32>,
      tpu.vector_store_idx %arg5[%get3A_32], %broadcast_in_dim3A_8 {add = true} : memref<10112xf32, #tpu.memory_space<vmem>>[vector<16xi32>], vector<16xf32>,
      %scan3A_33 = arith.constant 3 : i32
      %scan3A_34 = arith.addi %scan3A_15, %scan3A_33 : i32
      %mul3A_35 = arith.constant 16 : i32
      %mul3A_36 = arith.muli %scan3A_34, %mul3A_35 : i32
      %multiple_of3A_37 = tpu.assume_multiple %mul3A_36, 16 : i32
      %get3A_38 = arith.index_cast %multiple_of3A_37 : i32 to index
      %get3A_39 = tpu.vector_load %arg4[%get3A_38] {strides = array<i32>} : memref<10240xi32, #tpu.memory_space<vmem>>, vector<16xi32>,
      tpu.vector_store_idx %arg5[%get3A_39], %broadcast_in_dim3A_8 {add = true} : memref<10112xf32, #tpu.memory_space<vmem>>[vector<16xi32>], vector<16xf32>,
      %scan3A_40 = arith.constant 4 : i32
      %scan3A_41 = arith.addi %scan3A_15, %scan3A_40 : i32
      %mul3A_42 = arith.constant 16 : i32
      %mul3A_43 = arith.muli %scan3A_41, %mul3A_42 : i32
      %multiple_of3A_44 = tpu.assume_multiple %mul3A_43, 16 : i32
      %get3A_45 = arith.index_cast %multiple_of3A_44 : i32 to index
      %get3A_46 = tpu.vector_load %arg4[%get3A_45] {strides = array<i32>} : memref<10240xi32, #tpu.memory_space<vmem>>, vector<16xi32>,
      tpu.vector_store_idx %arg5[%get3A_46], %broadcast_in_dim3A_8 {add = true} : memref<10112xf32, #tpu.memory_space<vmem>>[vector<16xi32>], vector<16xf32>,
      %scan3A_47 = arith.constant 5 : i32
      %scan3A_48 = arith.addi %scan3A_15, %scan3A_47 : i32
      %mul3A_49 = arith.constant 16 : i32
      %mul3A_50 = arith.muli %scan3A_48, %mul3A_49 : i32
      %multiple_of3A_51 = tpu.assume_multiple %mul3A_50, 16 : i32
      %get3A_52 = arith.index_cast %multiple_of3A_51 : i32 to index
      %get3A_53 = tpu.vector_load %arg4[%get3A_52] {strides = array<i32>} : memref<10240xi32, #tpu.memory_space<vmem>>, vector<16xi32>,
      tpu.vector_store_idx %arg5[%get3A_53], %broadcast_in_dim3A_8 {add = true} : memref<10112xf32, #tpu.memory_space<vmem>>[vector<16xi32>], vector<16xf32>,
      %scan3A_54 = arith.constant 6 : i32
      %scan3A_55 = arith.addi %scan3A_15, %scan3A_54 : i32
      %mul3A_56 = arith.constant 16 : i32
      %mul3A_57 = arith.muli %scan3A_55, %mul3A_56 : i32
      %multiple_of3A_58 = tpu.assume_multiple %mul3A_57, 16 : i32
      %get3A_59 = arith.index_cast %multiple_of3A_58 : i32 to index
      %get3A_60 = tpu.vector_load %arg4[%get3A_59] {strides = array<i32>} : memref<10240xi32, #tpu.memory_space<vmem>>, vector<16xi32>,
      tpu.vector_store_idx %arg5[%get3A_60], %broadcast_in_dim3A_8 {add = true} : memref<10112xf32, #tpu.memory_space<vmem>>[vector<16xi32>], vector<16xf32>,
      %scan3A_61 = arith.constant 7 : i32
      %scan3A_62 = arith.addi %scan3A_15, %scan3A_61 : i32
      %mul3A_63 = arith.constant 16 : i32
      %mul3A_64 = arith.muli %scan3A_62, %mul3A_63 : i32
      %multiple_of3A_65 = tpu.assume_multiple %mul3A_64, 16 : i32
      %get3A_66 = arith.index_cast %multiple_of3A_65 : i32 to index
      %get3A_67 = tpu.vector_load %arg4[%get3A_66] {strides = array<i32>} : memref<10240xi32, #tpu.memory_space<vmem>>, vector<16xi32>,
      tpu.vector_store_idx %arg5[%get3A_67], %broadcast_in_dim3A_8 {add = true} : memref<10112xf32, #tpu.memory_space<vmem>>[vector<16xi32>], vector<16xf32>,
    }
    %scan3A_14 = arith.constant 640 : i32
    "tpu.region"() ({
      %run_scoped3A = tpu.sem_alloc : memref<!tpu.dma_semaphore, #tpu.memory_space<semaphore_mem>>
      %dma_start3A = arith.constant 0 : i32
      %dma_start3A_15 = tpu.memref_slice %arg3[%add3A, %dma_start3A] : memref<32x10112xf32, #tpu.memory_space<hbm>> -> memref<1x10112xf32, #tpu.memory_space<hbm>>
      %dma_start3A_16 = tpu.memref_squeeze %dma_start3A_15 : memref<1x10112xf32, #tpu.memory_space<hbm>> -> memref<10112xf32, #tpu.memory_space<hbm>>
      %dma_start3A_17 = arith.constant 0 : i32
      %dma_start3A_18 = tpu.memref_slice %arg3[%add3A, %dma_start3A_17] : memref<32x10112xf32, #tpu.memory_space<hbm>> -> memref<1x10112xf32, #tpu.memory_space<hbm>>
      %dma_start3A_19 = tpu.memref_squeeze %dma_start3A_18 : memref<1x10112xf32, #tpu.memory_space<hbm>> -> memref<10112xf32, #tpu.memory_space<hbm>>
      tpu.enqueue_dma source(%arg5 : memref<10112xf32, #tpu.memory_space<vmem>>) target(%dma_start3A_19 : memref<10112xf32, #tpu.memory_space<hbm>>) target_semaphore(%run_scoped3A : memref<!tpu.dma_semaphore, #tpu.memory_space<semaphore_mem>>)
      %dma_wait3A = arith.constant 0 : i32
      %dma_wait3A_20 = tpu.memref_slice %arg3[%add3A, %dma_wait3A] : memref<32x10112xf32, #tpu.memory_space<hbm>> -> memref<1x10112xf32, #tpu.memory_space<hbm>>
      %dma_wait3A_21 = tpu.memref_squeeze %dma_wait3A_20 : memref<1x10112xf32, #tpu.memory_space<hbm>> -> memref<10112xf32, #tpu.memory_space<hbm>>
      %dma_wait3A_22 = arith.constant 0 : i32
      %dma_wait3A_23 = tpu.memref_slice %arg3[%add3A, %dma_wait3A_22] : memref<32x10112xf32, #tpu.memory_space<hbm>> -> memref<1x10112xf32, #tpu.memory_space<hbm>>
      %dma_wait3A_24 = tpu.memref_squeeze %dma_wait3A_23 : memref<1x10112xf32, #tpu.memory_space<hbm>> -> memref<10112xf32, #tpu.memory_space<hbm>>
      tpu.wait_dma2 semaphore(%run_scoped3A : memref<!tpu.dma_semaphore, #tpu.memory_space<semaphore_mem>>) src(%arg5 : memref<10112xf32, #tpu.memory_space<vmem>>) dst(%dma_wait3A_24 : memref<10112xf32, #tpu.memory_space<hbm>>)
      tpu.yield
    }) : () -> ()
    return
  }
}

#map = affine_map<(d0, d1) -> (0, 0)>
#map1 = affine_map<(d0, d1) -> (0, 0, 0)>
module attributes {stable_mosaic.version = 14 : i64} {
  func.func @_edge_body(%arg0: i32, %arg1: i32, %arg2: memref<10112x32xf32, #tpu.memory_space<hbm>>, %arg3: memref<32x80x128xi32, #tpu.memory_space<hbm>>, %arg4: memref<32x80x128xi32, #tpu.memory_space<hbm>>, %arg5: memref<632x32xf32, #tpu.memory_space<hbm>>, %arg6: memref<2x10112x32xf32, #tpu.memory_space<hbm>>, %arg7: memref<80x128xi32, #tpu.memory_space<vmem>>, %arg8: memref<80x128xi32, #tpu.memory_space<vmem>>, %arg9: memref<128x32xf32, #tpu.memory_space<vmem>>, %arg10: memref<128x32xf32, #tpu.memory_space<vmem>>, %arg11: memref<128x32xf32, #tpu.memory_space<vmem>>, %arg12: memref<128x32xf32, #tpu.memory_space<vmem>>, %arg13: memref<128x32xf32, #tpu.memory_space<vmem>>, %arg14: memref<128x32xf32, #tpu.memory_space<vmem>>, %arg15: memref<128x32xf32, #tpu.memory_space<vmem>>, %arg16: memref<128x32xf32, #tpu.memory_space<vmem>>, %arg17: memref<10112x32xf32, #tpu.memory_space<vmem_shared>>, %arg18: memref<!tpu.dma_semaphore, #tpu.memory_space<semaphore_mem>>, %arg19: memref<!tpu.dma_semaphore, #tpu.memory_space<semaphore_mem>>, %arg20: memref<!tpu.dma_semaphore, #tpu.memory_space<semaphore_mem>>, %arg21: memref<!tpu.dma_semaphore, #tpu.memory_space<semaphore_mem>>, %arg22: memref<!tpu.dma_semaphore, #tpu.memory_space<semaphore_mem>>, %arg23: memref<!tpu.dma_semaphore, #tpu.memory_space<semaphore_mem>>, %arg24: memref<!tpu.dma_semaphore, #tpu.memory_space<semaphore_mem>>, %arg25: memref<!tpu.dma_semaphore, #tpu.memory_space<semaphore_mem>>, %arg26: memref<!tpu.dma_semaphore, #tpu.memory_space<semaphore_mem>>, %arg27: memref<!tpu.dma_semaphore, #tpu.memory_space<semaphore_mem>>, %arg28: memref<!tpu.dma_semaphore, #tpu.memory_space<semaphore_mem>>, %arg29: memref<!tpu.dma_semaphore, #tpu.memory_space<semaphore_mem>>, %arg30: memref<!tpu.dma_semaphore, #tpu.memory_space<semaphore_mem>>, %arg31: memref<!tpu.dma_semaphore, #tpu.memory_space<semaphore_mem>>, %arg32: memref<!tpu.dma_semaphore, #tpu.memory_space<semaphore_mem>>, %arg33: memref<!tpu.dma_semaphore, #tpu.memory_space<semaphore_mem>>) attributes {dimension_semantics = [#tpu.dimension_semantics<core_parallel>, #tpu.dimension_semantics<subcore_parallel>], iteration_bounds = array<i64: 2, 16>, scalar_prefetch = 0 : i64, scratch_operands = 27 : i64, tpu.core_type = #tpu.core_type<sc_vector_subcore>, window_params = [{transform_indices = #map}, {transform_indices = #map1}, {transform_indices = #map1}, {transform_indices = #map}, {transform_indices = #map1}]} {
    %mul3A = arith.constant 2 : i32
    %mul3A_0 = arith.muli %arg1, %mul3A : i32
    %add3A = arith.addi %mul3A_0, %arg0 : i32
    %mul3A_1 = arith.constant 632 : i32
    %mul3A_2 = arith.muli %arg1, %mul3A_1 : i32
    "tpu.region"() ({
      %run_scoped3A = tpu.sem_alloc : memref<!tpu.dma_semaphore, #tpu.memory_space<semaphore_mem>>
      %dma_start3A_109 = arith.constant 0 : i32
      %dma_start3A_110 = tpu.memref_slice %arg17[%mul3A_2, %dma_start3A_109] : memref<10112x32xf32, #tpu.memory_space<vmem_shared>> -> memref<632x32xf32, #tpu.memory_space<vmem_shared>>
      tpu.enqueue_dma source(%arg5 : memref<632x32xf32, #tpu.memory_space<hbm>>) target(%dma_start3A_110 : memref<632x32xf32, #tpu.memory_space<vmem_shared>>) target_semaphore(%run_scoped3A : memref<!tpu.dma_semaphore, #tpu.memory_space<semaphore_mem>>)
      %dma_wait3A_111 = arith.constant 0 : i32
      %dma_wait3A_112 = tpu.memref_slice %arg17[%mul3A_2, %dma_wait3A_111] : memref<10112x32xf32, #tpu.memory_space<vmem_shared>> -> memref<632x32xf32, #tpu.memory_space<vmem_shared>>
      tpu.wait_dma2 semaphore(%run_scoped3A : memref<!tpu.dma_semaphore, #tpu.memory_space<semaphore_mem>>) src(%arg5 : memref<632x32xf32, #tpu.memory_space<hbm>>) dst(%dma_wait3A_112 : memref<632x32xf32, #tpu.memory_space<vmem_shared>>)
      tpu.yield
    }) : () -> ()
    "tpu.region"() ({
      %run_scoped3A = tpu.sem_alloc : memref<!tpu.dma_semaphore, #tpu.memory_space<semaphore_mem>>
      %dma_start3A_109 = arith.constant 0 : i32
      %dma_start3A_110 = arith.constant 0 : i32
      %dma_start3A_111 = tpu.memref_slice %arg3[%add3A, %dma_start3A_109, %dma_start3A_110] : memref<32x80x128xi32, #tpu.memory_space<hbm>> -> memref<1x80x128xi32, #tpu.memory_space<hbm>>
      %dma_start3A_112 = tpu.memref_squeeze %dma_start3A_111 : memref<1x80x128xi32, #tpu.memory_space<hbm>> -> memref<80x128xi32, #tpu.memory_space<hbm>>
      %dma_start3A_113 = arith.constant 0 : i32
      %dma_start3A_114 = arith.constant 0 : i32
      %dma_start3A_115 = tpu.memref_slice %arg3[%add3A, %dma_start3A_113, %dma_start3A_114] : memref<32x80x128xi32, #tpu.memory_space<hbm>> -> memref<1x80x128xi32, #tpu.memory_space<hbm>>
      %dma_start3A_116 = tpu.memref_squeeze %dma_start3A_115 : memref<1x80x128xi32, #tpu.memory_space<hbm>> -> memref<80x128xi32, #tpu.memory_space<hbm>>
      tpu.enqueue_dma source(%dma_start3A_116 : memref<80x128xi32, #tpu.memory_space<hbm>>) target(%arg7 : memref<80x128xi32, #tpu.memory_space<vmem>>) target_semaphore(%run_scoped3A : memref<!tpu.dma_semaphore, #tpu.memory_space<semaphore_mem>>)
      %dma_wait3A_117 = arith.constant 0 : i32
      %dma_wait3A_118 = arith.constant 0 : i32
      %dma_wait3A_119 = tpu.memref_slice %arg3[%add3A, %dma_wait3A_117, %dma_wait3A_118] : memref<32x80x128xi32, #tpu.memory_space<hbm>> -> memref<1x80x128xi32, #tpu.memory_space<hbm>>
      %dma_wait3A_120 = tpu.memref_squeeze %dma_wait3A_119 : memref<1x80x128xi32, #tpu.memory_space<hbm>> -> memref<80x128xi32, #tpu.memory_space<hbm>>
      %dma_wait3A_121 = arith.constant 0 : i32
      %dma_wait3A_122 = arith.constant 0 : i32
      %dma_wait3A_123 = tpu.memref_slice %arg3[%add3A, %dma_wait3A_121, %dma_wait3A_122] : memref<32x80x128xi32, #tpu.memory_space<hbm>> -> memref<1x80x128xi32, #tpu.memory_space<hbm>>
      %dma_wait3A_124 = tpu.memref_squeeze %dma_wait3A_123 : memref<1x80x128xi32, #tpu.memory_space<hbm>> -> memref<80x128xi32, #tpu.memory_space<hbm>>
      tpu.wait_dma2 semaphore(%run_scoped3A : memref<!tpu.dma_semaphore, #tpu.memory_space<semaphore_mem>>) src(%dma_wait3A_124 : memref<80x128xi32, #tpu.memory_space<hbm>>) dst(%arg7 : memref<80x128xi32, #tpu.memory_space<vmem>>)
      tpu.yield
    }) : () -> ()
    "tpu.region"() ({
      %run_scoped3A = tpu.sem_alloc : memref<!tpu.dma_semaphore, #tpu.memory_space<semaphore_mem>>
      %dma_start3A_109 = arith.constant 0 : i32
      %dma_start3A_110 = arith.constant 0 : i32
      %dma_start3A_111 = tpu.memref_slice %arg4[%add3A, %dma_start3A_109, %dma_start3A_110] : memref<32x80x128xi32, #tpu.memory_space<hbm>> -> memref<1x80x128xi32, #tpu.memory_space<hbm>>
      %dma_start3A_112 = tpu.memref_squeeze %dma_start3A_111 : memref<1x80x128xi32, #tpu.memory_space<hbm>> -> memref<80x128xi32, #tpu.memory_space<hbm>>
      %dma_start3A_113 = arith.constant 0 : i32
      %dma_start3A_114 = arith.constant 0 : i32
      %dma_start3A_115 = tpu.memref_slice %arg4[%add3A, %dma_start3A_113, %dma_start3A_114] : memref<32x80x128xi32, #tpu.memory_space<hbm>> -> memref<1x80x128xi32, #tpu.memory_space<hbm>>
      %dma_start3A_116 = tpu.memref_squeeze %dma_start3A_115 : memref<1x80x128xi32, #tpu.memory_space<hbm>> -> memref<80x128xi32, #tpu.memory_space<hbm>>
      tpu.enqueue_dma source(%dma_start3A_116 : memref<80x128xi32, #tpu.memory_space<hbm>>) target(%arg8 : memref<80x128xi32, #tpu.memory_space<vmem>>) target_semaphore(%run_scoped3A : memref<!tpu.dma_semaphore, #tpu.memory_space<semaphore_mem>>)
      %dma_wait3A_117 = arith.constant 0 : i32
      %dma_wait3A_118 = arith.constant 0 : i32
      %dma_wait3A_119 = tpu.memref_slice %arg4[%add3A, %dma_wait3A_117, %dma_wait3A_118] : memref<32x80x128xi32, #tpu.memory_space<hbm>> -> memref<1x80x128xi32, #tpu.memory_space<hbm>>
      %dma_wait3A_120 = tpu.memref_squeeze %dma_wait3A_119 : memref<1x80x128xi32, #tpu.memory_space<hbm>> -> memref<80x128xi32, #tpu.memory_space<hbm>>
      %dma_wait3A_121 = arith.constant 0 : i32
      %dma_wait3A_122 = arith.constant 0 : i32
      %dma_wait3A_123 = tpu.memref_slice %arg4[%add3A, %dma_wait3A_121, %dma_wait3A_122] : memref<32x80x128xi32, #tpu.memory_space<hbm>> -> memref<1x80x128xi32, #tpu.memory_space<hbm>>
      %dma_wait3A_124 = tpu.memref_squeeze %dma_wait3A_123 : memref<1x80x128xi32, #tpu.memory_space<hbm>> -> memref<80x128xi32, #tpu.memory_space<hbm>>
      tpu.wait_dma2 semaphore(%run_scoped3A : memref<!tpu.dma_semaphore, #tpu.memory_space<semaphore_mem>>) src(%dma_wait3A_124 : memref<80x128xi32, #tpu.memory_space<hbm>>) dst(%arg8 : memref<80x128xi32, #tpu.memory_space<vmem>>)
      tpu.yield
    }) : () -> ()
    %barrier3A = arith.constant 0 : index
    tpu.barrier barrier_id(%barrier3A)
    %dma_start3A = arith.constant 0 : i32
    %dma_start3A_3 = arith.constant 0 : i32
    %dma_start3A_4 = tpu.memref_slice %arg7[%dma_start3A, %dma_start3A_3] : memref<80x128xi32, #tpu.memory_space<vmem>> -> memref<1x128xi32, #tpu.memory_space<vmem>>
    %dma_start3A_5 = tpu.memref_squeeze %dma_start3A_4 : memref<1x128xi32, #tpu.memory_space<vmem>> -> memref<128xi32, #tpu.memory_space<vmem>>
    %dma_start3A_6 = arith.constant 0 : i32
    %dma_start3A_7 = arith.constant 0 : i32
    %dma_start3A_8 = tpu.memref_slice %arg2[%dma_start3A_6, %dma_start3A_7] : memref<10112x32xf32, #tpu.memory_space<hbm>> -> memref<10112x32xf32, #tpu.memory_space<hbm>>
    tpu.enqueue_indirect_dma source(%dma_start3A_8 : memref<10112x32xf32, #tpu.memory_space<hbm>>) target(%arg9 : memref<128x32xf32, #tpu.memory_space<vmem>>) offsets(%dma_start3A_5 : memref<128xi32, #tpu.memory_space<vmem>>) semaphore(%arg18 : memref<!tpu.dma_semaphore, #tpu.memory_space<semaphore_mem>>)
    %dma_start3A_9 = arith.constant 1 : i32
    %dma_start3A_10 = arith.constant 0 : i32
    %dma_start3A_11 = tpu.memref_slice %arg7[%dma_start3A_9, %dma_start3A_10] : memref<80x128xi32, #tpu.memory_space<vmem>> -> memref<1x128xi32, #tpu.memory_space<vmem>>
    %dma_start3A_12 = tpu.memref_squeeze %dma_start3A_11 : memref<1x128xi32, #tpu.memory_space<vmem>> -> memref<128xi32, #tpu.memory_space<vmem>>
    %dma_start3A_13 = arith.constant 0 : i32
    %dma_start3A_14 = arith.constant 0 : i32
    %dma_start3A_15 = tpu.memref_slice %arg2[%dma_start3A_13, %dma_start3A_14] : memref<10112x32xf32, #tpu.memory_space<hbm>> -> memref<10112x32xf32, #tpu.memory_space<hbm>>
    tpu.enqueue_indirect_dma source(%dma_start3A_15 : memref<10112x32xf32, #tpu.memory_space<hbm>>) target(%arg10 : memref<128x32xf32, #tpu.memory_space<vmem>>) offsets(%dma_start3A_12 : memref<128xi32, #tpu.memory_space<vmem>>) semaphore(%arg19 : memref<!tpu.dma_semaphore, #tpu.memory_space<semaphore_mem>>)
    %dma_start3A_16 = arith.constant 2 : i32
    %dma_start3A_17 = arith.constant 0 : i32
    %dma_start3A_18 = tpu.memref_slice %arg7[%dma_start3A_16, %dma_start3A_17] : memref<80x128xi32, #tpu.memory_space<vmem>> -> memref<1x128xi32, #tpu.memory_space<vmem>>
    %dma_start3A_19 = tpu.memref_squeeze %dma_start3A_18 : memref<1x128xi32, #tpu.memory_space<vmem>> -> memref<128xi32, #tpu.memory_space<vmem>>
    %dma_start3A_20 = arith.constant 0 : i32
    %dma_start3A_21 = arith.constant 0 : i32
    %dma_start3A_22 = tpu.memref_slice %arg2[%dma_start3A_20, %dma_start3A_21] : memref<10112x32xf32, #tpu.memory_space<hbm>> -> memref<10112x32xf32, #tpu.memory_space<hbm>>
    tpu.enqueue_indirect_dma source(%dma_start3A_22 : memref<10112x32xf32, #tpu.memory_space<hbm>>) target(%arg11 : memref<128x32xf32, #tpu.memory_space<vmem>>) offsets(%dma_start3A_19 : memref<128xi32, #tpu.memory_space<vmem>>) semaphore(%arg20 : memref<!tpu.dma_semaphore, #tpu.memory_space<semaphore_mem>>)
    %dma_start3A_23 = arith.constant 3 : i32
    %dma_start3A_24 = arith.constant 0 : i32
    %dma_start3A_25 = tpu.memref_slice %arg7[%dma_start3A_23, %dma_start3A_24] : memref<80x128xi32, #tpu.memory_space<vmem>> -> memref<1x128xi32, #tpu.memory_space<vmem>>
    %dma_start3A_26 = tpu.memref_squeeze %dma_start3A_25 : memref<1x128xi32, #tpu.memory_space<vmem>> -> memref<128xi32, #tpu.memory_space<vmem>>
    %dma_start3A_27 = arith.constant 0 : i32
    %dma_start3A_28 = arith.constant 0 : i32
    %dma_start3A_29 = tpu.memref_slice %arg2[%dma_start3A_27, %dma_start3A_28] : memref<10112x32xf32, #tpu.memory_space<hbm>> -> memref<10112x32xf32, #tpu.memory_space<hbm>>
    tpu.enqueue_indirect_dma source(%dma_start3A_29 : memref<10112x32xf32, #tpu.memory_space<hbm>>) target(%arg12 : memref<128x32xf32, #tpu.memory_space<vmem>>) offsets(%dma_start3A_26 : memref<128xi32, #tpu.memory_space<vmem>>) semaphore(%arg21 : memref<!tpu.dma_semaphore, #tpu.memory_space<semaphore_mem>>)
    %dma_start3A_30 = arith.constant 4 : i32
    %dma_start3A_31 = arith.constant 0 : i32
    %dma_start3A_32 = tpu.memref_slice %arg7[%dma_start3A_30, %dma_start3A_31] : memref<80x128xi32, #tpu.memory_space<vmem>> -> memref<1x128xi32, #tpu.memory_space<vmem>>
    %dma_start3A_33 = tpu.memref_squeeze %dma_start3A_32 : memref<1x128xi32, #tpu.memory_space<vmem>> -> memref<128xi32, #tpu.memory_space<vmem>>
    %dma_start3A_34 = arith.constant 0 : i32
    %dma_start3A_35 = arith.constant 0 : i32
    %dma_start3A_36 = tpu.memref_slice %arg2[%dma_start3A_34, %dma_start3A_35] : memref<10112x32xf32, #tpu.memory_space<hbm>> -> memref<10112x32xf32, #tpu.memory_space<hbm>>
    tpu.enqueue_indirect_dma source(%dma_start3A_36 : memref<10112x32xf32, #tpu.memory_space<hbm>>) target(%arg13 : memref<128x32xf32, #tpu.memory_space<vmem>>) offsets(%dma_start3A_33 : memref<128xi32, #tpu.memory_space<vmem>>) semaphore(%arg22 : memref<!tpu.dma_semaphore, #tpu.memory_space<semaphore_mem>>)
    %dma_start3A_37 = arith.constant 5 : i32
    %dma_start3A_38 = arith.constant 0 : i32
    %dma_start3A_39 = tpu.memref_slice %arg7[%dma_start3A_37, %dma_start3A_38] : memref<80x128xi32, #tpu.memory_space<vmem>> -> memref<1x128xi32, #tpu.memory_space<vmem>>
    %dma_start3A_40 = tpu.memref_squeeze %dma_start3A_39 : memref<1x128xi32, #tpu.memory_space<vmem>> -> memref<128xi32, #tpu.memory_space<vmem>>
    %dma_start3A_41 = arith.constant 0 : i32
    %dma_start3A_42 = arith.constant 0 : i32
    %dma_start3A_43 = tpu.memref_slice %arg2[%dma_start3A_41, %dma_start3A_42] : memref<10112x32xf32, #tpu.memory_space<hbm>> -> memref<10112x32xf32, #tpu.memory_space<hbm>>
    tpu.enqueue_indirect_dma source(%dma_start3A_43 : memref<10112x32xf32, #tpu.memory_space<hbm>>) target(%arg14 : memref<128x32xf32, #tpu.memory_space<vmem>>) offsets(%dma_start3A_40 : memref<128xi32, #tpu.memory_space<vmem>>) semaphore(%arg23 : memref<!tpu.dma_semaphore, #tpu.memory_space<semaphore_mem>>)
    %scan3A = arith.constant 0 : i32
    %scan3A_44 = arith.constant 0 : i32
    %scan3A_45 = arith.constant 10 : i32
    %scan3A_46 = arith.addi %scan3A_44, %scan3A_45 : i32
    %scan3A_47 = arith.constant 1 : i32
    scf.for %scan3A_109 = %scan3A_44 to %scan3A_46 step %scan3A_47  : i32 {
      %mul3A_110 = arith.constant 8 : i32
      %mul3A_111 = arith.muli %scan3A_109, %mul3A_110 : i32
      %add3A_112 = arith.constant 0 : i32
      %add3A_113 = arith.addi %mul3A_111, %add3A_112 : i32
      %add3A_114 = arith.constant 6 : i32
      %add3A_115 = arith.addi %add3A_113, %add3A_114 : i32
      %lt3A = arith.constant 80 : i32
      %lt3A_116 = arith.cmpi slt, %add3A_115, %lt3A : i32
      %convert_element_type3A = arith.extui %lt3A_116 : i1 to i32
      %cond3A = arith.constant 0 : i32
      %cond3A_117 = arith.cmpi ne, %convert_element_type3A, %cond3A : i32
      scf.if %cond3A_117 {
        %ge3A = arith.constant 2 : i32
        %ge3A_291 = arith.cmpi sge, %add3A_113, %ge3A : i32
        %convert_element_type3A_292 = arith.extui %ge3A_291 : i1 to i32
        %cond3A_293 = arith.constant 0 : i32
        %cond3A_294 = arith.cmpi ne, %convert_element_type3A_292, %cond3A_293 : i32
        scf.if %cond3A_294 {
          %sub3A = arith.constant 2 : i32
          %sub3A_303 = arith.subi %add3A_113, %sub3A : i32
          %dma_wait3A_304 = arith.constant 0 : i32
          %dma_wait3A_305 = tpu.memref_slice %arg8[%sub3A_303, %dma_wait3A_304] : memref<80x128xi32, #tpu.memory_space<vmem>> -> memref<1x128xi32, #tpu.memory_space<vmem>>
          %dma_wait3A_306 = tpu.memref_squeeze %dma_wait3A_305 : memref<1x128xi32, #tpu.memory_space<vmem>> -> memref<128xi32, #tpu.memory_space<vmem>>
          %dma_wait3A_307 = arith.constant 0 : i32
          %dma_wait3A_308 = arith.constant 0 : i32
          %dma_wait3A_309 = tpu.memref_slice %arg17[%dma_wait3A_307, %dma_wait3A_308] : memref<10112x32xf32, #tpu.memory_space<vmem_shared>> -> memref<10112x32xf32, #tpu.memory_space<vmem_shared>>
          tpu.wait_indirect_dma semaphore(%arg32 : memref<!tpu.dma_semaphore, #tpu.memory_space<semaphore_mem>>) src(%arg15 : memref<128x32xf32, #tpu.memory_space<vmem>>) dst(%dma_wait3A_309 : memref<10112x32xf32, #tpu.memory_space<vmem_shared>>)
        } else {
        }
        %add3A_295 = arith.constant 6 : i32
        %add3A_296 = arith.addi %add3A_113, %add3A_295 : i32
        %dma_start3A_297 = arith.constant 0 : i32
        %dma_start3A_298 = tpu.memref_slice %arg7[%add3A_296, %dma_start3A_297] : memref<80x128xi32, #tpu.memory_space<vmem>> -> memref<1x128xi32, #tpu.memory_space<vmem>>
        %dma_start3A_299 = tpu.memref_squeeze %dma_start3A_298 : memref<1x128xi32, #tpu.memory_space<vmem>> -> memref<128xi32, #tpu.memory_space<vmem>>
        %dma_start3A_300 = arith.constant 0 : i32
        %dma_start3A_301 = arith.constant 0 : i32
        %dma_start3A_302 = tpu.memref_slice %arg2[%dma_start3A_300, %dma_start3A_301] : memref<10112x32xf32, #tpu.memory_space<hbm>> -> memref<10112x32xf32, #tpu.memory_space<hbm>>
        tpu.enqueue_indirect_dma source(%dma_start3A_302 : memref<10112x32xf32, #tpu.memory_space<hbm>>) target(%arg15 : memref<128x32xf32, #tpu.memory_space<vmem>>) offsets(%dma_start3A_299 : memref<128xi32, #tpu.memory_space<vmem>>) semaphore(%arg24 : memref<!tpu.dma_semaphore, #tpu.memory_space<semaphore_mem>>)
      } else {
      }
      %dma_wait3A_118 = arith.constant 0 : i32
      %dma_wait3A_119 = tpu.memref_slice %arg7[%add3A_113, %dma_wait3A_118] : memref<80x128xi32, #tpu.memory_space<vmem>> -> memref<1x128xi32, #tpu.memory_space<vmem>>
      %dma_wait3A_120 = tpu.memref_squeeze %dma_wait3A_119 : memref<1x128xi32, #tpu.memory_space<vmem>> -> memref<128xi32, #tpu.memory_space<vmem>>
      %dma_wait3A_121 = arith.constant 0 : i32
      %dma_wait3A_122 = arith.constant 0 : i32
      %dma_wait3A_123 = tpu.memref_slice %arg2[%dma_wait3A_121, %dma_wait3A_122] : memref<10112x32xf32, #tpu.memory_space<hbm>> -> memref<10112x32xf32, #tpu.memory_space<hbm>>
      tpu.wait_indirect_dma semaphore(%arg18 : memref<!tpu.dma_semaphore, #tpu.memory_space<semaphore_mem>>) src(%dma_wait3A_123 : memref<10112x32xf32, #tpu.memory_space<hbm>>) dst(%arg9 : memref<128x32xf32, #tpu.memory_space<vmem>>)
      %dma_start3A_124 = arith.constant 0 : i32
      %dma_start3A_125 = tpu.memref_slice %arg8[%add3A_113, %dma_start3A_124] : memref<80x128xi32, #tpu.memory_space<vmem>> -> memref<1x128xi32, #tpu.memory_space<vmem>>
      %dma_start3A_126 = tpu.memref_squeeze %dma_start3A_125 : memref<1x128xi32, #tpu.memory_space<vmem>> -> memref<128xi32, #tpu.memory_space<vmem>>
      %dma_start3A_127 = arith.constant 0 : i32
      %dma_start3A_128 = arith.constant 0 : i32
      %dma_start3A_129 = tpu.memref_slice %arg17[%dma_start3A_127, %dma_start3A_128] : memref<10112x32xf32, #tpu.memory_space<vmem_shared>> -> memref<10112x32xf32, #tpu.memory_space<vmem_shared>>
      tpu.enqueue_indirect_dma source(%arg9 : memref<128x32xf32, #tpu.memory_space<vmem>>) target(%dma_start3A_129 : memref<10112x32xf32, #tpu.memory_space<vmem_shared>>) offsets(%dma_start3A_126 : memref<128xi32, #tpu.memory_space<vmem>>) semaphore(%arg26 : memref<!tpu.dma_semaphore, #tpu.memory_space<semaphore_mem>>) {add = true}
      %mul3A_130 = arith.constant 8 : i32
      %mul3A_131 = arith.muli %scan3A_109, %mul3A_130 : i32
      %add3A_132 = arith.constant 1 : i32
      %add3A_133 = arith.addi %mul3A_131, %add3A_132 : i32
      %add3A_134 = arith.constant 6 : i32
      %add3A_135 = arith.addi %add3A_133, %add3A_134 : i32
      %lt3A_136 = arith.constant 80 : i32
      %lt3A_137 = arith.cmpi slt, %add3A_135, %lt3A_136 : i32
      %convert_element_type3A_138 = arith.extui %lt3A_137 : i1 to i32
      %cond3A_139 = arith.constant 0 : i32
      %cond3A_140 = arith.cmpi ne, %convert_element_type3A_138, %cond3A_139 : i32
      scf.if %cond3A_140 {
        %ge3A = arith.constant 2 : i32
        %ge3A_291 = arith.cmpi sge, %add3A_133, %ge3A : i32
        %convert_element_type3A_292 = arith.extui %ge3A_291 : i1 to i32
        %cond3A_293 = arith.constant 0 : i32
        %cond3A_294 = arith.cmpi ne, %convert_element_type3A_292, %cond3A_293 : i32
        scf.if %cond3A_294 {
          %sub3A = arith.constant 2 : i32
          %sub3A_303 = arith.subi %add3A_133, %sub3A : i32
          %dma_wait3A_304 = arith.constant 0 : i32
          %dma_wait3A_305 = tpu.memref_slice %arg8[%sub3A_303, %dma_wait3A_304] : memref<80x128xi32, #tpu.memory_space<vmem>> -> memref<1x128xi32, #tpu.memory_space<vmem>>
          %dma_wait3A_306 = tpu.memref_squeeze %dma_wait3A_305 : memref<1x128xi32, #tpu.memory_space<vmem>> -> memref<128xi32, #tpu.memory_space<vmem>>
          %dma_wait3A_307 = arith.constant 0 : i32
          %dma_wait3A_308 = arith.constant 0 : i32
          %dma_wait3A_309 = tpu.memref_slice %arg17[%dma_wait3A_307, %dma_wait3A_308] : memref<10112x32xf32, #tpu.memory_space<vmem_shared>> -> memref<10112x32xf32, #tpu.memory_space<vmem_shared>>
          tpu.wait_indirect_dma semaphore(%arg33 : memref<!tpu.dma_semaphore, #tpu.memory_space<semaphore_mem>>) src(%arg16 : memref<128x32xf32, #tpu.memory_space<vmem>>) dst(%dma_wait3A_309 : memref<10112x32xf32, #tpu.memory_space<vmem_shared>>)
        } else {
        }
        %add3A_295 = arith.constant 6 : i32
        %add3A_296 = arith.addi %add3A_133, %add3A_295 : i32
        %dma_start3A_297 = arith.constant 0 : i32
        %dma_start3A_298 = tpu.memref_slice %arg7[%add3A_296, %dma_start3A_297] : memref<80x128xi32, #tpu.memory_space<vmem>> -> memref<1x128xi32, #tpu.memory_space<vmem>>
        %dma_start3A_299 = tpu.memref_squeeze %dma_start3A_298 : memref<1x128xi32, #tpu.memory_space<vmem>> -> memref<128xi32, #tpu.memory_space<vmem>>
        %dma_start3A_300 = arith.constant 0 : i32
        %dma_start3A_301 = arith.constant 0 : i32
        %dma_start3A_302 = tpu.memref_slice %arg2[%dma_start3A_300, %dma_start3A_301] : memref<10112x32xf32, #tpu.memory_space<hbm>> -> memref<10112x32xf32, #tpu.memory_space<hbm>>
        tpu.enqueue_indirect_dma source(%dma_start3A_302 : memref<10112x32xf32, #tpu.memory_space<hbm>>) target(%arg16 : memref<128x32xf32, #tpu.memory_space<vmem>>) offsets(%dma_start3A_299 : memref<128xi32, #tpu.memory_space<vmem>>) semaphore(%arg25 : memref<!tpu.dma_semaphore, #tpu.memory_space<semaphore_mem>>)
      } else {
      }
      %dma_wait3A_141 = arith.constant 0 : i32
      %dma_wait3A_142 = tpu.memref_slice %arg7[%add3A_133, %dma_wait3A_141] : memref<80x128xi32, #tpu.memory_space<vmem>> -> memref<1x128xi32, #tpu.memory_space<vmem>>
      %dma_wait3A_143 = tpu.memref_squeeze %dma_wait3A_142 : memref<1x128xi32, #tpu.memory_space<vmem>> -> memref<128xi32, #tpu.memory_space<vmem>>
      %dma_wait3A_144 = arith.constant 0 : i32
      %dma_wait3A_145 = arith.constant 0 : i32
      %dma_wait3A_146 = tpu.memref_slice %arg2[%dma_wait3A_144, %dma_wait3A_145] : memref<10112x32xf32, #tpu.memory_space<hbm>> -> memref<10112x32xf32, #tpu.memory_space<hbm>>
      tpu.wait_indirect_dma semaphore(%arg19 : memref<!tpu.dma_semaphore, #tpu.memory_space<semaphore_mem>>) src(%dma_wait3A_146 : memref<10112x32xf32, #tpu.memory_space<hbm>>) dst(%arg10 : memref<128x32xf32, #tpu.memory_space<vmem>>)
      %dma_start3A_147 = arith.constant 0 : i32
      %dma_start3A_148 = tpu.memref_slice %arg8[%add3A_133, %dma_start3A_147] : memref<80x128xi32, #tpu.memory_space<vmem>> -> memref<1x128xi32, #tpu.memory_space<vmem>>
      %dma_start3A_149 = tpu.memref_squeeze %dma_start3A_148 : memref<1x128xi32, #tpu.memory_space<vmem>> -> memref<128xi32, #tpu.memory_space<vmem>>
      %dma_start3A_150 = arith.constant 0 : i32
      %dma_start3A_151 = arith.constant 0 : i32
      %dma_start3A_152 = tpu.memref_slice %arg17[%dma_start3A_150, %dma_start3A_151] : memref<10112x32xf32, #tpu.memory_space<vmem_shared>> -> memref<10112x32xf32, #tpu.memory_space<vmem_shared>>
      tpu.enqueue_indirect_dma source(%arg10 : memref<128x32xf32, #tpu.memory_space<vmem>>) target(%dma_start3A_152 : memref<10112x32xf32, #tpu.memory_space<vmem_shared>>) offsets(%dma_start3A_149 : memref<128xi32, #tpu.memory_space<vmem>>) semaphore(%arg27 : memref<!tpu.dma_semaphore, #tpu.memory_space<semaphore_mem>>) {add = true}
      %mul3A_153 = arith.constant 8 : i32
      %mul3A_154 = arith.muli %scan3A_109, %mul3A_153 : i32
      %add3A_155 = arith.constant 2 : i32
      %add3A_156 = arith.addi %mul3A_154, %add3A_155 : i32
      %add3A_157 = arith.constant 6 : i32
      %add3A_158 = arith.addi %add3A_156, %add3A_157 : i32
      %lt3A_159 = arith.constant 80 : i32
      %lt3A_160 = arith.cmpi slt, %add3A_158, %lt3A_159 : i32
      %convert_element_type3A_161 = arith.extui %lt3A_160 : i1 to i32
      %cond3A_162 = arith.constant 0 : i32
      %cond3A_163 = arith.cmpi ne, %convert_element_type3A_161, %cond3A_162 : i32
      scf.if %cond3A_163 {
        %ge3A = arith.constant 2 : i32
        %ge3A_291 = arith.cmpi sge, %add3A_156, %ge3A : i32
        %convert_element_type3A_292 = arith.extui %ge3A_291 : i1 to i32
        %cond3A_293 = arith.constant 0 : i32
        %cond3A_294 = arith.cmpi ne, %convert_element_type3A_292, %cond3A_293 : i32
        scf.if %cond3A_294 {
          %sub3A = arith.constant 2 : i32
          %sub3A_303 = arith.subi %add3A_156, %sub3A : i32
          %dma_wait3A_304 = arith.constant 0 : i32
          %dma_wait3A_305 = tpu.memref_slice %arg8[%sub3A_303, %dma_wait3A_304] : memref<80x128xi32, #tpu.memory_space<vmem>> -> memref<1x128xi32, #tpu.memory_space<vmem>>
          %dma_wait3A_306 = tpu.memref_squeeze %dma_wait3A_305 : memref<1x128xi32, #tpu.memory_space<vmem>> -> memref<128xi32, #tpu.memory_space<vmem>>
          %dma_wait3A_307 = arith.constant 0 : i32
          %dma_wait3A_308 = arith.constant 0 : i32
          %dma_wait3A_309 = tpu.memref_slice %arg17[%dma_wait3A_307, %dma_wait3A_308] : memref<10112x32xf32, #tpu.memory_space<vmem_shared>> -> memref<10112x32xf32, #tpu.memory_space<vmem_shared>>
          tpu.wait_indirect_dma semaphore(%arg26 : memref<!tpu.dma_semaphore, #tpu.memory_space<semaphore_mem>>) src(%arg9 : memref<128x32xf32, #tpu.memory_space<vmem>>) dst(%dma_wait3A_309 : memref<10112x32xf32, #tpu.memory_space<vmem_shared>>)
        } else {
        }
        %add3A_295 = arith.constant 6 : i32
        %add3A_296 = arith.addi %add3A_156, %add3A_295 : i32
        %dma_start3A_297 = arith.constant 0 : i32
        %dma_start3A_298 = tpu.memref_slice %arg7[%add3A_296, %dma_start3A_297] : memref<80x128xi32, #tpu.memory_space<vmem>> -> memref<1x128xi32, #tpu.memory_space<vmem>>
        %dma_start3A_299 = tpu.memref_squeeze %dma_start3A_298 : memref<1x128xi32, #tpu.memory_space<vmem>> -> memref<128xi32, #tpu.memory_space<vmem>>
        %dma_start3A_300 = arith.constant 0 : i32
        %dma_start3A_301 = arith.constant 0 : i32
        %dma_start3A_302 = tpu.memref_slice %arg2[%dma_start3A_300, %dma_start3A_301] : memref<10112x32xf32, #tpu.memory_space<hbm>> -> memref<10112x32xf32, #tpu.memory_space<hbm>>
        tpu.enqueue_indirect_dma source(%dma_start3A_302 : memref<10112x32xf32, #tpu.memory_space<hbm>>) target(%arg9 : memref<128x32xf32, #tpu.memory_space<vmem>>) offsets(%dma_start3A_299 : memref<128xi32, #tpu.memory_space<vmem>>) semaphore(%arg18 : memref<!tpu.dma_semaphore, #tpu.memory_space<semaphore_mem>>)
      } else {
      }
      %dma_wait3A_164 = arith.constant 0 : i32
      %dma_wait3A_165 = tpu.memref_slice %arg7[%add3A_156, %dma_wait3A_164] : memref<80x128xi32, #tpu.memory_space<vmem>> -> memref<1x128xi32, #tpu.memory_space<vmem>>
      %dma_wait3A_166 = tpu.memref_squeeze %dma_wait3A_165 : memref<1x128xi32, #tpu.memory_space<vmem>> -> memref<128xi32, #tpu.memory_space<vmem>>
      %dma_wait3A_167 = arith.constant 0 : i32
      %dma_wait3A_168 = arith.constant 0 : i32
      %dma_wait3A_169 = tpu.memref_slice %arg2[%dma_wait3A_167, %dma_wait3A_168] : memref<10112x32xf32, #tpu.memory_space<hbm>> -> memref<10112x32xf32, #tpu.memory_space<hbm>>
      tpu.wait_indirect_dma semaphore(%arg20 : memref<!tpu.dma_semaphore, #tpu.memory_space<semaphore_mem>>) src(%dma_wait3A_169 : memref<10112x32xf32, #tpu.memory_space<hbm>>) dst(%arg11 : memref<128x32xf32, #tpu.memory_space<vmem>>)
      %dma_start3A_170 = arith.constant 0 : i32
      %dma_start3A_171 = tpu.memref_slice %arg8[%add3A_156, %dma_start3A_170] : memref<80x128xi32, #tpu.memory_space<vmem>> -> memref<1x128xi32, #tpu.memory_space<vmem>>
      %dma_start3A_172 = tpu.memref_squeeze %dma_start3A_171 : memref<1x128xi32, #tpu.memory_space<vmem>> -> memref<128xi32, #tpu.memory_space<vmem>>
      %dma_start3A_173 = arith.constant 0 : i32
      %dma_start3A_174 = arith.constant 0 : i32
      %dma_start3A_175 = tpu.memref_slice %arg17[%dma_start3A_173, %dma_start3A_174] : memref<10112x32xf32, #tpu.memory_space<vmem_shared>> -> memref<10112x32xf32, #tpu.memory_space<vmem_shared>>
      tpu.enqueue_indirect_dma source(%arg11 : memref<128x32xf32, #tpu.memory_space<vmem>>) target(%dma_start3A_175 : memref<10112x32xf32, #tpu.memory_space<vmem_shared>>) offsets(%dma_start3A_172 : memref<128xi32, #tpu.memory_space<vmem>>) semaphore(%arg28 : memref<!tpu.dma_semaphore, #tpu.memory_space<semaphore_mem>>) {add = true}
      %mul3A_176 = arith.constant 8 : i32
      %mul3A_177 = arith.muli %scan3A_109, %mul3A_176 : i32
      %add3A_178 = arith.constant 3 : i32
      %add3A_179 = arith.addi %mul3A_177, %add3A_178 : i32
      %add3A_180 = arith.constant 6 : i32
      %add3A_181 = arith.addi %add3A_179, %add3A_180 : i32
      %lt3A_182 = arith.constant 80 : i32
      %lt3A_183 = arith.cmpi slt, %add3A_181, %lt3A_182 : i32
      %convert_element_type3A_184 = arith.extui %lt3A_183 : i1 to i32
      %cond3A_185 = arith.constant 0 : i32
      %cond3A_186 = arith.cmpi ne, %convert_element_type3A_184, %cond3A_185 : i32
      scf.if %cond3A_186 {
        %ge3A = arith.constant 2 : i32
        %ge3A_291 = arith.cmpi sge, %add3A_179, %ge3A : i32
        %convert_element_type3A_292 = arith.extui %ge3A_291 : i1 to i32
        %cond3A_293 = arith.constant 0 : i32
        %cond3A_294 = arith.cmpi ne, %convert_element_type3A_292, %cond3A_293 : i32
        scf.if %cond3A_294 {
          %sub3A = arith.constant 2 : i32
          %sub3A_303 = arith.subi %add3A_179, %sub3A : i32
          %dma_wait3A_304 = arith.constant 0 : i32
          %dma_wait3A_305 = tpu.memref_slice %arg8[%sub3A_303, %dma_wait3A_304] : memref<80x128xi32, #tpu.memory_space<vmem>> -> memref<1x128xi32, #tpu.memory_space<vmem>>
          %dma_wait3A_306 = tpu.memref_squeeze %dma_wait3A_305 : memref<1x128xi32, #tpu.memory_space<vmem>> -> memref<128xi32, #tpu.memory_space<vmem>>
          %dma_wait3A_307 = arith.constant 0 : i32
          %dma_wait3A_308 = arith.constant 0 : i32
          %dma_wait3A_309 = tpu.memref_slice %arg17[%dma_wait3A_307, %dma_wait3A_308] : memref<10112x32xf32, #tpu.memory_space<vmem_shared>> -> memref<10112x32xf32, #tpu.memory_space<vmem_shared>>
          tpu.wait_indirect_dma semaphore(%arg27 : memref<!tpu.dma_semaphore, #tpu.memory_space<semaphore_mem>>) src(%arg10 : memref<128x32xf32, #tpu.memory_space<vmem>>) dst(%dma_wait3A_309 : memref<10112x32xf32, #tpu.memory_space<vmem_shared>>)
        } else {
        }
        %add3A_295 = arith.constant 6 : i32
        %add3A_296 = arith.addi %add3A_179, %add3A_295 : i32
        %dma_start3A_297 = arith.constant 0 : i32
        %dma_start3A_298 = tpu.memref_slice %arg7[%add3A_296, %dma_start3A_297] : memref<80x128xi32, #tpu.memory_space<vmem>> -> memref<1x128xi32, #tpu.memory_space<vmem>>
        %dma_start3A_299 = tpu.memref_squeeze %dma_start3A_298 : memref<1x128xi32, #tpu.memory_space<vmem>> -> memref<128xi32, #tpu.memory_space<vmem>>
        %dma_start3A_300 = arith.constant 0 : i32
        %dma_start3A_301 = arith.constant 0 : i32
        %dma_start3A_302 = tpu.memref_slice %arg2[%dma_start3A_300, %dma_start3A_301] : memref<10112x32xf32, #tpu.memory_space<hbm>> -> memref<10112x32xf32, #tpu.memory_space<hbm>>
        tpu.enqueue_indirect_dma source(%dma_start3A_302 : memref<10112x32xf32, #tpu.memory_space<hbm>>) target(%arg10 : memref<128x32xf32, #tpu.memory_space<vmem>>) offsets(%dma_start3A_299 : memref<128xi32, #tpu.memory_space<vmem>>) semaphore(%arg19 : memref<!tpu.dma_semaphore, #tpu.memory_space<semaphore_mem>>)
      } else {
      }
      %dma_wait3A_187 = arith.constant 0 : i32
      %dma_wait3A_188 = tpu.memref_slice %arg7[%add3A_179, %dma_wait3A_187] : memref<80x128xi32, #tpu.memory_space<vmem>> -> memref<1x128xi32, #tpu.memory_space<vmem>>
      %dma_wait3A_189 = tpu.memref_squeeze %dma_wait3A_188 : memref<1x128xi32, #tpu.memory_space<vmem>> -> memref<128xi32, #tpu.memory_space<vmem>>
      %dma_wait3A_190 = arith.constant 0 : i32
      %dma_wait3A_191 = arith.constant 0 : i32
      %dma_wait3A_192 = tpu.memref_slice %arg2[%dma_wait3A_190, %dma_wait3A_191] : memref<10112x32xf32, #tpu.memory_space<hbm>> -> memref<10112x32xf32, #tpu.memory_space<hbm>>
      tpu.wait_indirect_dma semaphore(%arg21 : memref<!tpu.dma_semaphore, #tpu.memory_space<semaphore_mem>>) src(%dma_wait3A_192 : memref<10112x32xf32, #tpu.memory_space<hbm>>) dst(%arg12 : memref<128x32xf32, #tpu.memory_space<vmem>>)
      %dma_start3A_193 = arith.constant 0 : i32
      %dma_start3A_194 = tpu.memref_slice %arg8[%add3A_179, %dma_start3A_193] : memref<80x128xi32, #tpu.memory_space<vmem>> -> memref<1x128xi32, #tpu.memory_space<vmem>>
      %dma_start3A_195 = tpu.memref_squeeze %dma_start3A_194 : memref<1x128xi32, #tpu.memory_space<vmem>> -> memref<128xi32, #tpu.memory_space<vmem>>
      %dma_start3A_196 = arith.constant 0 : i32
      %dma_start3A_197 = arith.constant 0 : i32
      %dma_start3A_198 = tpu.memref_slice %arg17[%dma_start3A_196, %dma_start3A_197] : memref<10112x32xf32, #tpu.memory_space<vmem_shared>> -> memref<10112x32xf32, #tpu.memory_space<vmem_shared>>
      tpu.enqueue_indirect_dma source(%arg12 : memref<128x32xf32, #tpu.memory_space<vmem>>) target(%dma_start3A_198 : memref<10112x32xf32, #tpu.memory_space<vmem_shared>>) offsets(%dma_start3A_195 : memref<128xi32, #tpu.memory_space<vmem>>) semaphore(%arg29 : memref<!tpu.dma_semaphore, #tpu.memory_space<semaphore_mem>>) {add = true}
      %mul3A_199 = arith.constant 8 : i32
      %mul3A_200 = arith.muli %scan3A_109, %mul3A_199 : i32
      %add3A_201 = arith.constant 4 : i32
      %add3A_202 = arith.addi %mul3A_200, %add3A_201 : i32
      %add3A_203 = arith.constant 6 : i32
      %add3A_204 = arith.addi %add3A_202, %add3A_203 : i32
      %lt3A_205 = arith.constant 80 : i32
      %lt3A_206 = arith.cmpi slt, %add3A_204, %lt3A_205 : i32
      %convert_element_type3A_207 = arith.extui %lt3A_206 : i1 to i32
      %cond3A_208 = arith.constant 0 : i32
      %cond3A_209 = arith.cmpi ne, %convert_element_type3A_207, %cond3A_208 : i32
      scf.if %cond3A_209 {
        %ge3A = arith.constant 2 : i32
        %ge3A_291 = arith.cmpi sge, %add3A_202, %ge3A : i32
        %convert_element_type3A_292 = arith.extui %ge3A_291 : i1 to i32
        %cond3A_293 = arith.constant 0 : i32
        %cond3A_294 = arith.cmpi ne, %convert_element_type3A_292, %cond3A_293 : i32
        scf.if %cond3A_294 {
          %sub3A = arith.constant 2 : i32
          %sub3A_303 = arith.subi %add3A_202, %sub3A : i32
          %dma_wait3A_304 = arith.constant 0 : i32
          %dma_wait3A_305 = tpu.memref_slice %arg8[%sub3A_303, %dma_wait3A_304] : memref<80x128xi32, #tpu.memory_space<vmem>> -> memref<1x128xi32, #tpu.memory_space<vmem>>
          %dma_wait3A_306 = tpu.memref_squeeze %dma_wait3A_305 : memref<1x128xi32, #tpu.memory_space<vmem>> -> memref<128xi32, #tpu.memory_space<vmem>>
          %dma_wait3A_307 = arith.constant 0 : i32
          %dma_wait3A_308 = arith.constant 0 : i32
          %dma_wait3A_309 = tpu.memref_slice %arg17[%dma_wait3A_307, %dma_wait3A_308] : memref<10112x32xf32, #tpu.memory_space<vmem_shared>> -> memref<10112x32xf32, #tpu.memory_space<vmem_shared>>
          tpu.wait_indirect_dma semaphore(%arg28 : memref<!tpu.dma_semaphore, #tpu.memory_space<semaphore_mem>>) src(%arg11 : memref<128x32xf32, #tpu.memory_space<vmem>>) dst(%dma_wait3A_309 : memref<10112x32xf32, #tpu.memory_space<vmem_shared>>)
        } else {
        }
        %add3A_295 = arith.constant 6 : i32
        %add3A_296 = arith.addi %add3A_202, %add3A_295 : i32
        %dma_start3A_297 = arith.constant 0 : i32
        %dma_start3A_298 = tpu.memref_slice %arg7[%add3A_296, %dma_start3A_297] : memref<80x128xi32, #tpu.memory_space<vmem>> -> memref<1x128xi32, #tpu.memory_space<vmem>>
        %dma_start3A_299 = tpu.memref_squeeze %dma_start3A_298 : memref<1x128xi32, #tpu.memory_space<vmem>> -> memref<128xi32, #tpu.memory_space<vmem>>
        %dma_start3A_300 = arith.constant 0 : i32
        %dma_start3A_301 = arith.constant 0 : i32
        %dma_start3A_302 = tpu.memref_slice %arg2[%dma_start3A_300, %dma_start3A_301] : memref<10112x32xf32, #tpu.memory_space<hbm>> -> memref<10112x32xf32, #tpu.memory_space<hbm>>
        tpu.enqueue_indirect_dma source(%dma_start3A_302 : memref<10112x32xf32, #tpu.memory_space<hbm>>) target(%arg11 : memref<128x32xf32, #tpu.memory_space<vmem>>) offsets(%dma_start3A_299 : memref<128xi32, #tpu.memory_space<vmem>>) semaphore(%arg20 : memref<!tpu.dma_semaphore, #tpu.memory_space<semaphore_mem>>)
      } else {
      }
      %dma_wait3A_210 = arith.constant 0 : i32
      %dma_wait3A_211 = tpu.memref_slice %arg7[%add3A_202, %dma_wait3A_210] : memref<80x128xi32, #tpu.memory_space<vmem>> -> memref<1x128xi32, #tpu.memory_space<vmem>>
      %dma_wait3A_212 = tpu.memref_squeeze %dma_wait3A_211 : memref<1x128xi32, #tpu.memory_space<vmem>> -> memref<128xi32, #tpu.memory_space<vmem>>
      %dma_wait3A_213 = arith.constant 0 : i32
      %dma_wait3A_214 = arith.constant 0 : i32
      %dma_wait3A_215 = tpu.memref_slice %arg2[%dma_wait3A_213, %dma_wait3A_214] : memref<10112x32xf32, #tpu.memory_space<hbm>> -> memref<10112x32xf32, #tpu.memory_space<hbm>>
      tpu.wait_indirect_dma semaphore(%arg22 : memref<!tpu.dma_semaphore, #tpu.memory_space<semaphore_mem>>) src(%dma_wait3A_215 : memref<10112x32xf32, #tpu.memory_space<hbm>>) dst(%arg13 : memref<128x32xf32, #tpu.memory_space<vmem>>)
      %dma_start3A_216 = arith.constant 0 : i32
      %dma_start3A_217 = tpu.memref_slice %arg8[%add3A_202, %dma_start3A_216] : memref<80x128xi32, #tpu.memory_space<vmem>> -> memref<1x128xi32, #tpu.memory_space<vmem>>
      %dma_start3A_218 = tpu.memref_squeeze %dma_start3A_217 : memref<1x128xi32, #tpu.memory_space<vmem>> -> memref<128xi32, #tpu.memory_space<vmem>>
      %dma_start3A_219 = arith.constant 0 : i32
      %dma_start3A_220 = arith.constant 0 : i32
      %dma_start3A_221 = tpu.memref_slice %arg17[%dma_start3A_219, %dma_start3A_220] : memref<10112x32xf32, #tpu.memory_space<vmem_shared>> -> memref<10112x32xf32, #tpu.memory_space<vmem_shared>>
      tpu.enqueue_indirect_dma source(%arg13 : memref<128x32xf32, #tpu.memory_space<vmem>>) target(%dma_start3A_221 : memref<10112x32xf32, #tpu.memory_space<vmem_shared>>) offsets(%dma_start3A_218 : memref<128xi32, #tpu.memory_space<vmem>>) semaphore(%arg30 : memref<!tpu.dma_semaphore, #tpu.memory_space<semaphore_mem>>) {add = true}
      %mul3A_222 = arith.constant 8 : i32
      %mul3A_223 = arith.muli %scan3A_109, %mul3A_222 : i32
      %add3A_224 = arith.constant 5 : i32
      %add3A_225 = arith.addi %mul3A_223, %add3A_224 : i32
      %add3A_226 = arith.constant 6 : i32
      %add3A_227 = arith.addi %add3A_225, %add3A_226 : i32
      %lt3A_228 = arith.constant 80 : i32
      %lt3A_229 = arith.cmpi slt, %add3A_227, %lt3A_228 : i32
      %convert_element_type3A_230 = arith.extui %lt3A_229 : i1 to i32
      %cond3A_231 = arith.constant 0 : i32
      %cond3A_232 = arith.cmpi ne, %convert_element_type3A_230, %cond3A_231 : i32
      scf.if %cond3A_232 {
        %ge3A = arith.constant 2 : i32
        %ge3A_291 = arith.cmpi sge, %add3A_225, %ge3A : i32
        %convert_element_type3A_292 = arith.extui %ge3A_291 : i1 to i32
        %cond3A_293 = arith.constant 0 : i32
        %cond3A_294 = arith.cmpi ne, %convert_element_type3A_292, %cond3A_293 : i32
        scf.if %cond3A_294 {
          %sub3A = arith.constant 2 : i32
          %sub3A_303 = arith.subi %add3A_225, %sub3A : i32
          %dma_wait3A_304 = arith.constant 0 : i32
          %dma_wait3A_305 = tpu.memref_slice %arg8[%sub3A_303, %dma_wait3A_304] : memref<80x128xi32, #tpu.memory_space<vmem>> -> memref<1x128xi32, #tpu.memory_space<vmem>>
          %dma_wait3A_306 = tpu.memref_squeeze %dma_wait3A_305 : memref<1x128xi32, #tpu.memory_space<vmem>> -> memref<128xi32, #tpu.memory_space<vmem>>
          %dma_wait3A_307 = arith.constant 0 : i32
          %dma_wait3A_308 = arith.constant 0 : i32
          %dma_wait3A_309 = tpu.memref_slice %arg17[%dma_wait3A_307, %dma_wait3A_308] : memref<10112x32xf32, #tpu.memory_space<vmem_shared>> -> memref<10112x32xf32, #tpu.memory_space<vmem_shared>>
          tpu.wait_indirect_dma semaphore(%arg29 : memref<!tpu.dma_semaphore, #tpu.memory_space<semaphore_mem>>) src(%arg12 : memref<128x32xf32, #tpu.memory_space<vmem>>) dst(%dma_wait3A_309 : memref<10112x32xf32, #tpu.memory_space<vmem_shared>>)
        } else {
        }
        %add3A_295 = arith.constant 6 : i32
        %add3A_296 = arith.addi %add3A_225, %add3A_295 : i32
        %dma_start3A_297 = arith.constant 0 : i32
        %dma_start3A_298 = tpu.memref_slice %arg7[%add3A_296, %dma_start3A_297] : memref<80x128xi32, #tpu.memory_space<vmem>> -> memref<1x128xi32, #tpu.memory_space<vmem>>
        %dma_start3A_299 = tpu.memref_squeeze %dma_start3A_298 : memref<1x128xi32, #tpu.memory_space<vmem>> -> memref<128xi32, #tpu.memory_space<vmem>>
        %dma_start3A_300 = arith.constant 0 : i32
        %dma_start3A_301 = arith.constant 0 : i32
        %dma_start3A_302 = tpu.memref_slice %arg2[%dma_start3A_300, %dma_start3A_301] : memref<10112x32xf32, #tpu.memory_space<hbm>> -> memref<10112x32xf32, #tpu.memory_space<hbm>>
        tpu.enqueue_indirect_dma source(%dma_start3A_302 : memref<10112x32xf32, #tpu.memory_space<hbm>>) target(%arg12 : memref<128x32xf32, #tpu.memory_space<vmem>>) offsets(%dma_start3A_299 : memref<128xi32, #tpu.memory_space<vmem>>) semaphore(%arg21 : memref<!tpu.dma_semaphore, #tpu.memory_space<semaphore_mem>>)
      } else {
      }
      %dma_wait3A_233 = arith.constant 0 : i32
      %dma_wait3A_234 = tpu.memref_slice %arg7[%add3A_225, %dma_wait3A_233] : memref<80x128xi32, #tpu.memory_space<vmem>> -> memref<1x128xi32, #tpu.memory_space<vmem>>
      %dma_wait3A_235 = tpu.memref_squeeze %dma_wait3A_234 : memref<1x128xi32, #tpu.memory_space<vmem>> -> memref<128xi32, #tpu.memory_space<vmem>>
      %dma_wait3A_236 = arith.constant 0 : i32
      %dma_wait3A_237 = arith.constant 0 : i32
      %dma_wait3A_238 = tpu.memref_slice %arg2[%dma_wait3A_236, %dma_wait3A_237] : memref<10112x32xf32, #tpu.memory_space<hbm>> -> memref<10112x32xf32, #tpu.memory_space<hbm>>
      tpu.wait_indirect_dma semaphore(%arg23 : memref<!tpu.dma_semaphore, #tpu.memory_space<semaphore_mem>>) src(%dma_wait3A_238 : memref<10112x32xf32, #tpu.memory_space<hbm>>) dst(%arg14 : memref<128x32xf32, #tpu.memory_space<vmem>>)
      %dma_start3A_239 = arith.constant 0 : i32
      %dma_start3A_240 = tpu.memref_slice %arg8[%add3A_225, %dma_start3A_239] : memref<80x128xi32, #tpu.memory_space<vmem>> -> memref<1x128xi32, #tpu.memory_space<vmem>>
      %dma_start3A_241 = tpu.memref_squeeze %dma_start3A_240 : memref<1x128xi32, #tpu.memory_space<vmem>> -> memref<128xi32, #tpu.memory_space<vmem>>
      %dma_start3A_242 = arith.constant 0 : i32
      %dma_start3A_243 = arith.constant 0 : i32
      %dma_start3A_244 = tpu.memref_slice %arg17[%dma_start3A_242, %dma_start3A_243] : memref<10112x32xf32, #tpu.memory_space<vmem_shared>> -> memref<10112x32xf32, #tpu.memory_space<vmem_shared>>
      tpu.enqueue_indirect_dma source(%arg14 : memref<128x32xf32, #tpu.memory_space<vmem>>) target(%dma_start3A_244 : memref<10112x32xf32, #tpu.memory_space<vmem_shared>>) offsets(%dma_start3A_241 : memref<128xi32, #tpu.memory_space<vmem>>) semaphore(%arg31 : memref<!tpu.dma_semaphore, #tpu.memory_space<semaphore_mem>>) {add = true}
      %mul3A_245 = arith.constant 8 : i32
      %mul3A_246 = arith.muli %scan3A_109, %mul3A_245 : i32
      %add3A_247 = arith.constant 6 : i32
      %add3A_248 = arith.addi %mul3A_246, %add3A_247 : i32
      %add3A_249 = arith.constant 6 : i32
      %add3A_250 = arith.addi %add3A_248, %add3A_249 : i32
      %lt3A_251 = arith.constant 80 : i32
      %lt3A_252 = arith.cmpi slt, %add3A_250, %lt3A_251 : i32
      %convert_element_type3A_253 = arith.extui %lt3A_252 : i1 to i32
      %cond3A_254 = arith.constant 0 : i32
      %cond3A_255 = arith.cmpi ne, %convert_element_type3A_253, %cond3A_254 : i32
      scf.if %cond3A_255 {
        %ge3A = arith.constant 2 : i32
        %ge3A_291 = arith.cmpi sge, %add3A_248, %ge3A : i32
        %convert_element_type3A_292 = arith.extui %ge3A_291 : i1 to i32
        %cond3A_293 = arith.constant 0 : i32
        %cond3A_294 = arith.cmpi ne, %convert_element_type3A_292, %cond3A_293 : i32
        scf.if %cond3A_294 {
          %sub3A = arith.constant 2 : i32
          %sub3A_303 = arith.subi %add3A_248, %sub3A : i32
          %dma_wait3A_304 = arith.constant 0 : i32
          %dma_wait3A_305 = tpu.memref_slice %arg8[%sub3A_303, %dma_wait3A_304] : memref<80x128xi32, #tpu.memory_space<vmem>> -> memref<1x128xi32, #tpu.memory_space<vmem>>
          %dma_wait3A_306 = tpu.memref_squeeze %dma_wait3A_305 : memref<1x128xi32, #tpu.memory_space<vmem>> -> memref<128xi32, #tpu.memory_space<vmem>>
          %dma_wait3A_307 = arith.constant 0 : i32
          %dma_wait3A_308 = arith.constant 0 : i32
          %dma_wait3A_309 = tpu.memref_slice %arg17[%dma_wait3A_307, %dma_wait3A_308] : memref<10112x32xf32, #tpu.memory_space<vmem_shared>> -> memref<10112x32xf32, #tpu.memory_space<vmem_shared>>
          tpu.wait_indirect_dma semaphore(%arg30 : memref<!tpu.dma_semaphore, #tpu.memory_space<semaphore_mem>>) src(%arg13 : memref<128x32xf32, #tpu.memory_space<vmem>>) dst(%dma_wait3A_309 : memref<10112x32xf32, #tpu.memory_space<vmem_shared>>)
        } else {
        }
        %add3A_295 = arith.constant 6 : i32
        %add3A_296 = arith.addi %add3A_248, %add3A_295 : i32
        %dma_start3A_297 = arith.constant 0 : i32
        %dma_start3A_298 = tpu.memref_slice %arg7[%add3A_296, %dma_start3A_297] : memref<80x128xi32, #tpu.memory_space<vmem>> -> memref<1x128xi32, #tpu.memory_space<vmem>>
        %dma_start3A_299 = tpu.memref_squeeze %dma_start3A_298 : memref<1x128xi32, #tpu.memory_space<vmem>> -> memref<128xi32, #tpu.memory_space<vmem>>
        %dma_start3A_300 = arith.constant 0 : i32
        %dma_start3A_301 = arith.constant 0 : i32
        %dma_start3A_302 = tpu.memref_slice %arg2[%dma_start3A_300, %dma_start3A_301] : memref<10112x32xf32, #tpu.memory_space<hbm>> -> memref<10112x32xf32, #tpu.memory_space<hbm>>
        tpu.enqueue_indirect_dma source(%dma_start3A_302 : memref<10112x32xf32, #tpu.memory_space<hbm>>) target(%arg13 : memref<128x32xf32, #tpu.memory_space<vmem>>) offsets(%dma_start3A_299 : memref<128xi32, #tpu.memory_space<vmem>>) semaphore(%arg22 : memref<!tpu.dma_semaphore, #tpu.memory_space<semaphore_mem>>)
      } else {
      }
      %dma_wait3A_256 = arith.constant 0 : i32
      %dma_wait3A_257 = tpu.memref_slice %arg7[%add3A_248, %dma_wait3A_256] : memref<80x128xi32, #tpu.memory_space<vmem>> -> memref<1x128xi32, #tpu.memory_space<vmem>>
      %dma_wait3A_258 = tpu.memref_squeeze %dma_wait3A_257 : memref<1x128xi32, #tpu.memory_space<vmem>> -> memref<128xi32, #tpu.memory_space<vmem>>
      %dma_wait3A_259 = arith.constant 0 : i32
      %dma_wait3A_260 = arith.constant 0 : i32
      %dma_wait3A_261 = tpu.memref_slice %arg2[%dma_wait3A_259, %dma_wait3A_260] : memref<10112x32xf32, #tpu.memory_space<hbm>> -> memref<10112x32xf32, #tpu.memory_space<hbm>>
      tpu.wait_indirect_dma semaphore(%arg24 : memref<!tpu.dma_semaphore, #tpu.memory_space<semaphore_mem>>) src(%dma_wait3A_261 : memref<10112x32xf32, #tpu.memory_space<hbm>>) dst(%arg15 : memref<128x32xf32, #tpu.memory_space<vmem>>)
      %dma_start3A_262 = arith.constant 0 : i32
      %dma_start3A_263 = tpu.memref_slice %arg8[%add3A_248, %dma_start3A_262] : memref<80x128xi32, #tpu.memory_space<vmem>> -> memref<1x128xi32, #tpu.memory_space<vmem>>
      %dma_start3A_264 = tpu.memref_squeeze %dma_start3A_263 : memref<1x128xi32, #tpu.memory_space<vmem>> -> memref<128xi32, #tpu.memory_space<vmem>>
      %dma_start3A_265 = arith.constant 0 : i32
      %dma_start3A_266 = arith.constant 0 : i32
      %dma_start3A_267 = tpu.memref_slice %arg17[%dma_start3A_265, %dma_start3A_266] : memref<10112x32xf32, #tpu.memory_space<vmem_shared>> -> memref<10112x32xf32, #tpu.memory_space<vmem_shared>>
      tpu.enqueue_indirect_dma source(%arg15 : memref<128x32xf32, #tpu.memory_space<vmem>>) target(%dma_start3A_267 : memref<10112x32xf32, #tpu.memory_space<vmem_shared>>) offsets(%dma_start3A_264 : memref<128xi32, #tpu.memory_space<vmem>>) semaphore(%arg32 : memref<!tpu.dma_semaphore, #tpu.memory_space<semaphore_mem>>) {add = true}
      %mul3A_268 = arith.constant 8 : i32
      %mul3A_269 = arith.muli %scan3A_109, %mul3A_268 : i32
      %add3A_270 = arith.constant 7 : i32
      %add3A_271 = arith.addi %mul3A_269, %add3A_270 : i32
      %add3A_272 = arith.constant 6 : i32
      %add3A_273 = arith.addi %add3A_271, %add3A_272 : i32
      %lt3A_274 = arith.constant 80 : i32
      %lt3A_275 = arith.cmpi slt, %add3A_273, %lt3A_274 : i32
      %convert_element_type3A_276 = arith.extui %lt3A_275 : i1 to i32
      %cond3A_277 = arith.constant 0 : i32
      %cond3A_278 = arith.cmpi ne, %convert_element_type3A_276, %cond3A_277 : i32
      scf.if %cond3A_278 {
        %ge3A = arith.constant 2 : i32
        %ge3A_291 = arith.cmpi sge, %add3A_271, %ge3A : i32
        %convert_element_type3A_292 = arith.extui %ge3A_291 : i1 to i32
        %cond3A_293 = arith.constant 0 : i32
        %cond3A_294 = arith.cmpi ne, %convert_element_type3A_292, %cond3A_293 : i32
        scf.if %cond3A_294 {
          %sub3A = arith.constant 2 : i32
          %sub3A_303 = arith.subi %add3A_271, %sub3A : i32
          %dma_wait3A_304 = arith.constant 0 : i32
          %dma_wait3A_305 = tpu.memref_slice %arg8[%sub3A_303, %dma_wait3A_304] : memref<80x128xi32, #tpu.memory_space<vmem>> -> memref<1x128xi32, #tpu.memory_space<vmem>>
          %dma_wait3A_306 = tpu.memref_squeeze %dma_wait3A_305 : memref<1x128xi32, #tpu.memory_space<vmem>> -> memref<128xi32, #tpu.memory_space<vmem>>
          %dma_wait3A_307 = arith.constant 0 : i32
          %dma_wait3A_308 = arith.constant 0 : i32
          %dma_wait3A_309 = tpu.memref_slice %arg17[%dma_wait3A_307, %dma_wait3A_308] : memref<10112x32xf32, #tpu.memory_space<vmem_shared>> -> memref<10112x32xf32, #tpu.memory_space<vmem_shared>>
          tpu.wait_indirect_dma semaphore(%arg31 : memref<!tpu.dma_semaphore, #tpu.memory_space<semaphore_mem>>) src(%arg14 : memref<128x32xf32, #tpu.memory_space<vmem>>) dst(%dma_wait3A_309 : memref<10112x32xf32, #tpu.memory_space<vmem_shared>>)
        } else {
        }
        %add3A_295 = arith.constant 6 : i32
        %add3A_296 = arith.addi %add3A_271, %add3A_295 : i32
        %dma_start3A_297 = arith.constant 0 : i32
        %dma_start3A_298 = tpu.memref_slice %arg7[%add3A_296, %dma_start3A_297] : memref<80x128xi32, #tpu.memory_space<vmem>> -> memref<1x128xi32, #tpu.memory_space<vmem>>
        %dma_start3A_299 = tpu.memref_squeeze %dma_start3A_298 : memref<1x128xi32, #tpu.memory_space<vmem>> -> memref<128xi32, #tpu.memory_space<vmem>>
        %dma_start3A_300 = arith.constant 0 : i32
        %dma_start3A_301 = arith.constant 0 : i32
        %dma_start3A_302 = tpu.memref_slice %arg2[%dma_start3A_300, %dma_start3A_301] : memref<10112x32xf32, #tpu.memory_space<hbm>> -> memref<10112x32xf32, #tpu.memory_space<hbm>>
        tpu.enqueue_indirect_dma source(%dma_start3A_302 : memref<10112x32xf32, #tpu.memory_space<hbm>>) target(%arg14 : memref<128x32xf32, #tpu.memory_space<vmem>>) offsets(%dma_start3A_299 : memref<128xi32, #tpu.memory_space<vmem>>) semaphore(%arg23 : memref<!tpu.dma_semaphore, #tpu.memory_space<semaphore_mem>>)
      } else {
      }
      %dma_wait3A_279 = arith.constant 0 : i32
      %dma_wait3A_280 = tpu.memref_slice %arg7[%add3A_271, %dma_wait3A_279] : memref<80x128xi32, #tpu.memory_space<vmem>> -> memref<1x128xi32, #tpu.memory_space<vmem>>
      %dma_wait3A_281 = tpu.memref_squeeze %dma_wait3A_280 : memref<1x128xi32, #tpu.memory_space<vmem>> -> memref<128xi32, #tpu.memory_space<vmem>>
      %dma_wait3A_282 = arith.constant 0 : i32
      %dma_wait3A_283 = arith.constant 0 : i32
      %dma_wait3A_284 = tpu.memref_slice %arg2[%dma_wait3A_282, %dma_wait3A_283] : memref<10112x32xf32, #tpu.memory_space<hbm>> -> memref<10112x32xf32, #tpu.memory_space<hbm>>
      tpu.wait_indirect_dma semaphore(%arg25 : memref<!tpu.dma_semaphore, #tpu.memory_space<semaphore_mem>>) src(%dma_wait3A_284 : memref<10112x32xf32, #tpu.memory_space<hbm>>) dst(%arg16 : memref<128x32xf32, #tpu.memory_space<vmem>>)
      %dma_start3A_285 = arith.constant 0 : i32
      %dma_start3A_286 = tpu.memref_slice %arg8[%add3A_271, %dma_start3A_285] : memref<80x128xi32, #tpu.memory_space<vmem>> -> memref<1x128xi32, #tpu.memory_space<vmem>>
      %dma_start3A_287 = tpu.memref_squeeze %dma_start3A_286 : memref<1x128xi32, #tpu.memory_space<vmem>> -> memref<128xi32, #tpu.memory_space<vmem>>
      %dma_start3A_288 = arith.constant 0 : i32
      %dma_start3A_289 = arith.constant 0 : i32
      %dma_start3A_290 = tpu.memref_slice %arg17[%dma_start3A_288, %dma_start3A_289] : memref<10112x32xf32, #tpu.memory_space<vmem_shared>> -> memref<10112x32xf32, #tpu.memory_space<vmem_shared>>
      tpu.enqueue_indirect_dma source(%arg16 : memref<128x32xf32, #tpu.memory_space<vmem>>) target(%dma_start3A_290 : memref<10112x32xf32, #tpu.memory_space<vmem_shared>>) offsets(%dma_start3A_287 : memref<128xi32, #tpu.memory_space<vmem>>) semaphore(%arg33 : memref<!tpu.dma_semaphore, #tpu.memory_space<semaphore_mem>>) {add = true}
    }
    %scan3A_48 = arith.constant 10 : i32
    %dma_wait3A = arith.constant 72 : i32
    %dma_wait3A_49 = arith.constant 0 : i32
    %dma_wait3A_50 = tpu.memref_slice %arg8[%dma_wait3A, %dma_wait3A_49] : memref<80x128xi32, #tpu.memory_space<vmem>> -> memref<1x128xi32, #tpu.memory_space<vmem>>
    %dma_wait3A_51 = tpu.memref_squeeze %dma_wait3A_50 : memref<1x128xi32, #tpu.memory_space<vmem>> -> memref<128xi32, #tpu.memory_space<vmem>>
    %dma_wait3A_52 = arith.constant 0 : i32
    %dma_wait3A_53 = arith.constant 0 : i32
    %dma_wait3A_54 = tpu.memref_slice %arg17[%dma_wait3A_52, %dma_wait3A_53] : memref<10112x32xf32, #tpu.memory_space<vmem_shared>> -> memref<10112x32xf32, #tpu.memory_space<vmem_shared>>
    tpu.wait_indirect_dma semaphore(%arg26 : memref<!tpu.dma_semaphore, #tpu.memory_space<semaphore_mem>>) src(%arg9 : memref<128x32xf32, #tpu.memory_space<vmem>>) dst(%dma_wait3A_54 : memref<10112x32xf32, #tpu.memory_space<vmem_shared>>)
    %dma_wait3A_55 = arith.constant 73 : i32
    %dma_wait3A_56 = arith.constant 0 : i32
    %dma_wait3A_57 = tpu.memref_slice %arg8[%dma_wait3A_55, %dma_wait3A_56] : memref<80x128xi32, #tpu.memory_space<vmem>> -> memref<1x128xi32, #tpu.memory_space<vmem>>
    %dma_wait3A_58 = tpu.memref_squeeze %dma_wait3A_57 : memref<1x128xi32, #tpu.memory_space<vmem>> -> memref<128xi32, #tpu.memory_space<vmem>>
    %dma_wait3A_59 = arith.constant 0 : i32
    %dma_wait3A_60 = arith.constant 0 : i32
    %dma_wait3A_61 = tpu.memref_slice %arg17[%dma_wait3A_59, %dma_wait3A_60] : memref<10112x32xf32, #tpu.memory_space<vmem_shared>> -> memref<10112x32xf32, #tpu.memory_space<vmem_shared>>
    tpu.wait_indirect_dma semaphore(%arg27 : memref<!tpu.dma_semaphore, #tpu.memory_space<semaphore_mem>>) src(%arg10 : memref<128x32xf32, #tpu.memory_space<vmem>>) dst(%dma_wait3A_61 : memref<10112x32xf32, #tpu.memory_space<vmem_shared>>)
    %dma_wait3A_62 = arith.constant 74 : i32
    %dma_wait3A_63 = arith.constant 0 : i32
    %dma_wait3A_64 = tpu.memref_slice %arg8[%dma_wait3A_62, %dma_wait3A_63] : memref<80x128xi32, #tpu.memory_space<vmem>> -> memref<1x128xi32, #tpu.memory_space<vmem>>
    %dma_wait3A_65 = tpu.memref_squeeze %dma_wait3A_64 : memref<1x128xi32, #tpu.memory_space<vmem>> -> memref<128xi32, #tpu.memory_space<vmem>>
    %dma_wait3A_66 = arith.constant 0 : i32
    %dma_wait3A_67 = arith.constant 0 : i32
    %dma_wait3A_68 = tpu.memref_slice %arg17[%dma_wait3A_66, %dma_wait3A_67] : memref<10112x32xf32, #tpu.memory_space<vmem_shared>> -> memref<10112x32xf32, #tpu.memory_space<vmem_shared>>
    tpu.wait_indirect_dma semaphore(%arg28 : memref<!tpu.dma_semaphore, #tpu.memory_space<semaphore_mem>>) src(%arg11 : memref<128x32xf32, #tpu.memory_space<vmem>>) dst(%dma_wait3A_68 : memref<10112x32xf32, #tpu.memory_space<vmem_shared>>)
    %dma_wait3A_69 = arith.constant 75 : i32
    %dma_wait3A_70 = arith.constant 0 : i32
    %dma_wait3A_71 = tpu.memref_slice %arg8[%dma_wait3A_69, %dma_wait3A_70] : memref<80x128xi32, #tpu.memory_space<vmem>> -> memref<1x128xi32, #tpu.memory_space<vmem>>
    %dma_wait3A_72 = tpu.memref_squeeze %dma_wait3A_71 : memref<1x128xi32, #tpu.memory_space<vmem>> -> memref<128xi32, #tpu.memory_space<vmem>>
    %dma_wait3A_73 = arith.constant 0 : i32
    %dma_wait3A_74 = arith.constant 0 : i32
    %dma_wait3A_75 = tpu.memref_slice %arg17[%dma_wait3A_73, %dma_wait3A_74] : memref<10112x32xf32, #tpu.memory_space<vmem_shared>> -> memref<10112x32xf32, #tpu.memory_space<vmem_shared>>
    tpu.wait_indirect_dma semaphore(%arg29 : memref<!tpu.dma_semaphore, #tpu.memory_space<semaphore_mem>>) src(%arg12 : memref<128x32xf32, #tpu.memory_space<vmem>>) dst(%dma_wait3A_75 : memref<10112x32xf32, #tpu.memory_space<vmem_shared>>)
    %dma_wait3A_76 = arith.constant 76 : i32
    %dma_wait3A_77 = arith.constant 0 : i32
    %dma_wait3A_78 = tpu.memref_slice %arg8[%dma_wait3A_76, %dma_wait3A_77] : memref<80x128xi32, #tpu.memory_space<vmem>> -> memref<1x128xi32, #tpu.memory_space<vmem>>
    %dma_wait3A_79 = tpu.memref_squeeze %dma_wait3A_78 : memref<1x128xi32, #tpu.memory_space<vmem>> -> memref<128xi32, #tpu.memory_space<vmem>>
    %dma_wait3A_80 = arith.constant 0 : i32
    %dma_wait3A_81 = arith.constant 0 : i32
    %dma_wait3A_82 = tpu.memref_slice %arg17[%dma_wait3A_80, %dma_wait3A_81] : memref<10112x32xf32, #tpu.memory_space<vmem_shared>> -> memref<10112x32xf32, #tpu.memory_space<vmem_shared>>
    tpu.wait_indirect_dma semaphore(%arg30 : memref<!tpu.dma_semaphore, #tpu.memory_space<semaphore_mem>>) src(%arg13 : memref<128x32xf32, #tpu.memory_space<vmem>>) dst(%dma_wait3A_82 : memref<10112x32xf32, #tpu.memory_space<vmem_shared>>)
    %dma_wait3A_83 = arith.constant 77 : i32
    %dma_wait3A_84 = arith.constant 0 : i32
    %dma_wait3A_85 = tpu.memref_slice %arg8[%dma_wait3A_83, %dma_wait3A_84] : memref<80x128xi32, #tpu.memory_space<vmem>> -> memref<1x128xi32, #tpu.memory_space<vmem>>
    %dma_wait3A_86 = tpu.memref_squeeze %dma_wait3A_85 : memref<1x128xi32, #tpu.memory_space<vmem>> -> memref<128xi32, #tpu.memory_space<vmem>>
    %dma_wait3A_87 = arith.constant 0 : i32
    %dma_wait3A_88 = arith.constant 0 : i32
    %dma_wait3A_89 = tpu.memref_slice %arg17[%dma_wait3A_87, %dma_wait3A_88] : memref<10112x32xf32, #tpu.memory_space<vmem_shared>> -> memref<10112x32xf32, #tpu.memory_space<vmem_shared>>
    tpu.wait_indirect_dma semaphore(%arg31 : memref<!tpu.dma_semaphore, #tpu.memory_space<semaphore_mem>>) src(%arg14 : memref<128x32xf32, #tpu.memory_space<vmem>>) dst(%dma_wait3A_89 : memref<10112x32xf32, #tpu.memory_space<vmem_shared>>)
    %dma_wait3A_90 = arith.constant 78 : i32
    %dma_wait3A_91 = arith.constant 0 : i32
    %dma_wait3A_92 = tpu.memref_slice %arg8[%dma_wait3A_90, %dma_wait3A_91] : memref<80x128xi32, #tpu.memory_space<vmem>> -> memref<1x128xi32, #tpu.memory_space<vmem>>
    %dma_wait3A_93 = tpu.memref_squeeze %dma_wait3A_92 : memref<1x128xi32, #tpu.memory_space<vmem>> -> memref<128xi32, #tpu.memory_space<vmem>>
    %dma_wait3A_94 = arith.constant 0 : i32
    %dma_wait3A_95 = arith.constant 0 : i32
    %dma_wait3A_96 = tpu.memref_slice %arg17[%dma_wait3A_94, %dma_wait3A_95] : memref<10112x32xf32, #tpu.memory_space<vmem_shared>> -> memref<10112x32xf32, #tpu.memory_space<vmem_shared>>
    tpu.wait_indirect_dma semaphore(%arg32 : memref<!tpu.dma_semaphore, #tpu.memory_space<semaphore_mem>>) src(%arg15 : memref<128x32xf32, #tpu.memory_space<vmem>>) dst(%dma_wait3A_96 : memref<10112x32xf32, #tpu.memory_space<vmem_shared>>)
    %dma_wait3A_97 = arith.constant 79 : i32
    %dma_wait3A_98 = arith.constant 0 : i32
    %dma_wait3A_99 = tpu.memref_slice %arg8[%dma_wait3A_97, %dma_wait3A_98] : memref<80x128xi32, #tpu.memory_space<vmem>> -> memref<1x128xi32, #tpu.memory_space<vmem>>
    %dma_wait3A_100 = tpu.memref_squeeze %dma_wait3A_99 : memref<1x128xi32, #tpu.memory_space<vmem>> -> memref<128xi32, #tpu.memory_space<vmem>>
    %dma_wait3A_101 = arith.constant 0 : i32
    %dma_wait3A_102 = arith.constant 0 : i32
    %dma_wait3A_103 = tpu.memref_slice %arg17[%dma_wait3A_101, %dma_wait3A_102] : memref<10112x32xf32, #tpu.memory_space<vmem_shared>> -> memref<10112x32xf32, #tpu.memory_space<vmem_shared>>
    tpu.wait_indirect_dma semaphore(%arg33 : memref<!tpu.dma_semaphore, #tpu.memory_space<semaphore_mem>>) src(%arg16 : memref<128x32xf32, #tpu.memory_space<vmem>>) dst(%dma_wait3A_103 : memref<10112x32xf32, #tpu.memory_space<vmem_shared>>)
    %barrier3A_104 = arith.constant 0 : index
    tpu.barrier barrier_id(%barrier3A_104)
    %mul3A_105 = arith.constant 632 : i32
    %mul3A_106 = arith.muli %arg1, %mul3A_105 : i32
    %mul3A_107 = arith.constant 632 : i32
    %mul3A_108 = arith.muli %arg1, %mul3A_107 : i32
    "tpu.region"() ({
      %run_scoped3A = tpu.sem_alloc : memref<!tpu.dma_semaphore, #tpu.memory_space<semaphore_mem>>
      %dma_start3A_109 = arith.constant 0 : i32
      %dma_start3A_110 = arith.constant 0 : i32
      %dma_start3A_111 = tpu.memref_slice %arg6[%arg0, %dma_start3A_109, %dma_start3A_110] : memref<2x10112x32xf32, #tpu.memory_space<hbm>> -> memref<1x10112x32xf32, #tpu.memory_space<hbm>>
      %dma_start3A_112 = tpu.memref_squeeze %dma_start3A_111 : memref<1x10112x32xf32, #tpu.memory_space<hbm>> -> memref<10112x32xf32, #tpu.memory_space<hbm>>
      %dma_start3A_113 = arith.constant 0 : i32
      %dma_start3A_114 = tpu.memref_slice %dma_start3A_112[%mul3A_108, %dma_start3A_113] : memref<10112x32xf32, #tpu.memory_space<hbm>> -> memref<632x32xf32, #tpu.memory_space<hbm>>
      %dma_start3A_115 = arith.constant 0 : i32
      %dma_start3A_116 = tpu.memref_slice %arg17[%mul3A_106, %dma_start3A_115] : memref<10112x32xf32, #tpu.memory_space<vmem_shared>> -> memref<632x32xf32, #tpu.memory_space<vmem_shared>>
      tpu.enqueue_dma source(%dma_start3A_116 : memref<632x32xf32, #tpu.memory_space<vmem_shared>>) target(%dma_start3A_114 : memref<632x32xf32, #tpu.memory_space<hbm>>) target_semaphore(%run_scoped3A : memref<!tpu.dma_semaphore, #tpu.memory_space<semaphore_mem>>)
      %dma_wait3A_117 = arith.constant 0 : i32
      %dma_wait3A_118 = arith.constant 0 : i32
      %dma_wait3A_119 = tpu.memref_slice %arg6[%arg0, %dma_wait3A_117, %dma_wait3A_118] : memref<2x10112x32xf32, #tpu.memory_space<hbm>> -> memref<1x10112x32xf32, #tpu.memory_space<hbm>>
      %dma_wait3A_120 = tpu.memref_squeeze %dma_wait3A_119 : memref<1x10112x32xf32, #tpu.memory_space<hbm>> -> memref<10112x32xf32, #tpu.memory_space<hbm>>
      %dma_wait3A_121 = arith.constant 0 : i32
      %dma_wait3A_122 = tpu.memref_slice %dma_wait3A_120[%mul3A_108, %dma_wait3A_121] : memref<10112x32xf32, #tpu.memory_space<hbm>> -> memref<632x32xf32, #tpu.memory_space<hbm>>
      %dma_wait3A_123 = arith.constant 0 : i32
      %dma_wait3A_124 = tpu.memref_slice %arg17[%mul3A_106, %dma_wait3A_123] : memref<10112x32xf32, #tpu.memory_space<vmem_shared>> -> memref<632x32xf32, #tpu.memory_space<vmem_shared>>
      tpu.wait_dma2 semaphore(%run_scoped3A : memref<!tpu.dma_semaphore, #tpu.memory_space<semaphore_mem>>) src(%dma_wait3A_124 : memref<632x32xf32, #tpu.memory_space<vmem_shared>>) dst(%dma_wait3A_122 : memref<632x32xf32, #tpu.memory_space<hbm>>)
      tpu.yield
    }) : () -> ()
    return
  }
}

module attributes {stable_mosaic.version = 14 : i64} {
  func.func @_tc1_body(%arg0: memref<10112x128xf32, #tpu.memory_space<vmem>>, %arg1: memref<128x32xf32, #tpu.memory_space<vmem>>, %arg2: memref<32x10112xf32, #tpu.memory_space<vmem>>, %arg3: memref<10112x32xf32, #tpu.memory_space<vmem>>, %arg4: memref<10112x1xf32, #tpu.memory_space<vmem>>) attributes {dimension_semantics = [], scalar_prefetch = 0 : i64, scratch_operands = 0 : i64, tpu.core_type = #tpu.core_type<tc>} {
    %get3A = arith.constant 0 : index
    %get3A_0 = arith.constant 0 : index
    %get3A_1 = vector.load %arg2[%get3A, %get3A_0] : memref<32x10112xf32, #tpu.memory_space<vmem>>, vector<32x10112xf32>
    %broadcast_in_dim3A = arith.constant 1.000000e+00 : f32
    %broadcast_in_dim3A_2 = vector.broadcast %broadcast_in_dim3A : f32 to vector<32x1xf32>
    %dot_general3A = arith.constant dense<0.000000e+00> : vector<10112x1xf32>
    %dot_general3A_3 = tpu.matmul %get3A_1, %broadcast_in_dim3A_2, %dot_general3A {dimension_numbers = #tpu.dot_dimension_numbers<[0], [0], [1], [1], [0, 1, 1, 1], [], []>, precision = #tpu.contract_precision<fp32>, transpose_lhs_hint = false} : vector<32x10112xf32>, vector<32x1xf32>, vector<10112x1xf32> -> vector<10112x1xf32>
    %add3A = arith.constant 1.000000e+00 : f32
    %add3A_4 = vector.broadcast %add3A : f32 to vector<10112x1xf32>
    %add3A_5 = arith.addf %dot_general3A_3, %add3A_4 : vector<10112x1xf32>
    %sqrt3A = math.sqrt %add3A_5 : vector<10112x1xf32>
    %div3A = arith.constant 1.000000e+00 : f32
    %div3A_6 = vector.broadcast %div3A : f32 to vector<10112x1xf32>
    %div3A_7 = arith.divf %div3A_6, %sqrt3A : vector<10112x1xf32>
    %get3A_8 = arith.constant 0 : index
    %get3A_9 = arith.constant 0 : index
    %get3A_10 = vector.load %arg0[%get3A_8, %get3A_9] : memref<10112x128xf32, #tpu.memory_space<vmem>>, vector<10112x128xf32>
    %get3A_11 = arith.constant 0 : index
    %get3A_12 = arith.constant 0 : index
    %get3A_13 = vector.load %arg1[%get3A_11, %get3A_12] : memref<128x32xf32, #tpu.memory_space<vmem>>, vector<128x32xf32>
    %dot_general3A_14 = arith.constant dense<0.000000e+00> : vector<10112x32xf32>
    %dot_general3A_15 = tpu.matmul %get3A_10, %get3A_13, %dot_general3A_14 {dimension_numbers = #tpu.dot_dimension_numbers<[1], [0], [0], [1], [0, 0, 1, 1], [], []>, transpose_lhs_hint = false} : vector<10112x128xf32>, vector<128x32xf32>, vector<10112x32xf32> -> vector<10112x32xf32>
    %mul3A = vector.broadcast %div3A_7 : vector<10112x1xf32> to vector<10112x32xf32>
    %mul3A_16 = arith.mulf %dot_general3A_15, %mul3A : vector<10112x32xf32>
    %swap3A = arith.constant 0 : index
    %swap3A_17 = arith.constant 0 : index
    %swap3A_18 = vector.load %arg3[%swap3A, %swap3A_17] : memref<10112x32xf32, #tpu.memory_space<vmem>>, vector<10112x32xf32>
    tpu.vector_store %arg3[%swap3A, %swap3A_17], %mul3A_16 {strides = array<i32>} : memref<10112x32xf32, #tpu.memory_space<vmem>>, vector<10112x32xf32>,
    %swap3A_19 = arith.constant 0 : index
    %swap3A_20 = arith.constant 0 : index
    %swap3A_21 = vector.load %arg4[%swap3A_19, %swap3A_20] : memref<10112x1xf32, #tpu.memory_space<vmem>>, vector<10112x1xf32>
    tpu.vector_store %arg4[%swap3A_19, %swap3A_20], %div3A_7 {strides = array<i32>} : memref<10112x1xf32, #tpu.memory_space<vmem>>, vector<10112x1xf32>,
    return
  }
}

module attributes {stable_mosaic.version = 14 : i64} {
  func.func @_tc2_body(%arg0: memref<2x10112x32xf32, #tpu.memory_space<vmem>>, %arg1: memref<10112x32xf32, #tpu.memory_space<vmem>>, %arg2: memref<10112x1xf32, #tpu.memory_space<vmem>>, %arg3: memref<1x32xf32, #tpu.memory_space<vmem>>, %arg4: memref<32x64xf32, #tpu.memory_space<vmem>>, %arg5: memref<10112x32xf32, #tpu.memory_space<vmem>>, %arg6: memref<10112x64xf32, #tpu.memory_space<vmem>>) attributes {dimension_semantics = [], scalar_prefetch = 0 : i64, scratch_operands = 0 : i64, tpu.core_type = #tpu.core_type<tc>} {
    %get3A = arith.constant 0 : index
    %get3A_0 = arith.constant 0 : index
    %get3A_1 = vector.load %arg2[%get3A, %get3A_0] : memref<10112x1xf32, #tpu.memory_space<vmem>>, vector<10112x1xf32>
    %get3A_2 = arith.constant 0 : index
    %get3A_3 = arith.constant 0 : index
    %get3A_4 = arith.constant 0 : index
    %get3A_5 = vector.load %arg0[%get3A_2, %get3A_3, %get3A_4] : memref<2x10112x32xf32, #tpu.memory_space<vmem>>, vector<1x10112x32xf32>
    %get3A_6 = vector.shape_cast %get3A_5 : vector<1x10112x32xf32> to vector<10112x32xf32>
    %get3A_7 = arith.constant 1 : index
    %get3A_8 = arith.constant 0 : index
    %get3A_9 = arith.constant 0 : index
    %get3A_10 = vector.load %arg0[%get3A_7, %get3A_8, %get3A_9] : memref<2x10112x32xf32, #tpu.memory_space<vmem>>, vector<1x10112x32xf32>
    %get3A_11 = vector.shape_cast %get3A_10 : vector<1x10112x32xf32> to vector<10112x32xf32>
    %add3A = arith.addf %get3A_6, %get3A_11 : vector<10112x32xf32>
    %get3A_12 = arith.constant 0 : index
    %get3A_13 = arith.constant 0 : index
    %get3A_14 = vector.load %arg1[%get3A_12, %get3A_13] : memref<10112x32xf32, #tpu.memory_space<vmem>>, vector<10112x32xf32>
    %add3A_15 = arith.addf %add3A, %get3A_14 : vector<10112x32xf32>
    %mul3A = vector.broadcast %get3A_1 : vector<10112x1xf32> to vector<10112x32xf32>
    %mul3A_16 = arith.mulf %add3A_15, %mul3A : vector<10112x32xf32>
    %get3A_17 = arith.constant 0 : index
    %get3A_18 = arith.constant 0 : index
    %get3A_19 = vector.load %arg3[%get3A_17, %get3A_18] : memref<1x32xf32, #tpu.memory_space<vmem>>, vector<1x32xf32>
    %add3A_20 = vector.broadcast %get3A_19 : vector<1x32xf32> to vector<10112x32xf32>
    %add3A_21 = arith.addf %mul3A_16, %add3A_20 : vector<10112x32xf32>
    %max3A = arith.constant 0.000000e+00 : f32
    %max3A_22 = vector.broadcast %max3A : f32 to vector<10112x32xf32>
    %max3A_23 = arith.maximumf %add3A_21, %max3A_22 : vector<10112x32xf32>
    %swap3A = arith.constant 0 : index
    %swap3A_24 = arith.constant 0 : index
    %swap3A_25 = vector.load %arg5[%swap3A, %swap3A_24] : memref<10112x32xf32, #tpu.memory_space<vmem>>, vector<10112x32xf32>
    tpu.vector_store %arg5[%swap3A, %swap3A_24], %max3A_23 {strides = array<i32>} : memref<10112x32xf32, #tpu.memory_space<vmem>>, vector<10112x32xf32>,
    %get3A_26 = arith.constant 0 : index
    %get3A_27 = arith.constant 0 : index
    %get3A_28 = vector.load %arg4[%get3A_26, %get3A_27] : memref<32x64xf32, #tpu.memory_space<vmem>>, vector<32x64xf32>
    %dot_general3A = arith.constant dense<0.000000e+00> : vector<10112x64xf32>
    %dot_general3A_29 = tpu.matmul %max3A_23, %get3A_28, %dot_general3A {dimension_numbers = #tpu.dot_dimension_numbers<[1], [0], [0], [1], [0, 0, 1, 1], [], []>, transpose_lhs_hint = false} : vector<10112x32xf32>, vector<32x64xf32>, vector<10112x64xf32> -> vector<10112x64xf32>
    %mul3A_30 = vector.broadcast %get3A_1 : vector<10112x1xf32> to vector<10112x64xf32>
    %mul3A_31 = arith.mulf %dot_general3A_29, %mul3A_30 : vector<10112x64xf32>
    %swap3A_32 = arith.constant 0 : index
    %swap3A_33 = arith.constant 0 : index
    %swap3A_34 = vector.load %arg6[%swap3A_32, %swap3A_33] : memref<10112x64xf32, #tpu.memory_space<vmem>>, vector<10112x64xf32>
    tpu.vector_store %arg6[%swap3A_32, %swap3A_33], %mul3A_31 {strides = array<i32>} : memref<10112x64xf32, #tpu.memory_space<vmem>>, vector<10112x64xf32>,
    return
  }
}

module attributes {stable_mosaic.version = 14 : i64} {
  func.func @_tc3_body(%arg0: memref<2x10112x64xf32, #tpu.memory_space<vmem>>, %arg1: memref<10112x64xf32, #tpu.memory_space<vmem>>, %arg2: memref<10112x1xf32, #tpu.memory_space<vmem>>, %arg3: memref<1x64xf32, #tpu.memory_space<vmem>>, %arg4: memref<10112x32xf32, #tpu.memory_space<vmem>>, %arg5: memref<1x10000xi32, #tpu.memory_space<vmem>>, %arg6: memref<96x128xf32, #tpu.memory_space<vmem>>, %arg7: memref<1x128xf32, #tpu.memory_space<vmem>>, %arg8: memref<128x1xf32, #tpu.memory_space<vmem>>, %arg9: memref<1x1xf32, #tpu.memory_space<vmem>>, %arg10: memref<64x1xf32, #tpu.memory_space<vmem>>) attributes {dimension_semantics = [], scalar_prefetch = 0 : i64, scratch_operands = 0 : i64, tpu.core_type = #tpu.core_type<tc>} {
    %get3A = arith.constant 0 : index
    %get3A_0 = arith.constant 0 : index
    %get3A_1 = vector.load %arg2[%get3A, %get3A_0] : memref<10112x1xf32, #tpu.memory_space<vmem>>, vector<10112x1xf32>
    %get3A_2 = arith.constant 0 : index
    %get3A_3 = arith.constant 0 : index
    %get3A_4 = arith.constant 0 : index
    %get3A_5 = vector.load %arg0[%get3A_2, %get3A_3, %get3A_4] : memref<2x10112x64xf32, #tpu.memory_space<vmem>>, vector<1x10112x64xf32>
    %get3A_6 = vector.shape_cast %get3A_5 : vector<1x10112x64xf32> to vector<10112x64xf32>
    %get3A_7 = arith.constant 1 : index
    %get3A_8 = arith.constant 0 : index
    %get3A_9 = arith.constant 0 : index
    %get3A_10 = vector.load %arg0[%get3A_7, %get3A_8, %get3A_9] : memref<2x10112x64xf32, #tpu.memory_space<vmem>>, vector<1x10112x64xf32>
    %get3A_11 = vector.shape_cast %get3A_10 : vector<1x10112x64xf32> to vector<10112x64xf32>
    %add3A = arith.addf %get3A_6, %get3A_11 : vector<10112x64xf32>
    %get3A_12 = arith.constant 0 : index
    %get3A_13 = arith.constant 0 : index
    %get3A_14 = vector.load %arg1[%get3A_12, %get3A_13] : memref<10112x64xf32, #tpu.memory_space<vmem>>, vector<10112x64xf32>
    %add3A_15 = arith.addf %add3A, %get3A_14 : vector<10112x64xf32>
    %mul3A = vector.broadcast %get3A_1 : vector<10112x1xf32> to vector<10112x64xf32>
    %mul3A_16 = arith.mulf %add3A_15, %mul3A : vector<10112x64xf32>
    %get3A_17 = arith.constant 0 : index
    %get3A_18 = arith.constant 0 : index
    %get3A_19 = vector.load %arg3[%get3A_17, %get3A_18] : memref<1x64xf32, #tpu.memory_space<vmem>>, vector<1x64xf32>
    %add3A_20 = vector.broadcast %get3A_19 : vector<1x64xf32> to vector<10112x64xf32>
    %add3A_21 = arith.addf %mul3A_16, %add3A_20 : vector<10112x64xf32>
    %max3A = arith.constant 0.000000e+00 : f32
    %max3A_22 = vector.broadcast %max3A : f32 to vector<10112x64xf32>
    %max3A_23 = arith.maximumf %add3A_21, %max3A_22 : vector<10112x64xf32>
    %get3A_24 = arith.constant 0 : index
    %get3A_25 = arith.constant 0 : index
    %get3A_26 = vector.load %arg4[%get3A_24, %get3A_25] : memref<10112x32xf32, #tpu.memory_space<vmem>>, vector<10000x32xf32>
    %slice3A = vector.extract_strided_slice %max3A_23 {offsets = [0, 0], sizes = [10000, 64], strides = [1, 1]} : vector<10112x64xf32> to vector<10000x64xf32>
    %concatenate3A = tpu.concatenate %get3A_26, %slice3A in 1 : vector<10000x32xf32>, vector<10000x64xf32> -> vector<10000x96xf32>
    %iota3A = tpu.iota {dimensions = array<i32: 0>} : vector<64x10000xi32>
    %get3A_27 = arith.constant 0 : index
    %get3A_28 = arith.constant 0 : index
    %get3A_29 = vector.load %arg5[%get3A_27, %get3A_28] : memref<1x10000xi32, #tpu.memory_space<vmem>>, vector<1x10000xi32>
    %eq3A = vector.broadcast %get3A_29 : vector<1x10000xi32> to vector<64x10000xi32>
    %eq3A_30 = arith.cmpi eq, %eq3A, %iota3A : vector<64x10000xi32>
    %convert_element_type3A = arith.extui %eq3A_30 : vector<64x10000xi1> to vector<64x10000xi32>
    %convert_element_type3A_31 = arith.sitofp %convert_element_type3A : vector<64x10000xi32> to vector<64x10000xf32>
    %dot_general3A = arith.constant dense<0.000000e+00> : vector<64x96xf32>
    %dot_general3A_32 = tpu.matmul %convert_element_type3A_31, %concatenate3A, %dot_general3A {dimension_numbers = #tpu.dot_dimension_numbers<[1], [0], [0], [1], [0, 0, 1, 1], [], []>, precision = #tpu.contract_precision<fp32>, transpose_lhs_hint = false} : vector<64x10000xf32>, vector<10000x96xf32>, vector<64x96xf32> -> vector<64x96xf32>
    %reduce_sum3A = arith.constant dense<0.000000e+00> : vector<64xf32>
    %reduce_sum3A_33 = vector.multi_reduction <add>, %convert_element_type3A_31, %reduce_sum3A [1] : vector<64x10000xf32> to vector<64xf32>
    %broadcast_in_dim3A = vector.shape_cast %reduce_sum3A_33 : vector<64xf32> to vector<64x1xf32>
    %max3A_34 = arith.constant 1.000000e+00 : f32
    %max3A_35 = vector.broadcast %max3A_34 : f32 to vector<64x1xf32>
    %max3A_36 = arith.maximumf %broadcast_in_dim3A, %max3A_35 : vector<64x1xf32>
    %div3A = vector.broadcast %max3A_36 : vector<64x1xf32> to vector<64x96xf32>
    %div3A_37 = arith.divf %dot_general3A_32, %div3A : vector<64x96xf32>
    %get3A_38 = arith.constant 0 : index
    %get3A_39 = arith.constant 0 : index
    %get3A_40 = vector.load %arg6[%get3A_38, %get3A_39] : memref<96x128xf32, #tpu.memory_space<vmem>>, vector<96x128xf32>
    %dot_general3A_41 = arith.constant dense<0.000000e+00> : vector<64x128xf32>
    %dot_general3A_42 = tpu.matmul %div3A_37, %get3A_40, %dot_general3A_41 {dimension_numbers = #tpu.dot_dimension_numbers<[1], [0], [0], [1], [0, 0, 1, 1], [], []>, transpose_lhs_hint = false} : vector<64x96xf32>, vector<96x128xf32>, vector<64x128xf32> -> vector<64x128xf32>
    %get3A_43 = arith.constant 0 : index
    %get3A_44 = arith.constant 0 : index
    %get3A_45 = vector.load %arg7[%get3A_43, %get3A_44] : memref<1x128xf32, #tpu.memory_space<vmem>>, vector<1x128xf32>
    %add3A_46 = vector.broadcast %get3A_45 : vector<1x128xf32> to vector<64x128xf32>
    %add3A_47 = arith.addf %dot_general3A_42, %add3A_46 : vector<64x128xf32>
    %max3A_48 = arith.constant 0.000000e+00 : f32
    %max3A_49 = vector.broadcast %max3A_48 : f32 to vector<64x128xf32>
    %max3A_50 = arith.maximumf %add3A_47, %max3A_49 : vector<64x128xf32>
    %get3A_51 = arith.constant 0 : index
    %get3A_52 = arith.constant 0 : index
    %get3A_53 = vector.load %arg8[%get3A_51, %get3A_52] : memref<128x1xf32, #tpu.memory_space<vmem>>, vector<128x1xf32>
    %dot_general3A_54 = arith.constant dense<0.000000e+00> : vector<64x1xf32>
    %dot_general3A_55 = tpu.matmul %max3A_50, %get3A_53, %dot_general3A_54 {dimension_numbers = #tpu.dot_dimension_numbers<[1], [0], [0], [1], [0, 0, 1, 1], [], []>, transpose_lhs_hint = false} : vector<64x128xf32>, vector<128x1xf32>, vector<64x1xf32> -> vector<64x1xf32>
    %get3A_56 = arith.constant 0 : index
    %get3A_57 = arith.constant 0 : index
    %get3A_58 = vector.load %arg9[%get3A_56, %get3A_57] : memref<1x1xf32, #tpu.memory_space<vmem>>, vector<1x1xf32>
    %add3A_59 = vector.broadcast %get3A_58 : vector<1x1xf32> to vector<64x1xf32>
    %add3A_60 = arith.addf %dot_general3A_55, %add3A_59 : vector<64x1xf32>
    %swap3A = arith.constant 0 : index
    %swap3A_61 = arith.constant 0 : index
    %swap3A_62 = vector.load %arg10[%swap3A, %swap3A_61] : memref<64x1xf32, #tpu.memory_space<vmem>>, vector<64x1xf32>
    tpu.vector_store %arg10[%swap3A, %swap3A_61], %add3A_60 {strides = array<i32>} : memref<64x1xf32, #tpu.memory_space<vmem>>, vector<64x1xf32>,
    return
  }
}

</mosaic_0001>

<sc_bundles>
// kernel: kernel.11.cloned.1.call-start
scs
__scs_entry_jumppad:
0x0: {  	(pc) =	sbr.rel $0x88, $3  }
0x1: {  	(tag) =	ssettag $0x0;
	lr =	simm.s32 $0x1  }
0x2: {  	[smem:$0x3F96] =	sst lr;
	_ =	strace $0xD0000000  }
0x3: {  	_ = 	snop  }
0x4: {  	_ = 	snop  }
0x5: {  	_ = 	snop  }
0x6: {  	_ = 	snop  }
0x7: {  	_ = 	snop  }
__scs_overlays_trampoline_lowered:
0x8: {  	[smem:$0x3FA5] =	sst s0  }
0x9: {  	[smem:$0x3FA6] =	sst s1  }
0xa: {  	[smem:$0x3FA7] =	sst s2  }
0xb: {  	[smem:$0x3FA8] =	sst s3  }
0xc: {  	[smem:$0x3FA9] =	sst s4  }
0xd: {  	[smem:$0x3FAA] =	sst s5  }
0xe: {  	[smem:$0x3FAB] =	sst s6  }
0xf: {  	[smem:$0x3FAC] =	sst s7  }
0x10: {  	[smem:$0x3FAD] =	sst s8  }
0x11: {  	[smem:$0x3FAE] =	sst s9;
	s0 =	simm.s32 @!p0 $0x0  }
0x12: {  	s1 =	sld [smem:$0x3F94];
	s0 =	simm.s32 @p0 $0x1  }
0x13: {  	[smem:$0x3FAF] =	sst s0;
	s0 =	simm.s32 @!p1 $0x0  }
0x14: {  	s2 =	sld [smem:$0x3F93];
	s0 =	simm.s32 @p1 $0x1  }
0x15: {  	[smem:$0x3FB0] =	sst s0;
	s0 =	simm.s32 @!p2 $0x0  }
0x16: {  	s3 =	sld [smem:$0x3FDB];
	s0 =	simm.s32 @p2 $0x1  }
0x17: {  	s4 =	simm.s32 $0x1BF5;
	[smem:$0x3FB2] =	sst s0  }
0x18: {  	s0 =	sld [smem:$0x3F95];
	_ =	swait.ge [sflag:s4], $0x0  }
0x19: {  	s7 =	sld [smem:$0x3F96]  }
0x1a: {  	s8 =	sadd.s32 $0xFFFFE003, lr  }
0x1b: {  	s9 =	sadd.s32 $0xFFFFFEF7, lr;
	s5 =	simm.s32 $0xFFFFFFFF;
	p2 =	slt.u32 s8, $0xFFFFF086  }
0x1c: {  	p1 =	slt.u32 s9, $0xF7A;
	s5 =	simm.s32 @!p2 $0x0  }
0x1d: {  	s5 =	simm.s32 @p1 $0x1;
	p0 =	seq.s32 s7, s2  }
0x1e: {  	s7 =	smul.u32 @!p0 $0xF7A, s2;
	p2 =	seq.s32 @!p0 s5, $0x0  }
0x1f: {  	s9 =	smul.u32 $0xF7A, s1;
	s8 =	simm.s32 @!p0 $0x1BF5;
	p2 =	por !p2, p0  }
0x20: {  	[sflag:s8] =	ssyncset.s32 @!p0 $0xFFFFF086;
	s6 =	sadd.s32 @!p0 s3, s7;
	s7 =	simm.s32 @!p0 $0x108  }
0x21: {  	s3 =	sadd.s32 s3, s9;
	s6 =	sadd.s32 @!p0 $0x88, s6;
	s7 =	simm.s32 @p2 $0x1082  }
0x22: {  	[simem:s7], [sflag:s8] =	dma.local @!p0 [hbm:s6], $0xF7A  }
0x23: {  	s9 =	sor.u32 $0xD0000000, s2;
	s6 =	simm.s32 $0x108;
	_ =	swait.ge @!p0 [sflag:s8], $0x0  }
0x24: {  	s3 =	sadd.s32 $0x88, s3;
	s6 =	simm.s32 @!p1 $0x1082;
	[sflag:s4] =	ssyncset.s32 $0xFFFFF086  }
0x25: {  	[simem:s6], [sflag:s4] =	dma.local [hbm:s3], $0xF7A  }
0x26: {  	[smem:$0x3F96] =	sst s1;
	(tag) =	ssettag s2;
	_ =	strace s9  }
0x27: {  	s1 =	sld [smem:$0x3FA6]  }
0x28: {  	s2 =	sld [smem:$0x3FA7]  }
0x29: {  	s4 =	sld [smem:$0x3FA9]  }
0x2a: {  	p0 =	seq.s32 s5, $0x0;
	s5 =	sld [smem:$0x3FAA]  }
0x2b: {  	s6 =	sld [smem:$0x3FAB]  }
0x2c: {  	s7 =	sld [smem:$0x3FAC]  }
0x2d: {  	s3 =	simm.s32 $0x108;
	s8 =	sld [smem:$0x3FAD]  }
0x2e: {  	s3 =	simm.s32 @!p0 $0x1082;
	s9 =	sld [smem:$0x3FAE]  }
0x2f: {  	lr =	sadd.s32 s0, s3;
	s0 =	sld [smem:$0x3FA5]  }
0x30: {  	s3 =	sld [smem:$0x3FA8]  }
0x31: {  	[smem:$0x3FB1] =	sst s10  }
0x32: {  	s10 =	sld [smem:$0x3FAF];
	_ =	sdelay $0x3  }
0x33: {  	p0 =	seq.s32 s10, $0x1;
	s10 =	sld [smem:$0x3FB1];
	_ =	sdelay $0x3  }
0x34: {  	[smem:$0x3FB1] =	sst s10  }
0x35: {  	s10 =	sld [smem:$0x3FB0];
	_ =	sdelay $0x3  }
0x36: {  	p1 =	seq.s32 s10, $0x1;
	s10 =	sld [smem:$0x3FB1];
	_ =	sdelay $0x3  }
0x37: {  	[smem:$0x3FB1] =	sst s10  }
0x38: {  	s10 =	sld [smem:$0x3FB2]  }
0x39: {  	_ = 	snop;
	(pc) =	sbr.ind lr, $3  }
0x3a: {  	_ = 	snop  }
0x3b: {  	_ = 	snop  }
0x3c: {  	p2 =	seq.s32 s10, $0x1;
	s10 =	sld [smem:$0x3FB1]  }
0x3d: {  	_ =	shalt  }
0x3e: {  	_ =	shalt  }
0x3f: {  	_ =	shalt  }
0x40: {  	_ =	shalt  }
0x41: {  	_ =	shalt  }
0x42: {  	_ =	shalt  }
0x43: {  	_ =	shalt  }
0x44: {  	_ =	shalt  }
0x45: {  	_ =	shalt  }
0x46: {  	_ =	shalt  }
0x47: {  	_ =	shalt  }
0x48: {  	_ =	shalt  }
0x49: {  	_ =	shalt  }
0x4a: {  	_ =	shalt  }
0x4b: {  	_ =	shalt  }
0x4c: {  	_ =	shalt  }
0x4d: {  	_ =	shalt  }
0x4e: {  	_ =	shalt  }
0x4f: {  	_ =	shalt  }
0x50: {  	_ =	shalt  }
0x51: {  	_ =	shalt  }
0x52: {  	_ =	shalt  }
0x53: {  	_ =	shalt  }
0x54: {  	_ =	shalt  }
0x55: {  	_ =	shalt  }
0x56: {  	_ =	shalt  }
0x57: {  	_ =	shalt  }
0x58: {  	_ =	shalt  }
0x59: {  	_ =	shalt  }
0x5a: {  	_ =	shalt  }
0x5b: {  	_ =	shalt  }
0x5c: {  	_ =	shalt  }
0x5d: {  	_ =	shalt  }
0x5e: {  	_ =	shalt  }
0x5f: {  	_ =	shalt  }
0x60: {  	_ =	shalt  }
0x61: {  	_ =	shalt  }
0x62: {  	_ =	shalt  }
0x63: {  	_ =	shalt  }
0x64: {  	_ =	shalt  }
0x65: {  	_ =	shalt  }
0x66: {  	_ =	shalt  }
0x67: {  	_ =	shalt  }
0x68: {  	_ =	shalt  }
0x69: {  	_ =	shalt  }
0x6a: {  	_ =	shalt  }
0x6b: {  	_ =	shalt  }
0x6c: {  	_ =	shalt  }
0x6d: {  	_ =	shalt  }
0x6e: {  	_ =	shalt  }
0x6f: {  	_ =	shalt  }
0x70: {  	_ =	shalt  }
0x71: {  	_ =	shalt  }
0x72: {  	_ =	shalt  }
0x73: {  	_ =	shalt  }
0x74: {  	_ =	shalt  }
0x75: {  	_ =	shalt  }
0x76: {  	_ =	shalt  }
0x77: {  	_ =	shalt  }
0x78: {  	_ =	shalt  }
0x79: {  	_ =	shalt  }
0x7a: {  	_ =	shalt  }
0x7b: {  	_ =	shalt  }
0x7c: {  	_ =	shalt  }
0x7d: {  	_ =	shalt  }
0x7e: {  	_ =	shalt  }
0x7f: {  	_ =	shalt  }
0x80: {  	_ =	shalt  }
0x81: {  	_ =	shalt  }
0x82: {  	_ =	shalt  }
0x83: {  	_ =	shalt  }
0x84: {  	_ =	shalt  }
0x85: {  	_ =	shalt  }
0x86: {  	_ =	shalt  }
0x87: {  	_ =	shalt  }
.Lfunc_end0:
.L_simem_size_0:
called_computation.1_lowered:
.L_overlay_start_0:
0x88: {  	s2 =	sld [smem:$0x3FD9]  }
0x89: {  	s3 =	sld [smem:$0x3FFE];
	_ =	sdelay $0x1  }
0x8a: {  	s1 =	srdreg.scid  }
0x8b: {  	s0 =	sand.u32 $0x1, s1  }
0x8c: {  	s16 =	sshll.u32 s0, $0xA;
	s2 =	sadd.s32 s3, s2  }
0x8d: {  	s2 =	sadd.s32 s2, s16  }
0x8e: {  	[smem:$0x3FBD] =	sst s2  }
0x8f: {  	_ = 	snop  }
0x90: {  	(tm) =	ssettm $0x1  }
0x91: {  	s17 =	sld [smem:$0x3FFB];
	_ =	sdelay $0x3  }
0x92: {  	_ =	strace s17  }
0x93: {  	s2 =	sld [smem:$0x3FFC];
	_ =	sdelay $0x3  }
0x94: {  	_ =	strace s2  }
0x95: {  	s2 =	sld [smem:$0x3FFD];
	_ =	sdelay $0x3  }
0x96: {  	_ =	strace s2  }
0x97: {  	_ =	strace $0x8FFFFFFF  }
0x98: {  	s18 =	sld [smem:$0x3FDB];
	_ =	sdelay $0x1  }
0x99: {  	s19 =	simm.s32 $_scs_section_size  }
0x9a: {  	s4 =	simm.s32 $_size__tile_overlayer_lowered;
	s5 =	simm.s32 $_tile_overlayer_lowered  }
0x9b: {  	s22 =	simm.s32 $0x1BFF;
	s21 =	sshll.u32 s5, $0x1;
	s2 =	sadd.s32 s19, s18  }
0x9c: {  	s6 =	simm.s32 $0x0;
	s20 =	sshll.u32 s4, $0x1;
	s4 =	sadd.s32 s21, s2  }
0x9d: {  	[timem:s6], [sflag:s22] =	dma.local [hbm:s4], s20  }
0x9e: {  	_ =	swait.ge [sflag:s22], s20  }
0x9f: {  	s3 =	ssub.s32 $0x0, s20;
	[sflag:s22] =	ssyncset.done $0x0  }
0xa0: {  	[sflag:s22] =	ssyncadd.s32 s3;
	_ =	sdelay $0x1  }
0xa1: {  	s23 =	simm.s32 $0x1B8B  }
0xa2: {  	_ =	swait.ge [sflag:s23], $0x1  }
0xa3: {  	[sflag:s23] =	ssyncset.done $0x0  }
0xa4: {  	s25 =	simm.s32 $0x1B8E;
	s24 =	sld [smem:$0x3FFE];
	[sflag:s23] =	ssyncadd.s32 $0xFFFFFFFF  }
0xa5: {  	s26 =	simm.s32 $execute0_lowered;
	[smem:$0x3FD2] =	sst s25  }
0xa6: {  	s4 =	sshll.u32 s26, $0x1;
	_ =	strace $0x80000049;
	[dreg:$0x1] =	wrdreg $0xFFFFFFFF  }
0xa7: {  	s28 =	simm.s32 $_size_execute0_lowered;
	s2 =	sadd.s32 s2, s4;
	[dreg:$0x0] =	wrdreg $0x0  }
0xa8: {  	s4 =	sshll.u32 s28, $0x1;
	[dreg:$0x2] =	wrdreg s2  }
0xa9: {  	[dreg:$0x3] =	wrdreg s4  }
0xaa: {  	[dreg:$0x4] =	wrdreg $0xC0  }
0xab: {  	_ =	task [dreg:s6], $0x5FFFF  }
0xac: {  	[dreg:$0x1] =	wrdreg $0xFFFFFFFF  }
0xad: {  	[dreg:$0x0] =	wrdreg $0x60  }
0xae: {  	[dreg:$0x2] =	wrdreg s24  }
0xaf: {  	[dreg:$0x3] =	wrdreg $0xD0000  }
0xb0: {  	[dreg:$0x4] =	wrdreg $0x9  }
0xb1: {  	_ =	task.clear_ibuf [dreg:s6], $0x5FFFF;
	_ =	strace $0x90000049  }
0xb2: {  	s29 =	simm.s32 $0x9;
	_ =	strace $0x8000004B  }
0xb3: {  	_ =	swait.ge [sflag:s29], $0x1  }
0xb4: {  	[sflag:s29] =	ssyncadd.s32 $0xFFFFFFFF  }
0xb5: {  	_ =	strace $0x9000004B  }
0xb6: {  	_ =	sfence  }
0xb7: {  	s30 =	sld [smem:$0x0];
	_ =	sdelay $0x2  }
0xb8: {  	s31 =	sshll.u32 s1, $0xD;
	s1 =	sshrl.u32 s1, $0x2  }
0xb9: {  	s3 =	sand.u32 $0x4000, s31;
	s1 =	sadd.s32 s1, s30  }
0xba: {  	s0 =	sor.u32 s3, s0;
	s1 =	sshll.u32 s1, $0x11  }
0xbb: {  	s0 =	sor.u32 s1, s0  }
0xbc: {  	s0 =	sadd.s32 $0x8F2B, s0  }
0xbd: {  	[sflag:s0] =	ssyncadd.remote.s32 $0x1  }
0xbe: {  	_ =	sfence.sel $0xFFFF  }
0xbf: {  	[dreg:$0x0] =	wrdreg $0xFFFFFFFF;
	(pc) =	sbr.abs _section_cstart, $3  }
0xc0: {  	[dreg:$0x1] =	wrdreg $0xFFFFFFFF  }
0xc1: {  	_ =	task.clear_ibuf [dreg:s6], $0x2FFFF;
	_ =	strace $0x9FFFFFFF  }
0xc2: {  	(tm) =	ssettm $0x7FFFFFFF  }
0xc3: {  	_ =	shalt  }
tec
execute0_lowered:
.L_overlay_start_1:
0x0: {  	(tag) =	ssettag $0x1  }
0x1: {  	s0 =	rddreg [dreg:$0x0]  }
0x2: {  	s1 =	srdreg.scid;
	s8 =	stileid.u32  }
0x3: {  	s2 =	rddreg [dreg:$0x1];
	s4 =	simm.s32 $0x0;
	s13 =	simm.s32 $0x80  }
0x4: {  	s26 =	simm.s32 $0xB000;
	s28 =	simm.s32 $0x2;
	s29 =	simm.s32 $0x4  }
0x5: {  	s30 =	simm.s32 $0x6;
	s31 =	simm.s32 $0x8;
	s15 =	simm.s32 $0x5000  }
0x6: {  	s19 =	simm.s32 $0x6000;
	s1 =	sand.u32 $0x1, s1;
	s3 =	sshll.u32 s8, $0x1  }
0x7: {  	[smem:$0x7FF] =	sst s4;
	s4 =	sadd.s32 $0xBA00, s0;
	s6 =	sadd.s32 $0x1F800, s0  }
0x8: {  	s7 =	smul.u32 $0x4F00, s8;
	s22 =	sshll.u32 s8, $0x6;
	s3 =	sor.u32 s1, s3  }
0x9: {  	_ =	strace $0x8000004A;
	s5 =	smul.u32 $0x9E00, s1;
	[dreg:$0x4] =	wrdreg s6  }
0xa: {  	s1 =	ssub.s32 $0x2, s1;
	[dreg:$0x3] =	wrdreg s26;
	s26 =	simm.s32 $0xC000  }
0xb: {  	s3 =	smul.u32 $0x500, s3;
	s21 =	sshrl.u32 s1, $0x1;
	s23 =	sadd.s32 s7, s2  }
0xc: {  	s25 =	sshrl.u32 s7, $0x3;
	s1 =	ssub.s32 s1, s21;
	s6 =	sshrl.u32 s23, $0x3  }
0xd: {  	s3 =	sadd.s32 s3, s0;
	s1 =	smax.u32 s1, $0x1;
	[dreg:$0x9] =	wrdreg s6  }
0xe: {  	s0 =	sadd.s32 s5, s0;
	s5 =	sor.u32 $0x1C11, s22;
	[dreg:$0x8] =	wrdreg s1  }
0xf: {  	s7 =	simm.s32 $0x11;
	s24 =	sadd.s32 $0x15800, s3;
	[dreg:$0x5] =	wrdreg s5  }
0x10: {  	s3 =	sadd.s32 $0x1A00, s3;
	s0 =	sadd.s32 $0x20200, s0;
	[dreg:$0x6] =	wrdreg s24  }
0x11: {  	s23 =	simm.s32 $0xA000;
	[dreg:$0x7] =	wrdreg s3;
	s0 =	sadd.s32 s25, s0  }
0x12: {  	s1 =	simm.s32 $0x0;
	s25 =	simm.s32 $0x1;
	[dreg:$0xa] =	wrdreg s0  }
.LBB2_1:
0x13: {  	[dreg:$0xb] =	wrdreg s1  }
0x14: {  	s0 =	rddreg [dreg:$0x4]  }
0x15: {  	[spmem:s6], [sflag:s5] =	dma.local [hbm:s0], $0x9E0  }
0x16: {  	_ =	swait.ge [sflag:s7], $0x9E0  }
0x17: {  	[sflag:s7] =	ssyncset.done $0x0  }
0x18: {  	s21 =	simm.s32 $0x0;
	s22 =	rddreg [dreg:$0x6];
	[sflag:s7] =	ssyncadd.s32 $0xFFFFF620  }
0x19: {  	[tilespmem:s21], [sflag:$0x11] =	stream.linear.gather [hbm4b:s22+s21], $0x2800, $0x38;
	[tilespmem:$0x11F00] =	vst v63  }
0x1a: {  	_ =	swait.ge [sflag:s7], $0x2800  }
0x1b: {  	[sflag:s7] =	ssyncset.done $0x0  }
0x1c: {  	s3 =	simm.s32 $0x2800;
	s24 =	rddreg [dreg:$0x7];
	[sflag:s7] =	ssyncadd.s32 $0xFFFFD800  }
0x1d: {  	[tilespmem:s3], [sflag:$0x11] =	stream.linear.gather [hbm4b:s24+s21], $0x2800, $0x38;
	[tilespmem:$0x11F00] =	vst v63  }
0x1e: {  	_ =	swait.ge [sflag:s7], $0x2800  }
0x1f: {  	[sflag:s7] =	ssyncset.done $0x0  }
0x20: {  	[sflag:s7] =	ssyncadd.s32 $0xFFFFD800  }
0x21: {  	s5 =	simm.s32 $0x5000;
	[bflag:$0x0] =	sbarrier.arrive $0xFFFF  }
0x22: {  	[tilespmem:s5], [sflag:$0x1] =	stream.indirect.gather [hbm4b:s4+s13], $0x20, s21, s13, $0xb8;
	[tilespmem:$0x11F00] =	vst v63  }
0x23: {  	s6 =	simm.s32 $0x6000  }
0x24: {  	[tilespmem:s6], [sflag:$0x2] =	stream.indirect.gather [hbm4b:s4+s13], $0x20, s13, s13, $0xb8;
	[tilespmem:$0x11F00] =	vst v63  }
0x25: {  	s8 =	simm.s32 $0x7000;
	s7 =	simm.s32 $0x100  }
0x26: {  	[tilespmem:s8], [sflag:$0x3] =	stream.indirect.gather [hbm4b:s4+s13], $0x20, s7, s13, $0xb8;
	[tilespmem:$0x11F00] =	vst v63  }
0x27: {  	s9 =	simm.s32 $0x180;
	s10 =	simm.s32 $0x8000  }
0x28: {  	[tilespmem:s10], [sflag:$0x4] =	stream.indirect.gather [hbm4b:s4+s13], $0x20, s9, s13, $0xb8;
	[tilespmem:$0x11F00] =	vst v63  }
0x29: {  	s11 =	simm.s32 $0x200;
	s12 =	simm.s32 $0x9000;
	p0 =	por $0x1, $0x1  }
0x2a: {  	[tilespmem:s12], [sflag:$0x5] =	stream.indirect.gather [hbm4b:s4+s13], $0x20, s11, s13, $0xb8;
	[tilespmem:$0x11F00] =	vst v63  }
0x2b: {  	s14 =	simm.s32 $0x280;
	s0 =	simm.s32 @!p0 $0xF;
	s8 =	simm.s32 $0xA000  }
0x2c: {  	[tilespmem:s8], [sflag:$0x6] =	stream.indirect.gather [hbm4b:s4+s13], $0x20, s14, s13, $0xb8;
	[tilespmem:$0x11F00] =	vst v63  }
0x2d: {  	_ =	swait.ge @!p0 [sflag:s0], $0x1000  }
0x2e: {  	[sflag:s0] =	ssyncset.done @!p0 $0x0  }
0x2f: {  	s17 =	simm.s32 $0x300;
	s16 =	rddreg [dreg:$0x3];
	[sflag:s0] =	ssyncadd.s32 @!p0 $0xFFFFF000  }
0x30: {  	[tilespmem:s16], [sflag:$0x7] =	stream.indirect.gather [hbm4b:s4+s13], $0x20, s17, s13, $0xb8;
	[tilespmem:$0x11F00] =	vst v63  }
0x31: {  	_ =	swait.ge [sflag:s25], $0x1000  }
0x32: {  	[sflag:s25] =	ssyncset.done $0x0  }
0x33: {  	s18 =	simm.s32 $0x2800;
	s1 =	simm.s32 @!p0 $0x10;
	[sflag:s25] =	ssyncadd.s32 $0xFFFFF000  }
0x34: {  	[spmem:s2] =	stream.indirect.scatter.add.f32 [tilespmem:s5], [sflag:$0x9], $0x20, s18, s13, $0xb8;
	[tilespmem:$0x11F00] =	vst v63  }
0x35: {  	_ =	swait.ge @!p0 [sflag:s1], $0x1000  }
0x36: {  	[sflag:s1] =	ssyncset.done @!p0 $0x0  }
0x37: {  	s20 =	simm.s32 $0x380;
	[sflag:s1] =	ssyncadd.s32 @!p0 $0xFFFFF000  }
0x38: {  	[tilespmem:s26], [sflag:$0x8] =	stream.indirect.gather [hbm4b:s4+s13], $0x20, s20, s13, $0xb8;
	[tilespmem:$0x11F00] =	vst v63  }
0x39: {  	_ =	swait.ge [sflag:s28], $0x1000  }
0x3a: {  	p0 =	por $0x0, $0x0;
	[sflag:s28] =	ssyncset.done $0x0  }
0x3b: {  	s21 =	simm.s32 $0x2880;
	s3 =	simm.s32 @p0 $0x3;
	[sflag:s28] =	ssyncadd.s32 $0xFFFFF000  }
0x3c: {  	[spmem:s2] =	stream.indirect.scatter.add.f32 [tilespmem:s6], [sflag:$0xA], $0x20, s21, s13, $0xb8;
	[tilespmem:$0x11F00] =	vst v63  }
0x3d: {  	_ =	swait.ge @p0 [sflag:s3], $0x1000  }
0x3e: {  	s0 =	simm.s32 @p0 $0x2900;
	s1 =	simm.s32 @p0 $0x80;
	[sflag:s3] =	ssyncset.done @p0 $0x0  }
0x3f: {  	s5 =	simm.s32 @p0 $0x7000;
	[sflag:s3] =	ssyncadd.s32 @p0 $0xFFFFF000;
	s3 =	simm.s32 @!p0 $0x9  }
0x40: {  	[spmem:s2] =	stream.indirect.scatter.add.f32 @p0 [tilespmem:s5], [sflag:$0xB], $0x20, s0, s1, $0xb8;
	[tilespmem:$0x11F00] =	vst v63  }
0x41: {  	_ =	swait.ge @!p0 [sflag:s3], $0x1000  }
0x42: {  	s7 =	simm.s32 @!p0 $0x5000;
	s5 =	simm.s32 @!p0 $0x400;
	[sflag:s3] =	ssyncset.done @!p0 $0x0  }
0x43: {  	s0 =	simm.s32 @!p0 $0x80;
	[sflag:s3] =	ssyncadd.s32 @!p0 $0xFFFFF000;
	s3 =	simm.s32 @!p0 $0x3  }
0x44: {  	[tilespmem:s7], [sflag:$0x1] =	stream.indirect.gather @!p0 [hbm4b:s4+s0], $0x20, s5, s0, $0xb8;
	[tilespmem:$0x11F00] =	vst v63  }
0x45: {  	_ =	swait.ge @!p0 [sflag:s3], $0x1000  }
0x46: {  	s5 =	simm.s32 @!p0 $0x2900;
	[sflag:s3] =	ssyncset.done @!p0 $0x0  }
0x47: {  	s7 =	simm.s32 @!p0 $0x7000;
	[sflag:s3] =	ssyncadd.s32 @!p0 $0xFFFFF000;
	s3 =	simm.s32 @!p0 $0xA  }
0x48: {  	[spmem:s2] =	stream.indirect.scatter.add.f32 @!p0 [tilespmem:s7], [sflag:$0xB], $0x20, s5, s0, $0xb8;
	[tilespmem:$0x11F00] =	vst v63  }
0x49: {  	_ =	swait.ge @!p0 [sflag:s3], $0x1000  }
0x4a: {  	[sflag:s3] =	ssyncset.done @!p0 $0x0  }
0x4b: {  	s5 =	simm.s32 @!p0 $0x480;
	[sflag:s3] =	ssyncadd.s32 @!p0 $0xFFFFF000;
	s3 =	simm.s32 @!p0 $0x6000  }
0x4c: {  	[tilespmem:s3], [sflag:$0x2] =	stream.indirect.gather @!p0 [hbm4b:s4+s0], $0x20, s5, s0, $0xb8;
	[tilespmem:$0x11F00] =	vst v63  }
0x4d: {  	_ =	swait.ge [sflag:s29], $0x1000  }
0x4e: {  	[sflag:s29] =	ssyncset.done $0x0  }
0x4f: {  	s22 =	simm.s32 $0x2980;
	s5 =	simm.s32 @p0 $0x5;
	[sflag:s29] =	ssyncadd.s32 $0xFFFFF000  }
0x50: {  	[spmem:s2] =	stream.indirect.scatter.add.f32 [tilespmem:s10], [sflag:$0xC], $0x20, s22, s13, $0xb8;
	[tilespmem:$0x11F00] =	vst v63  }
0x51: {  	_ =	swait.ge @p0 [sflag:s5], $0x1000  }
0x52: {  	[sflag:s5] =	ssyncset.done @p0 $0x0  }
0x53: {  	s3 =	simm.s32 @p0 $0x2A00;
	[sflag:s5] =	ssyncadd.s32 @p0 $0xFFFFF000;
	s5 =	simm.s32 @p0 $0x9000  }
0x54: {  	[spmem:s2] =	stream.indirect.scatter.add.f32 @p0 [tilespmem:s5], [sflag:$0xD], $0x20, s3, s1, $0xb8;
	[tilespmem:$0x11F00] =	vst v63  }
0x55: {  	s3 =	simm.s32 @!p0 $0xB  }
0x56: {  	_ =	swait.ge @!p0 [sflag:s3], $0x1000  }
0x57: {  	[sflag:s3] =	ssyncset.done @!p0 $0x0  }
0x58: {  	s5 =	simm.s32 @!p0 $0x500;
	[sflag:s3] =	ssyncadd.s32 @!p0 $0xFFFFF000;
	s3 =	simm.s32 @!p0 $0x5  }
0x59: {  	[tilespmem:s7], [sflag:$0x3] =	stream.indirect.gather @!p0 [hbm4b:s4+s0], $0x20, s5, s0, $0xb8;
	[tilespmem:$0x11F00] =	vst v63  }
0x5a: {  	_ =	swait.ge @!p0 [sflag:s3], $0x1000  }
0x5b: {  	s5 =	simm.s32 @!p0 $0x2A00;
	[sflag:s3] =	ssyncset.done @!p0 $0x0  }
0x5c: {  	s7 =	simm.s32 @!p0 $0x9000;
	[sflag:s3] =	ssyncadd.s32 @!p0 $0xFFFFF000;
	s3 =	simm.s32 @!p0 $0xC  }
0x5d: {  	[spmem:s2] =	stream.indirect.scatter.add.f32 @!p0 [tilespmem:s7], [sflag:$0xD], $0x20, s5, s0, $0xb8;
	[tilespmem:$0x11F00] =	vst v63  }
0x5e: {  	_ =	swait.ge @!p0 [sflag:s3], $0x1000  }
0x5f: {  	[sflag:s3] =	ssyncset.done @!p0 $0x0  }
0x60: {  	s5 =	simm.s32 @!p0 $0x580;
	[sflag:s3] =	ssyncadd.s32 @!p0 $0xFFFFF000;
	s3 =	simm.s32 @!p0 $0x8000  }
0x61: {  	[tilespmem:s3], [sflag:$0x4] =	stream.indirect.gather @!p0 [hbm4b:s4+s0], $0x20, s5, s0, $0xb8;
	[tilespmem:$0x11F00] =	vst v63  }
0x62: {  	_ =	swait.ge [sflag:s30], $0x1000  }
0x63: {  	[sflag:s30] =	ssyncset.done $0x0  }
0x64: {  	s24 =	simm.s32 $0x2A80;
	s5 =	simm.s32 @p0 $0x7;
	[sflag:s30] =	ssyncadd.s32 $0xFFFFF000  }
0x65: {  	[spmem:s2] =	stream.indirect.scatter.add.f32 [tilespmem:s8], [sflag:$0xE], $0x20, s24, s13, $0xb8;
	[tilespmem:$0x11F00] =	vst v63  }
0x66: {  	_ =	swait.ge @p0 [sflag:s5], $0x1000  }
0x67: {  	[sflag:s5] =	ssyncset.done @p0 $0x0  }
0x68: {  	s3 =	simm.s32 @p0 $0x2B00;
	[sflag:s5] =	ssyncadd.s32 @p0 $0xFFFFF000;
	s5 =	simm.s32 @p0 $0xB000  }
0x69: {  	[spmem:s2] =	stream.indirect.scatter.add.f32 @p0 [tilespmem:s5], [sflag:$0xF], $0x20, s3, s1, $0xb8;
	[tilespmem:$0x11F00] =	vst v63  }
0x6a: {  	s1 =	simm.s32 @!p0 $0xD  }
0x6b: {  	_ =	swait.ge @!p0 [sflag:s1], $0x1000  }
0x6c: {  	[sflag:s1] =	ssyncset.done @!p0 $0x0  }
0x6d: {  	[sflag:s1] =	ssyncadd.s32 @!p0 $0xFFFFF000;
	s1 =	simm.s32 @!p0 $0x600  }
0x6e: {  	[tilespmem:s7], [sflag:$0x5] =	stream.indirect.gather @!p0 [hbm4b:s4+s0], $0x20, s1, s0, $0xb8;
	[tilespmem:$0x11F00] =	vst v63  }
0x6f: {  	s1 =	simm.s32 @!p0 $0x7  }
0x70: {  	_ =	swait.ge @!p0 [sflag:s1], $0x1000  }
0x71: {  	[sflag:s1] =	ssyncset.done @!p0 $0x0  }
0x72: {  	s3 =	simm.s32 @!p0 $0x2B00;
	[sflag:s1] =	ssyncadd.s32 @!p0 $0xFFFFF000;
	s1 =	simm.s32 @!p0 $0xB000  }
0x73: {  	[spmem:s2] =	stream.indirect.scatter.add.f32 @!p0 [tilespmem:s1], [sflag:$0xF], $0x20, s3, s0, $0xb8;
	[tilespmem:$0x11F00] =	vst v63  }
0x74: {  	s1 =	simm.s32 @!p0 $0xE  }
0x75: {  	_ =	swait.ge @!p0 [sflag:s1], $0x1000  }
0x76: {  	p1 =	por $0x0, $0x0;
	s8 =	simm.s32 $0x1000;
	[sflag:s1] =	ssyncset.done @!p0 $0x0  }
0x77: {  	s3 =	simm.s32 @!p0 $0x680;
	[sflag:s1] =	ssyncadd.s32 @!p0 $0xFFFFF000;
	s1 =	simm.s32 @!p0 $0xA000  }
0x78: {  	[tilespmem:s1], [sflag:$0x6] =	stream.indirect.gather @!p0 [hbm4b:s4+s0], $0x20, s3, s0, $0xb8;
	[tilespmem:$0x11F00] =	vst v63  }
0x79: {  	s5 =	simm.s32 $0x2000;
	s7 =	simm.s32 $0x2B80;
	_ =	swait.ge [sflag:s31], $0x1000  }
.LBB2_2:
0x7a: {  	[sflag:s31] =	ssyncset.done $0x0  }
0x7b: {  	s0 =	simm.s32 @!p1 $0xF;
	[sflag:s31] =	ssyncadd.s32 $0xFFFFF000  }
0x7c: {  	[spmem:s2] =	stream.indirect.scatter.add.f32 [tilespmem:s26], [sflag:$0x10], $0x20, s7, s13, $0xb8;
	[tilespmem:$0x11F00] =	vst v63  }
0x7d: {  	_ =	swait.ge @!p1 [sflag:s0], $0x1000  }
0x7e: {  	s9 =	sshra.s32 s8, $0x2;
	[sflag:s0] =	ssyncset.done @!p1 $0x0  }
0x7f: {  	s14 =	sadd.s32 $0x300, s9;
	s3 =	rddreg [dreg:$0x3];
	[sflag:s0] =	ssyncadd.s32 @!p1 $0xFFFFF000  }
0x80: {  	[tilespmem:s3], [sflag:$0x7] =	stream.indirect.gather [hbm4b:s4+s13], $0x20, s14, s13, $0xb8;
	[tilespmem:$0x11F00] =	vst v63  }
0x81: {  	_ =	swait.ge [sflag:s25], $0x1000  }
0x82: {  	[sflag:s25] =	ssyncset.done $0x0  }
0x83: {  	s16 =	sadd.s32 $0x2800, s9;
	s3 =	simm.s32 @!p1 $0x10;
	[sflag:s25] =	ssyncadd.s32 $0xFFFFF000  }
0x84: {  	[spmem:s2] =	stream.indirect.scatter.add.f32 [tilespmem:s15], [sflag:$0x9], $0x20, s16, s13, $0xb8;
	[tilespmem:$0x11F00] =	vst v63  }
0x85: {  	_ =	swait.ge @!p1 [sflag:s3], $0x1000  }
0x86: {  	[sflag:s3] =	ssyncset.done @!p1 $0x0  }
0x87: {  	s17 =	sadd.s32 $0x380, s9;
	[sflag:s3] =	ssyncadd.s32 @!p1 $0xFFFFF000  }
0x88: {  	[tilespmem:s26], [sflag:$0x8] =	stream.indirect.gather [hbm4b:s4+s13], $0x20, s17, s13, $0xb8;
	[tilespmem:$0x11F00] =	vst v63  }
0x89: {  	_ =	swait.ge [sflag:s28], $0x1000  }
0x8a: {  	p1 =	seq.s32 s8, $0x9000;
	[sflag:s28] =	ssyncset.done $0x0  }
0x8b: {  	s18 =	sadd.s32 $0x2880, s9;
	s12 =	simm.s32 @p1 $0x3;
	[sflag:s28] =	ssyncadd.s32 $0xFFFFF000  }
0x8c: {  	[spmem:s2] =	stream.indirect.scatter.add.f32 [tilespmem:s19], [sflag:$0xA], $0x20, s18, s13, $0xb8;
	[tilespmem:$0x11F00] =	vst v63  }
0x8d: {  	s16 =	sshra.s32 @p1 s8, $0x2;
	_ =	swait.ge @p1 [sflag:s12], $0x1000  }
0x8e: {  	s3 =	simm.s32 @p1 $0x80;
	s17 =	simm.s32 @p1 $0x7000;
	[sflag:s12] =	ssyncset.done @p1 $0x0  }
0x8f: {  	s0 =	sadd.s32 @p1 $0x2900, s16;
	[sflag:s12] =	ssyncadd.s32 @p1 $0xFFFFF000;
	s12 =	simm.s32 @!p1 $0x9  }
0x90: {  	[spmem:s2] =	stream.indirect.scatter.add.f32 @p1 [tilespmem:s17], [sflag:$0xB], $0x20, s0, s3, $0xb8;
	[tilespmem:$0x11F00] =	vst v63  }
0x91: {  	s8 =	sshra.s32 @!p1 s8, $0x2;
	_ =	swait.ge @!p1 [sflag:s12], $0x1000  }
0x92: {  	s24 =	simm.s32 @!p1 $0x80;
	s18 =	sadd.s32 @!p1 $0x400, s8;
	[sflag:s12] =	ssyncset.done @!p1 $0x0  }
0x93: {  	s17 =	simm.s32 @!p1 $0x5000;
	[sflag:s12] =	ssyncadd.s32 @!p1 $0xFFFFF000;
	s12 =	simm.s32 @!p1 $0x3  }
0x94: {  	[tilespmem:s17], [sflag:$0x1] =	stream.indirect.gather @!p1 [hbm4b:s4+s24], $0x20, s18, s24, $0xb8;
	[tilespmem:$0x11F00] =	vst v63  }
0x95: {  	_ =	swait.ge @!p1 [sflag:s12], $0x1000  }
0x96: {  	s11 =	simm.s32 @!p1 $0x7000;
	[sflag:s12] =	ssyncset.done @!p1 $0x0  }
0x97: {  	s22 =	simm.s32 @!p1 $0xA;
	s0 =	sadd.s32 @!p1 $0x2900, s8;
	[sflag:s12] =	ssyncadd.s32 @!p1 $0xFFFFF000  }
0x98: {  	[spmem:s2] =	stream.indirect.scatter.add.f32 @!p1 [tilespmem:s11], [sflag:$0xB], $0x20, s0, s24, $0xb8;
	[tilespmem:$0x11F00] =	vst v63  }
0x99: {  	s1 =	smov.u32 s5;
	_ =	swait.ge @!p1 [sflag:s22], $0x1000  }
0x9a: {  	s14 =	simm.s32 @!p1 $0x6000;
	s20 =	sadd.s32 @!p1 $0x480, s8;
	[sflag:s22] =	ssyncset.done @!p1 $0x0  }
0x9b: {  	s21 =	sadd.s32 @p1 $0x2A00, s16;
	s6 =	sadd.s32 @!p1 $0x500, s8;
	[sflag:s22] =	ssyncadd.s32 @!p1 $0xFFFFF000  }
0x9c: {  	[tilespmem:s14], [sflag:$0x2] =	stream.indirect.gather @!p1 [hbm4b:s4+s24], $0x20, s20, s24, $0xb8;
	[tilespmem:$0x11F00] =	vst v63  }
0x9d: {  	s10 =	sadd.s32 @!p1 $0x2A00, s8;
	s18 =	sadd.s32 @!p1 $0x580, s8;
	_ =	swait.ge [sflag:s29], $0x1000  }
0x9e: {  	s17 =	sadd.s32 @p1 $0x2B00, s16;
	s22 =	simm.s32 $0x8000;
	[sflag:s29] =	ssyncset.done $0x0  }
0x9f: {  	s20 =	sadd.s32 $0x2980, s9;
	s14 =	simm.s32 @p1 $0x5;
	[sflag:s29] =	ssyncadd.s32 $0xFFFFF000  }
0xa0: {  	[spmem:s2] =	stream.indirect.scatter.add.f32 [tilespmem:s22], [sflag:$0xC], $0x20, s20, s13, $0xb8;
	[tilespmem:$0x11F00] =	vst v63  }
0xa1: {  	s16 =	sadd.s32 @!p1 $0x600, s8;
	s12 =	sadd.s32 @!p1 $0x2B00, s8;
	_ =	swait.ge @p1 [sflag:s14], $0x1000  }
0xa2: {  	s0 =	sadd.s32 @!p1 $0x680, s8;
	s8 =	smov.u32 s1;
	[sflag:s14] =	ssyncset.done @p1 $0x0  }
0xa3: {  	s1 =	simm.s32 @p1 $0x9000;
	[sflag:s14] =	ssyncadd.s32 @p1 $0xFFFFF000;
	s14 =	simm.s32 @!p1 $0xB  }
0xa4: {  	[spmem:s2] =	stream.indirect.scatter.add.f32 @p1 [tilespmem:s1], [sflag:$0xD], $0x20, s21, s3, $0xb8;
	[tilespmem:$0x11F00] =	vst v63  }
0xa5: {  	_ =	swait.ge @!p1 [sflag:s14], $0x1000  }
0xa6: {  	[sflag:s14] =	ssyncset.done @!p1 $0x0  }
0xa7: {  	s1 =	simm.s32 @!p1 $0x5;
	[sflag:s14] =	ssyncadd.s32 @!p1 $0xFFFFF000  }
0xa8: {  	[tilespmem:s11], [sflag:$0x3] =	stream.indirect.gather @!p1 [hbm4b:s4+s24], $0x20, s6, s24, $0xb8;
	[tilespmem:$0x11F00] =	vst v63  }
0xa9: {  	_ =	swait.ge @!p1 [sflag:s1], $0x1000  }
0xaa: {  	[sflag:s1] =	ssyncset.done @!p1 $0x0  }
0xab: {  	s6 =	simm.s32 @!p1 $0x9000;
	[sflag:s1] =	ssyncadd.s32 @!p1 $0xFFFFF000;
	s1 =	simm.s32 @!p1 $0xC  }
0xac: {  	[spmem:s2] =	stream.indirect.scatter.add.f32 @!p1 [tilespmem:s6], [sflag:$0xD], $0x20, s10, s24, $0xb8;
	[tilespmem:$0x11F00] =	vst v63  }
0xad: {  	_ =	swait.ge @!p1 [sflag:s1], $0x1000  }
0xae: {  	[sflag:s1] =	ssyncset.done @!p1 $0x0  }
0xaf: {  	s10 =	simm.s32 @!p1 $0x8000;
	[sflag:s1] =	ssyncadd.s32 @!p1 $0xFFFFF000  }
0xb0: {  	[tilespmem:s10], [sflag:$0x4] =	stream.indirect.gather @!p1 [hbm4b:s4+s24], $0x20, s18, s24, $0xb8;
	[tilespmem:$0x11F00] =	vst v63  }
0xb1: {  	_ =	swait.ge [sflag:s30], $0x1000  }
0xb2: {  	s7 =	sadd.s32 $0x2B80, s9;
	[sflag:s30] =	ssyncset.done $0x0  }
0xb3: {  	s22 =	sadd.s32 $0x2A80, s9;
	s9 =	simm.s32 @p1 $0x7;
	[sflag:s30] =	ssyncadd.s32 $0xFFFFF000  }
0xb4: {  	[spmem:s2] =	stream.indirect.scatter.add.f32 [tilespmem:s23], [sflag:$0xE], $0x20, s22, s13, $0xb8;
	[tilespmem:$0x11F00] =	vst v63  }
0xb5: {  	_ =	swait.ge @p1 [sflag:s9], $0x1000  }
0xb6: {  	[sflag:s9] =	ssyncset.done @p1 $0x0  }
0xb7: {  	s1 =	simm.s32 @p1 $0xB000;
	[sflag:s9] =	ssyncadd.s32 @p1 $0xFFFFF000;
	s9 =	simm.s32 @!p1 $0xD  }
0xb8: {  	[spmem:s2] =	stream.indirect.scatter.add.f32 @p1 [tilespmem:s1], [sflag:$0xF], $0x20, s17, s3, $0xb8;
	[tilespmem:$0x11F00] =	vst v63  }
0xb9: {  	_ =	swait.ge @!p1 [sflag:s9], $0x1000  }
0xba: {  	[sflag:s9] =	ssyncset.done @!p1 $0x0  }
0xbb: {  	s1 =	simm.s32 @!p1 $0x7;
	[sflag:s9] =	ssyncadd.s32 @!p1 $0xFFFFF000  }
0xbc: {  	[tilespmem:s6], [sflag:$0x5] =	stream.indirect.gather @!p1 [hbm4b:s4+s24], $0x20, s16, s24, $0xb8;
	[tilespmem:$0x11F00] =	vst v63  }
0xbd: {  	s5 =	sadd.s32 $0x1000, s5;
	_ =	swait.ge @!p1 [sflag:s1], $0x1000  }
0xbe: {  	p0 =	sne.s32 s5, $0xA000;
	[sflag:s1] =	ssyncset.done @!p1 $0x0  }
0xbf: {  	s3 =	simm.s32 @!p1 $0xB000;
	[sflag:s1] =	ssyncadd.s32 @!p1 $0xFFFFF000;
	s1 =	simm.s32 @!p1 $0xE  }
0xc0: {  	[spmem:s2] =	stream.indirect.scatter.add.f32 @!p1 [tilespmem:s3], [sflag:$0xF], $0x20, s12, s24, $0xb8;
	[tilespmem:$0x11F00] =	vst v63  }
.Ltmp0:
0xc1: {  	_ =	swait.ge @!p1 [sflag:s1], $0x1000;
	(pc) =	sbr.rel @p0 .LBB2_2-.Ltmp0, $4  }
0xc2: {  	[sflag:s1] =	ssyncset.done @!p1 $0x0  }
0xc3: {  	s3 =	simm.s32 @!p1 $0xA000;
	[sflag:s1] =	ssyncadd.s32 @!p1 $0xFFFFF000  }
0xc4: {  	[tilespmem:s3], [sflag:$0x6] =	stream.indirect.gather @!p1 [hbm4b:s4+s24], $0x20, s0, s24, $0xb8;
	[tilespmem:$0x11F00] =	vst v63  }
0xc5: {  	p1 =	seq.s32 s8, $0x0;
	_ =	swait.ge [sflag:s31], $0x1000  }
0xc6: {  	[sflag:s31] =	ssyncset.done $0x0  }
0xc7: {  	s0 =	simm.s32 @!p1 $0xF;
	[sflag:s31] =	ssyncadd.s32 $0xFFFFF000  }
0xc8: {  	[spmem:s2] =	stream.indirect.scatter.add.f32 [tilespmem:s26], [sflag:$0x10], $0x20, s7, s13, $0xb8;
	[tilespmem:$0x11F00] =	vst v63  }
0xc9: {  	_ =	swait.ge @!p1 [sflag:s0], $0x1000  }
0xca: {  	s5 =	sshra.s32 s8, $0x2;
	[sflag:s0] =	ssyncset.done @!p1 $0x0  }
0xcb: {  	s18 =	sadd.s32 $0x300, s5;
	s1 =	rddreg [dreg:$0x3];
	[sflag:s0] =	ssyncadd.s32 @!p1 $0xFFFFF000  }
0xcc: {  	[tilespmem:s1], [sflag:$0x7] =	stream.indirect.gather [hbm4b:s4+s13], $0x20, s18, s13, $0xb8;
	[tilespmem:$0x11F00] =	vst v63  }
0xcd: {  	_ =	swait.ge [sflag:s25], $0x1000  }
0xce: {  	[sflag:s25] =	ssyncset.done $0x0  }
0xcf: {  	s20 =	sadd.s32 $0x2800, s5;
	s1 =	simm.s32 @!p1 $0x10;
	[sflag:s25] =	ssyncadd.s32 $0xFFFFF000  }
0xd0: {  	[spmem:s2] =	stream.indirect.scatter.add.f32 [tilespmem:s15], [sflag:$0x9], $0x20, s20, s13, $0xb8;
	[tilespmem:$0x11F00] =	vst v63  }
0xd1: {  	_ =	swait.ge @!p1 [sflag:s1], $0x1000  }
0xd2: {  	[sflag:s1] =	ssyncset.done @!p1 $0x0  }
0xd3: {  	s21 =	sadd.s32 $0x380, s5;
	[sflag:s1] =	ssyncadd.s32 @!p1 $0xFFFFF000  }
0xd4: {  	[tilespmem:s26], [sflag:$0x8] =	stream.indirect.gather [hbm4b:s4+s13], $0x20, s21, s13, $0xb8;
	[tilespmem:$0x11F00] =	vst v63  }
0xd5: {  	_ =	swait.ge [sflag:s28], $0x1000  }
0xd6: {  	p0 =	seq.s32 s8, $0x9000;
	[sflag:s28] =	ssyncset.done $0x0  }
0xd7: {  	s22 =	sadd.s32 $0x2880, s5;
	s1 =	simm.s32 @p0 $0x3;
	[sflag:s28] =	ssyncadd.s32 $0xFFFFF000  }
0xd8: {  	[spmem:s2] =	stream.indirect.scatter.add.f32 [tilespmem:s19], [sflag:$0xA], $0x20, s22, s13, $0xb8;
	[tilespmem:$0x11F00] =	vst v63  }
0xd9: {  	s3 =	sshra.s32 @p0 s8, $0x2;
	_ =	swait.ge @p0 [sflag:s1], $0x1000  }
0xda: {  	s6 =	simm.s32 @p0 $0x7000;
	s9 =	simm.s32 @!p0 $0x9;
	[sflag:s1] =	ssyncset.done @p0 $0x0  }
0xdb: {  	s7 =	simm.s32 @p0 $0x80;
	s0 =	sadd.s32 @p0 $0x2900, s3;
	[sflag:s1] =	ssyncadd.s32 @p0 $0xFFFFF000  }
0xdc: {  	[spmem:s2] =	stream.indirect.scatter.add.f32 @p0 [tilespmem:s6], [sflag:$0xB], $0x20, s0, s7, $0xb8;
	[tilespmem:$0x11F00] =	vst v63  }
0xdd: {  	s1 =	simm.s32 @!p0 $0x80;
	_ =	swait.ge @!p0 [sflag:s9], $0x1000  }
0xde: {  	s0 =	sshra.s32 @!p0 s8, $0x2;
	s8 =	simm.s32 @!p0 $0x5000;
	[sflag:s9] =	ssyncset.done @!p0 $0x0  }
0xdf: {  	s6 =	sadd.s32 @!p0 $0x400, s0;
	[sflag:s9] =	ssyncadd.s32 @!p0 $0xFFFFF000;
	s9 =	simm.s32 @!p0 $0x3  }
0xe0: {  	[tilespmem:s8], [sflag:$0x1] =	stream.indirect.gather @!p0 [hbm4b:s4+s1], $0x20, s6, s1, $0xb8;
	[tilespmem:$0x11F00] =	vst v63  }
0xe1: {  	_ =	swait.ge @!p0 [sflag:s9], $0x1000  }
0xe2: {  	s6 =	sadd.s32 @!p0 $0x2900, s0;
	[sflag:s9] =	ssyncset.done @!p0 $0x0  }
0xe3: {  	s8 =	simm.s32 @!p0 $0x7000;
	[sflag:s9] =	ssyncadd.s32 @!p0 $0xFFFFF000;
	s9 =	simm.s32 @!p0 $0xA  }
0xe4: {  	[spmem:s2] =	stream.indirect.scatter.add.f32 @!p0 [tilespmem:s8], [sflag:$0xB], $0x20, s6, s1, $0xb8;
	[tilespmem:$0x11F00] =	vst v63  }
0xe5: {  	_ =	swait.ge @!p0 [sflag:s9], $0x1000  }
0xe6: {  	[sflag:s9] =	ssyncset.done @!p0 $0x0  }
0xe7: {  	s6 =	sadd.s32 @!p0 $0x480, s0;
	[sflag:s9] =	ssyncadd.s32 @!p0 $0xFFFFF000;
	s9 =	simm.s32 @!p0 $0x6000  }
0xe8: {  	[tilespmem:s9], [sflag:$0x2] =	stream.indirect.gather @!p0 [hbm4b:s4+s1], $0x20, s6, s1, $0xb8;
	[tilespmem:$0x11F00] =	vst v63  }
0xe9: {  	_ =	swait.ge [sflag:s29], $0x1000  }
0xea: {  	s10 =	simm.s32 $0x8000;
	[sflag:s29] =	ssyncset.done $0x0  }
0xeb: {  	s24 =	sadd.s32 $0x2980, s5;
	s9 =	simm.s32 @p0 $0x5;
	[sflag:s29] =	ssyncadd.s32 $0xFFFFF000  }
0xec: {  	[spmem:s2] =	stream.indirect.scatter.add.f32 [tilespmem:s10], [sflag:$0xC], $0x20, s24, s13, $0xb8;
	[tilespmem:$0x11F00] =	vst v63  }
0xed: {  	_ =	swait.ge @p0 [sflag:s9], $0x1000  }
0xee: {  	[sflag:s9] =	ssyncset.done @p0 $0x0  }
0xef: {  	s6 =	sadd.s32 @p0 $0x2A00, s3;
	[sflag:s9] =	ssyncadd.s32 @p0 $0xFFFFF000;
	s9 =	simm.s32 @p0 $0x9000  }
0xf0: {  	[spmem:s2] =	stream.indirect.scatter.add.f32 @p0 [tilespmem:s9], [sflag:$0xD], $0x20, s6, s7, $0xb8;
	[tilespmem:$0x11F00] =	vst v63  }
0xf1: {  	s6 =	simm.s32 @!p0 $0xB  }
0xf2: {  	_ =	swait.ge @!p0 [sflag:s6], $0x1000  }
0xf3: {  	[sflag:s6] =	ssyncset.done @!p0 $0x0  }
0xf4: {  	s9 =	sadd.s32 @!p0 $0x500, s0;
	[sflag:s6] =	ssyncadd.s32 @!p0 $0xFFFFF000;
	s6 =	simm.s32 @!p0 $0x5  }
0xf5: {  	[tilespmem:s8], [sflag:$0x3] =	stream.indirect.gather @!p0 [hbm4b:s4+s1], $0x20, s9, s1, $0xb8;
	[tilespmem:$0x11F00] =	vst v63  }
0xf6: {  	_ =	swait.ge @!p0 [sflag:s6], $0x1000  }
0xf7: {  	s8 =	sadd.s32 @!p0 $0x2A00, s0;
	[sflag:s6] =	ssyncset.done @!p0 $0x0  }
0xf8: {  	s9 =	simm.s32 @!p0 $0x9000;
	[sflag:s6] =	ssyncadd.s32 @!p0 $0xFFFFF000;
	s6 =	simm.s32 @!p0 $0xC  }
0xf9: {  	[spmem:s2] =	stream.indirect.scatter.add.f32 @!p0 [tilespmem:s9], [sflag:$0xD], $0x20, s8, s1, $0xb8;
	[tilespmem:$0x11F00] =	vst v63  }
0xfa: {  	_ =	swait.ge @!p0 [sflag:s6], $0x1000  }
0xfb: {  	[sflag:s6] =	ssyncset.done @!p0 $0x0  }
0xfc: {  	s8 =	sadd.s32 @!p0 $0x580, s0;
	[sflag:s6] =	ssyncadd.s32 @!p0 $0xFFFFF000;
	s6 =	simm.s32 @!p0 $0x8000  }
0xfd: {  	[tilespmem:s6], [sflag:$0x4] =	stream.indirect.gather @!p0 [hbm4b:s4+s1], $0x20, s8, s1, $0xb8;
	[tilespmem:$0x11F00] =	vst v63  }
0xfe: {  	_ =	swait.ge [sflag:s30], $0x1000  }
0xff: {  	[sflag:s30] =	ssyncset.done $0x0  }
0x100: {  	s8 =	sadd.s32 $0x2A80, s5;
	s6 =	simm.s32 @p0 $0x7;
	[sflag:s30] =	ssyncadd.s32 $0xFFFFF000  }
0x101: {  	[spmem:s2] =	stream.indirect.scatter.add.f32 [tilespmem:s23], [sflag:$0xE], $0x20, s8, s13, $0xb8;
	[tilespmem:$0x11F00] =	vst v63  }
0x102: {  	_ =	swait.ge @p0 [sflag:s6], $0x1000  }
0x103: {  	[sflag:s6] =	ssyncset.done @p0 $0x0  }
0x104: {  	s3 =	sadd.s32 @p0 $0x2B00, s3;
	[sflag:s6] =	ssyncadd.s32 @p0 $0xFFFFF000;
	s6 =	simm.s32 @p0 $0xB000  }
0x105: {  	[spmem:s2] =	stream.indirect.scatter.add.f32 @p0 [tilespmem:s6], [sflag:$0xF], $0x20, s3, s7, $0xb8;
	[tilespmem:$0x11F00] =	vst v63  }
0x106: {  	s3 =	simm.s32 @!p0 $0xD  }
0x107: {  	_ =	swait.ge @!p0 [sflag:s3], $0x1000  }
0x108: {  	[sflag:s3] =	ssyncset.done @!p0 $0x0  }
0x109: {  	[sflag:s3] =	ssyncadd.s32 @!p0 $0xFFFFF000;
	s3 =	sadd.s32 @!p0 $0x600, s0  }
0x10a: {  	[tilespmem:s9], [sflag:$0x5] =	stream.indirect.gather @!p0 [hbm4b:s4+s1], $0x20, s3, s1, $0xb8;
	[tilespmem:$0x11F00] =	vst v63  }
0x10b: {  	s3 =	simm.s32 @!p0 $0x7  }
0x10c: {  	_ =	swait.ge @!p0 [sflag:s3], $0x1000  }
0x10d: {  	[sflag:s3] =	ssyncset.done @!p0 $0x0  }
0x10e: {  	s6 =	sadd.s32 @!p0 $0x2B00, s0;
	[sflag:s3] =	ssyncadd.s32 @!p0 $0xFFFFF000;
	s3 =	simm.s32 @!p0 $0xB000  }
0x10f: {  	[spmem:s2] =	stream.indirect.scatter.add.f32 @!p0 [tilespmem:s3], [sflag:$0xF], $0x20, s6, s1, $0xb8;
	[tilespmem:$0x11F00] =	vst v63  }
0x110: {  	s3 =	simm.s32 @!p0 $0xE  }
0x111: {  	_ =	swait.ge @!p0 [sflag:s3], $0x1000  }
0x112: {  	[sflag:s3] =	ssyncset.done @!p0 $0x0  }
0x113: {  	s0 =	sadd.s32 @!p0 $0x680, s0;
	[sflag:s3] =	ssyncadd.s32 @!p0 $0xFFFFF000;
	s3 =	simm.s32 @!p0 $0xA000  }
0x114: {  	[tilespmem:s3], [sflag:$0x6] =	stream.indirect.gather @!p0 [hbm4b:s4+s1], $0x20, s0, s1, $0xb8;
	[tilespmem:$0x11F00] =	vst v63  }
0x115: {  	_ =	swait.ge [sflag:s31], $0x1000  }
0x116: {  	[sflag:s31] =	ssyncset.done $0x0  }
0x117: {  	s10 =	simm.s32 $0x9;
	s9 =	sadd.s32 $0x2B80, s5;
	[sflag:s31] =	ssyncadd.s32 $0xFFFFF000  }
0x118: {  	[spmem:s2] =	stream.indirect.scatter.add.f32 [tilespmem:s26], [sflag:$0x10], $0x20, s9, s13, $0xb8;
	[tilespmem:$0x11F00] =	vst v63  }
0x119: {  	_ =	swait.ge [sflag:s10], $0x1000  }
0x11a: {  	[sflag:s10] =	ssyncset.done $0x0  }
0x11b: {  	s11 =	simm.s32 $0xA;
	[sflag:s10] =	ssyncadd.s32 $0xFFFFF000  }
0x11c: {  	_ =	swait.ge [sflag:s11], $0x1000  }
0x11d: {  	[sflag:s11] =	ssyncset.done $0x0  }
0x11e: {  	s12 =	simm.s32 $0xB;
	[sflag:s11] =	ssyncadd.s32 $0xFFFFF000  }
0x11f: {  	_ =	swait.ge [sflag:s12], $0x1000  }
0x120: {  	[sflag:s12] =	ssyncset.done $0x0  }
0x121: {  	s14 =	simm.s32 $0xC;
	[sflag:s12] =	ssyncadd.s32 $0xFFFFF000  }
0x122: {  	_ =	swait.ge [sflag:s14], $0x1000  }
0x123: {  	[sflag:s14] =	ssyncset.done $0x0  }
0x124: {  	s16 =	simm.s32 $0xD;
	[sflag:s14] =	ssyncadd.s32 $0xFFFFF000  }
0x125: {  	_ =	swait.ge [sflag:s16], $0x1000  }
0x126: {  	[sflag:s16] =	ssyncset.done $0x0  }
0x127: {  	s17 =	simm.s32 $0xE;
	[sflag:s16] =	ssyncadd.s32 $0xFFFFF000  }
0x128: {  	_ =	swait.ge [sflag:s17], $0x1000  }
0x129: {  	[sflag:s17] =	ssyncset.done $0x0  }
0x12a: {  	s18 =	simm.s32 $0xF;
	[sflag:s17] =	ssyncadd.s32 $0xFFFFF000  }
0x12b: {  	_ =	swait.ge [sflag:s18], $0x1000  }
0x12c: {  	[sflag:s18] =	ssyncset.done $0x0  }
0x12d: {  	s20 =	simm.s32 $0x10;
	[sflag:s18] =	ssyncadd.s32 $0xFFFFF000  }
0x12e: {  	_ =	swait.ge [sflag:s20], $0x1000  }
0x12f: {  	[sflag:s20] =	ssyncset.done $0x0  }
0x130: {  	[sflag:s20] =	ssyncadd.s32 $0xFFFFF000  }
0x131: {  	[bflag:$0x0] =	sbarrier.arrive $0xFFFF  }
0x132: {  	s5 =	rddreg [dreg:$0x5]  }
0x133: {  	s6 =	rddreg [dreg:$0x9]  }
0x134: {  	s7 =	simm.s32 $0x11;
	s21 =	rddreg [dreg:$0xa]  }
0x135: {  	[hbm:s21], [sflag:s5] =	dma.local [spmem:s6], $0x9E0  }
0x136: {  	_ =	swait.ge [sflag:s7], $0x9E0  }
0x137: {  	s22 =	rddreg [dreg:$0xb]  }
0x138: {  	s24 =	rddreg [dreg:$0x8];
	s1 =	sadd.s32 $0x1, s22  }
0x139: {  	p0 =	sne.s32 s1, s24  }
.Ltmp1:
0x13a: {  	_ = 	snop;
	(pc) =	sbr.rel @p0 .LBB2_1-.Ltmp1, $3  }
0x13b: {  	_ =	sdelay $0x1  }
0x13c: {  	[sflag:s7] =	ssyncset.done $0x0  }
0x13d: {  	[sflag:s7] =	ssyncadd.s32 $0xFFFFF620  }
0x13e: {  	_ =	sfence.sel $0x180000  }
0x13f: {  	[bflag:$0x0] =	sbarrier.arrive $0xFFFF  }
0x140: {  	_ =	strace $0x9000004A  }
0x141: {  	s0 =	stileid.u32;
	[bflag:$0x2] =	sbarrier.arrive $0xFFFF  }
0x142: {  	p0 =	sne.s32 s0, $0x0;
	s0 =	rddreg [dreg:$0x2]  }
0x143: {  	s0 =	sadd.s32 @!p0 $0x100000, s0  }
0x144: {  	[sflag:s0] =	ssyncadd.tile.s32 @!p0 $0x1;
	_ =	shalt  }
.Lfunc_end2:
_tile_overlayer_lowered:
.L_overlay_start_2:
0x145: {  	(tag) =	ssettag $0x2  }
0x146: {  	s0 =	rddreg [dreg:$0x0];
	s2 =	stileid.u32  }
0x147: {  	s1 =	rddreg [dreg:$0x1];
	p0 =	sne.s32 s2, $0x0  }
0x148: {  	s3 =	rddreg [dreg:$0x2];
	[bflag:$0x3] =	sbarrier.arrive $0xFFFF;
	s2 =	simm.s32 @!p0 $0x1C11  }
0x149: {  	[timem:s3], [sflag:s2] =	dma.local @!p0 [hbm:s0], s1  }
0x14a: {  	s0 =	simm.s32 @!p0 $0x11  }
0x14b: {  	_ =	swait.ge @!p0 [sflag:s0], s1  }
0x14c: {  	s1 =	ssub.s32 @!p0 $0x0, s1;
	[sflag:s0] =	ssyncset.done @!p0 $0x0  }
0x14d: {  	[sflag:s0] =	ssyncadd.s32 @!p0 s1  }
0x14e: {  	[bflag:$0x3] =	sbarrier.arrive $0xFFFF  }
0x14f: {  	_ =	shalt  }

// kernel: kernel.14.cloned.1.call-start
scs
__scs_entry_jumppad:
0x0: {  	(pc) =	sbr.rel $0x88, $3  }
0x1: {  	(tag) =	ssettag $0x0;
	lr =	simm.s32 $0x1  }
0x2: {  	[smem:$0x3F96] =	sst lr;
	_ =	strace $0xD0000000  }
0x3: {  	_ = 	snop  }
0x4: {  	_ = 	snop  }
0x5: {  	_ = 	snop  }
0x6: {  	_ = 	snop  }
0x7: {  	_ = 	snop  }
__scs_overlays_trampoline_lowered:
0x8: {  	[smem:$0x3FA5] =	sst s0  }
0x9: {  	[smem:$0x3FA6] =	sst s1  }
0xa: {  	[smem:$0x3FA7] =	sst s2  }
0xb: {  	[smem:$0x3FA8] =	sst s3  }
0xc: {  	[smem:$0x3FA9] =	sst s4  }
0xd: {  	[smem:$0x3FAA] =	sst s5  }
0xe: {  	[smem:$0x3FAB] =	sst s6  }
0xf: {  	[smem:$0x3FAC] =	sst s7  }
0x10: {  	[smem:$0x3FAD] =	sst s8  }
0x11: {  	[smem:$0x3FAE] =	sst s9;
	s0 =	simm.s32 @!p0 $0x0  }
0x12: {  	s1 =	sld [smem:$0x3F94];
	s0 =	simm.s32 @p0 $0x1  }
0x13: {  	[smem:$0x3FAF] =	sst s0;
	s0 =	simm.s32 @!p1 $0x0  }
0x14: {  	s2 =	sld [smem:$0x3F93];
	s0 =	simm.s32 @p1 $0x1  }
0x15: {  	[smem:$0x3FB0] =	sst s0;
	s0 =	simm.s32 @!p2 $0x0  }
0x16: {  	s3 =	sld [smem:$0x3FDB];
	s0 =	simm.s32 @p2 $0x1  }
0x17: {  	s4 =	simm.s32 $0x1BF5;
	[smem:$0x3FB2] =	sst s0  }
0x18: {  	s0 =	sld [smem:$0x3F95];
	_ =	swait.ge [sflag:s4], $0x0  }
0x19: {  	s7 =	sld [smem:$0x3F96]  }
0x1a: {  	s8 =	sadd.s32 $0xFFFFE003, lr  }
0x1b: {  	s9 =	sadd.s32 $0xFFFFFEF7, lr;
	s5 =	simm.s32 $0xFFFFFFFF;
	p2 =	slt.u32 s8, $0xFFFFF086  }
0x1c: {  	p1 =	slt.u32 s9, $0xF7A;
	s5 =	simm.s32 @!p2 $0x0  }
0x1d: {  	s5 =	simm.s32 @p1 $0x1;
	p0 =	seq.s32 s7, s2  }
0x1e: {  	s7 =	smul.u32 @!p0 $0xF7A, s2;
	p2 =	seq.s32 @!p0 s5, $0x0  }
0x1f: {  	s9 =	smul.u32 $0xF7A, s1;
	s8 =	simm.s32 @!p0 $0x1BF5;
	p2 =	por !p2, p0  }
0x20: {  	[sflag:s8] =	ssyncset.s32 @!p0 $0xFFFFF086;
	s6 =	sadd.s32 @!p0 s3, s7;
	s7 =	simm.s32 @!p0 $0x108  }
0x21: {  	s3 =	sadd.s32 s3, s9;
	s6 =	sadd.s32 @!p0 $0x88, s6;
	s7 =	simm.s32 @p2 $0x1082  }
0x22: {  	[simem:s7], [sflag:s8] =	dma.local @!p0 [hbm:s6], $0xF7A  }
0x23: {  	s9 =	sor.u32 $0xD0000000, s2;
	s6 =	simm.s32 $0x108;
	_ =	swait.ge @!p0 [sflag:s8], $0x0  }
0x24: {  	s3 =	sadd.s32 $0x88, s3;
	s6 =	simm.s32 @!p1 $0x1082;
	[sflag:s4] =	ssyncset.s32 $0xFFFFF086  }
0x25: {  	[simem:s6], [sflag:s4] =	dma.local [hbm:s3], $0xF7A  }
0x26: {  	[smem:$0x3F96] =	sst s1;
	(tag) =	ssettag s2;
	_ =	strace s9  }
0x27: {  	s1 =	sld [smem:$0x3FA6]  }
0x28: {  	s2 =	sld [smem:$0x3FA7]  }
0x29: {  	s4 =	sld [smem:$0x3FA9]  }
0x2a: {  	p0 =	seq.s32 s5, $0x0;
	s5 =	sld [smem:$0x3FAA]  }
0x2b: {  	s6 =	sld [smem:$0x3FAB]  }
0x2c: {  	s7 =	sld [smem:$0x3FAC]  }
0x2d: {  	s3 =	simm.s32 $0x108;
	s8 =	sld [smem:$0x3FAD]  }
0x2e: {  	s3 =	simm.s32 @!p0 $0x1082;
	s9 =	sld [smem:$0x3FAE]  }
0x2f: {  	lr =	sadd.s32 s0, s3;
	s0 =	sld [smem:$0x3FA5]  }
0x30: {  	s3 =	sld [smem:$0x3FA8]  }
0x31: {  	[smem:$0x3FB1] =	sst s10  }
0x32: {  	s10 =	sld [smem:$0x3FAF];
	_ =	sdelay $0x3  }
0x33: {  	p0 =	seq.s32 s10, $0x1;
	s10 =	sld [smem:$0x3FB1];
	_ =	sdelay $0x3  }
0x34: {  	[smem:$0x3FB1] =	sst s10  }
0x35: {  	s10 =	sld [smem:$0x3FB0];
	_ =	sdelay $0x3  }
0x36: {  	p1 =	seq.s32 s10, $0x1;
	s10 =	sld [smem:$0x3FB1];
	_ =	sdelay $0x3  }
0x37: {  	[smem:$0x3FB1] =	sst s10  }
0x38: {  	s10 =	sld [smem:$0x3FB2]  }
0x39: {  	_ = 	snop;
	(pc) =	sbr.ind lr, $3  }
0x3a: {  	_ = 	snop  }
0x3b: {  	_ = 	snop  }
0x3c: {  	p2 =	seq.s32 s10, $0x1;
	s10 =	sld [smem:$0x3FB1]  }
0x3d: {  	_ =	shalt  }
0x3e: {  	_ =	shalt  }
0x3f: {  	_ =	shalt  }
0x40: {  	_ =	shalt  }
0x41: {  	_ =	shalt  }
0x42: {  	_ =	shalt  }
0x43: {  	_ =	shalt  }
0x44: {  	_ =	shalt  }
0x45: {  	_ =	shalt  }
0x46: {  	_ =	shalt  }
0x47: {  	_ =	shalt  }
0x48: {  	_ =	shalt  }
0x49: {  	_ =	shalt  }
0x4a: {  	_ =	shalt  }
0x4b: {  	_ =	shalt  }
0x4c: {  	_ =	shalt  }
0x4d: {  	_ =	shalt  }
0x4e: {  	_ =	shalt  }
0x4f: {  	_ =	shalt  }
0x50: {  	_ =	shalt  }
0x51: {  	_ =	shalt  }
0x52: {  	_ =	shalt  }
0x53: {  	_ =	shalt  }
0x54: {  	_ =	shalt  }
0x55: {  	_ =	shalt  }
0x56: {  	_ =	shalt  }
0x57: {  	_ =	shalt  }
0x58: {  	_ =	shalt  }
0x59: {  	_ =	shalt  }
0x5a: {  	_ =	shalt  }
0x5b: {  	_ =	shalt  }
0x5c: {  	_ =	shalt  }
0x5d: {  	_ =	shalt  }
0x5e: {  	_ =	shalt  }
0x5f: {  	_ =	shalt  }
0x60: {  	_ =	shalt  }
0x61: {  	_ =	shalt  }
0x62: {  	_ =	shalt  }
0x63: {  	_ =	shalt  }
0x64: {  	_ =	shalt  }
0x65: {  	_ =	shalt  }
0x66: {  	_ =	shalt  }
0x67: {  	_ =	shalt  }
0x68: {  	_ =	shalt  }
0x69: {  	_ =	shalt  }
0x6a: {  	_ =	shalt  }
0x6b: {  	_ =	shalt  }
0x6c: {  	_ =	shalt  }
0x6d: {  	_ =	shalt  }
0x6e: {  	_ =	shalt  }
0x6f: {  	_ =	shalt  }
0x70: {  	_ =	shalt  }
0x71: {  	_ =	shalt  }
0x72: {  	_ =	shalt  }
0x73: {  	_ =	shalt  }
0x74: {  	_ =	shalt  }
0x75: {  	_ =	shalt  }
0x76: {  	_ =	shalt  }
0x77: {  	_ =	shalt  }
0x78: {  	_ =	shalt  }
0x79: {  	_ =	shalt  }
0x7a: {  	_ =	shalt  }
0x7b: {  	_ =	shalt  }
0x7c: {  	_ =	shalt  }
0x7d: {  	_ =	shalt  }
0x7e: {  	_ =	shalt  }
0x7f: {  	_ =	shalt  }
0x80: {  	_ =	shalt  }
0x81: {  	_ =	shalt  }
0x82: {  	_ =	shalt  }
0x83: {  	_ =	shalt  }
0x84: {  	_ =	shalt  }
0x85: {  	_ =	shalt  }
0x86: {  	_ =	shalt  }
0x87: {  	_ =	shalt  }
.Lfunc_end0:
.L_simem_size_0:
called_computation.2_lowered:
.L_overlay_start_0:
0x88: {  	s2 =	sld [smem:$0x3FD9]  }
0x89: {  	s3 =	sld [smem:$0x3FFE];
	_ =	sdelay $0x1  }
0x8a: {  	s1 =	srdreg.scid  }
0x8b: {  	s0 =	sand.u32 $0x1, s1  }
0x8c: {  	s16 =	sshll.u32 s0, $0xA;
	s2 =	sadd.s32 s3, s2  }
0x8d: {  	s2 =	sadd.s32 s2, s16  }
0x8e: {  	[smem:$0x3FBD] =	sst s2  }
0x8f: {  	_ = 	snop  }
0x90: {  	(tm) =	ssettm $0x1  }
0x91: {  	s17 =	sld [smem:$0x3FFB];
	_ =	sdelay $0x3  }
0x92: {  	_ =	strace s17  }
0x93: {  	s2 =	sld [smem:$0x3FFC];
	_ =	sdelay $0x3  }
0x94: {  	_ =	strace s2  }
0x95: {  	s2 =	sld [smem:$0x3FFD];
	_ =	sdelay $0x3  }
0x96: {  	_ =	strace s2  }
0x97: {  	_ =	strace $0x8FFFFFFF  }
0x98: {  	s18 =	sld [smem:$0x3FDB];
	_ =	sdelay $0x1  }
0x99: {  	s19 =	simm.s32 $_scs_section_size  }
0x9a: {  	s4 =	simm.s32 $_size__tile_overlayer_lowered;
	s5 =	simm.s32 $_tile_overlayer_lowered  }
0x9b: {  	s22 =	simm.s32 $0x1BFF;
	s21 =	sshll.u32 s5, $0x1;
	s2 =	sadd.s32 s19, s18  }
0x9c: {  	s6 =	simm.s32 $0x0;
	s20 =	sshll.u32 s4, $0x1;
	s4 =	sadd.s32 s21, s2  }
0x9d: {  	[timem:s6], [sflag:s22] =	dma.local [hbm:s4], s20  }
0x9e: {  	_ =	swait.ge [sflag:s22], s20  }
0x9f: {  	s3 =	ssub.s32 $0x0, s20;
	[sflag:s22] =	ssyncset.done $0x0  }
0xa0: {  	[sflag:s22] =	ssyncadd.s32 s3;
	_ =	sdelay $0x1  }
0xa1: {  	s23 =	simm.s32 $0x1B8B  }
0xa2: {  	_ =	swait.ge [sflag:s23], $0x1  }
0xa3: {  	[sflag:s23] =	ssyncset.done $0x0  }
0xa4: {  	s25 =	simm.s32 $0x1B8E;
	s24 =	sld [smem:$0x3FFE];
	[sflag:s23] =	ssyncadd.s32 $0xFFFFFFFF  }
0xa5: {  	s26 =	simm.s32 $execute0_lowered;
	[smem:$0x3FD2] =	sst s25  }
0xa6: {  	s4 =	sshll.u32 s26, $0x1;
	_ =	strace $0x8000004C;
	[dreg:$0x1] =	wrdreg $0xFFFFFFFF  }
0xa7: {  	s28 =	simm.s32 $_size_execute0_lowered;
	s2 =	sadd.s32 s2, s4;
	[dreg:$0x0] =	wrdreg $0x0  }
0xa8: {  	s4 =	sshll.u32 s28, $0x1;
	[dreg:$0x2] =	wrdreg s2  }
0xa9: {  	[dreg:$0x3] =	wrdreg s4  }
0xaa: {  	[dreg:$0x4] =	wrdreg $0xC0  }
0xab: {  	_ =	task [dreg:s6], $0x5FFFF  }
0xac: {  	[dreg:$0x1] =	wrdreg $0xFFFFFFFF  }
0xad: {  	[dreg:$0x0] =	wrdreg $0x60  }
0xae: {  	[dreg:$0x2] =	wrdreg s24  }
0xaf: {  	[dreg:$0x3] =	wrdreg $0x150000  }
0xb0: {  	[dreg:$0x4] =	wrdreg $0x9  }
0xb1: {  	_ =	task.clear_ibuf [dreg:s6], $0x5FFFF;
	_ =	strace $0x9000004C  }
0xb2: {  	s29 =	simm.s32 $0x9;
	_ =	strace $0x8000004E  }
0xb3: {  	_ =	swait.ge [sflag:s29], $0x1  }
0xb4: {  	[sflag:s29] =	ssyncadd.s32 $0xFFFFFFFF  }
0xb5: {  	_ =	strace $0x9000004E  }
0xb6: {  	_ =	sfence  }
0xb7: {  	s30 =	sld [smem:$0x0];
	_ =	sdelay $0x2  }
0xb8: {  	s31 =	sshll.u32 s1, $0xD;
	s1 =	sshrl.u32 s1, $0x2  }
0xb9: {  	s3 =	sand.u32 $0x4000, s31;
	s1 =	sadd.s32 s1, s30  }
0xba: {  	s0 =	sor.u32 s3, s0;
	s1 =	sshll.u32 s1, $0x11  }
0xbb: {  	s0 =	sor.u32 s1, s0  }
0xbc: {  	s0 =	sadd.s32 $0x8F2B, s0  }
0xbd: {  	[sflag:s0] =	ssyncadd.remote.s32 $0x1  }
0xbe: {  	_ =	sfence.sel $0xFFFF  }
0xbf: {  	[dreg:$0x0] =	wrdreg $0xFFFFFFFF;
	(pc) =	sbr.abs _section_cstart, $3  }
0xc0: {  	[dreg:$0x1] =	wrdreg $0xFFFFFFFF  }
0xc1: {  	_ =	task.clear_ibuf [dreg:s6], $0x2FFFF;
	_ =	strace $0x9FFFFFFF  }
0xc2: {  	(tm) =	ssettm $0x7FFFFFFF  }
0xc3: {  	_ =	shalt  }
tec
execute0_lowered:
.L_overlay_start_1:
0x0: {  	(tag) =	ssettag $0x1  }
0x1: {  	s0 =	rddreg [dreg:$0x0]  }
0x2: {  	s1 =	srdreg.scid;
	s8 =	stileid.u32  }
0x3: {  	s2 =	rddreg [dreg:$0x1];
	s4 =	simm.s32 $0x0;
	s13 =	simm.s32 $0x80  }
0x4: {  	s26 =	simm.s32 $0x11000;
	s28 =	simm.s32 $0x2;
	s29 =	simm.s32 $0x4  }
0x5: {  	s30 =	simm.s32 $0x6;
	s31 =	simm.s32 $0x8;
	s15 =	simm.s32 $0x5000  }
0x6: {  	s19 =	simm.s32 $0x7000;
	s1 =	sand.u32 $0x1, s1;
	s3 =	sshll.u32 s8, $0x1  }
0x7: {  	[smem:$0x7FF] =	sst s4;
	s4 =	sadd.s32 $0x1F800, s0;
	s6 =	sadd.s32 $0xBA00, s0  }
0x8: {  	s7 =	smul.u32 $0x9E00, s8;
	s22 =	sshll.u32 s8, $0x6;
	s3 =	sor.u32 s1, s3  }
0x9: {  	_ =	strace $0x8000004D;
	s5 =	smul.u32 $0x13C00, s1;
	[dreg:$0x4] =	wrdreg s6  }
0xa: {  	s1 =	ssub.s32 $0x2, s1;
	[dreg:$0x3] =	wrdreg s26;
	s26 =	simm.s32 $0x13000  }
0xb: {  	s3 =	smul.u32 $0x500, s3;
	s21 =	sshrl.u32 s1, $0x1;
	s23 =	sadd.s32 s7, s2  }
0xc: {  	s25 =	sshrl.u32 s7, $0x3;
	s1 =	ssub.s32 s1, s21;
	s6 =	sshrl.u32 s23, $0x3  }
0xd: {  	s3 =	sadd.s32 s3, s0;
	s1 =	smax.u32 s1, $0x1;
	[dreg:$0x9] =	wrdreg s6  }
0xe: {  	s0 =	sadd.s32 s5, s0;
	s5 =	sor.u32 $0x1C11, s22;
	[dreg:$0x8] =	wrdreg s1  }
0xf: {  	s7 =	simm.s32 $0x11;
	s24 =	sadd.s32 $0x15800, s3;
	[dreg:$0x5] =	wrdreg s5  }
0x10: {  	s3 =	sadd.s32 $0x1A00, s3;
	s0 =	sadd.s32 $0x33400, s0;
	[dreg:$0x6] =	wrdreg s24  }
0x11: {  	s23 =	simm.s32 $0xF000;
	[dreg:$0x7] =	wrdreg s3;
	s0 =	sadd.s32 s25, s0  }
0x12: {  	s1 =	simm.s32 $0x0;
	s25 =	simm.s32 $0x1;
	[dreg:$0xa] =	wrdreg s0  }
.LBB2_1:
0x13: {  	[dreg:$0xb] =	wrdreg s1  }
0x14: {  	s0 =	rddreg [dreg:$0x4]  }
0x15: {  	[spmem:s6], [sflag:s5] =	dma.local [hbm:s0], $0x13C0  }
0x16: {  	_ =	swait.ge [sflag:s7], $0x13C0  }
0x17: {  	[sflag:s7] =	ssyncset.done $0x0  }
0x18: {  	s21 =	simm.s32 $0x0;
	s22 =	rddreg [dreg:$0x6];
	[sflag:s7] =	ssyncadd.s32 $0xFFFFEC40  }
0x19: {  	[tilespmem:s21], [sflag:$0x11] =	stream.linear.gather [hbm4b:s22+s21], $0x2800, $0x38;
	[tilespmem:$0x1EE00] =	vst v63  }
0x1a: {  	_ =	swait.ge [sflag:s7], $0x2800  }
0x1b: {  	[sflag:s7] =	ssyncset.done $0x0  }
0x1c: {  	s3 =	simm.s32 $0x2800;
	s24 =	rddreg [dreg:$0x7];
	[sflag:s7] =	ssyncadd.s32 $0xFFFFD800  }
0x1d: {  	[tilespmem:s3], [sflag:$0x11] =	stream.linear.gather [hbm4b:s24+s21], $0x2800, $0x38;
	[tilespmem:$0x1EE00] =	vst v63  }
0x1e: {  	_ =	swait.ge [sflag:s7], $0x2800  }
0x1f: {  	[sflag:s7] =	ssyncset.done $0x0  }
0x20: {  	[sflag:s7] =	ssyncadd.s32 $0xFFFFD800  }
0x21: {  	s5 =	simm.s32 $0x5000;
	[bflag:$0x0] =	sbarrier.arrive $0xFFFF  }
0x22: {  	[tilespmem:s5], [sflag:$0x1] =	stream.indirect.gather [hbm4b:s4+s13], $0x40, s21, s13, $0xb8;
	[tilespmem:$0x1EE00] =	vst v63  }
0x23: {  	s6 =	simm.s32 $0x7000  }
0x24: {  	[tilespmem:s6], [sflag:$0x2] =	stream.indirect.gather [hbm4b:s4+s13], $0x40, s13, s13, $0xb8;
	[tilespmem:$0x1EE00] =	vst v63  }
0x25: {  	s8 =	simm.s32 $0x9000;
	s7 =	simm.s32 $0x100  }
0x26: {  	[tilespmem:s8], [sflag:$0x3] =	stream.indirect.gather [hbm4b:s4+s13], $0x40, s7, s13, $0xb8;
	[tilespmem:$0x1EE00] =	vst v63  }
0x27: {  	s9 =	simm.s32 $0x180;
	s10 =	simm.s32 $0xB000  }
0x28: {  	[tilespmem:s10], [sflag:$0x4] =	stream.indirect.gather [hbm4b:s4+s13], $0x40, s9, s13, $0xb8;
	[tilespmem:$0x1EE00] =	vst v63  }
0x29: {  	s11 =	simm.s32 $0x200;
	s12 =	simm.s32 $0xD000;
	p0 =	por $0x1, $0x1  }
0x2a: {  	[tilespmem:s12], [sflag:$0x5] =	stream.indirect.gather [hbm4b:s4+s13], $0x40, s11, s13, $0xb8;
	[tilespmem:$0x1EE00] =	vst v63  }
0x2b: {  	s14 =	simm.s32 $0x280;
	s0 =	simm.s32 @!p0 $0xF;
	s8 =	simm.s32 $0xF000  }
0x2c: {  	[tilespmem:s8], [sflag:$0x6] =	stream.indirect.gather [hbm4b:s4+s13], $0x40, s14, s13, $0xb8;
	[tilespmem:$0x1EE00] =	vst v63  }
0x2d: {  	_ =	swait.ge @!p0 [sflag:s0], $0x2000  }
0x2e: {  	[sflag:s0] =	ssyncset.done @!p0 $0x0  }
0x2f: {  	s17 =	simm.s32 $0x300;
	s16 =	rddreg [dreg:$0x3];
	[sflag:s0] =	ssyncadd.s32 @!p0 $0xFFFFE000  }
0x30: {  	[tilespmem:s16], [sflag:$0x7] =	stream.indirect.gather [hbm4b:s4+s13], $0x40, s17, s13, $0xb8;
	[tilespmem:$0x1EE00] =	vst v63  }
0x31: {  	_ =	swait.ge [sflag:s25], $0x2000  }
0x32: {  	[sflag:s25] =	ssyncset.done $0x0  }
0x33: {  	s18 =	simm.s32 $0x2800;
	s1 =	simm.s32 @!p0 $0x10;
	[sflag:s25] =	ssyncadd.s32 $0xFFFFE000  }
0x34: {  	[spmem:s2] =	stream.indirect.scatter.add.f32 [tilespmem:s5], [sflag:$0x9], $0x40, s18, s13, $0xb8;
	[tilespmem:$0x1EE00] =	vst v63  }
0x35: {  	_ =	swait.ge @!p0 [sflag:s1], $0x2000  }
0x36: {  	[sflag:s1] =	ssyncset.done @!p0 $0x0  }
0x37: {  	s20 =	simm.s32 $0x380;
	[sflag:s1] =	ssyncadd.s32 @!p0 $0xFFFFE000  }
0x38: {  	[tilespmem:s26], [sflag:$0x8] =	stream.indirect.gather [hbm4b:s4+s13], $0x40, s20, s13, $0xb8;
	[tilespmem:$0x1EE00] =	vst v63  }
0x39: {  	_ =	swait.ge [sflag:s28], $0x2000  }
0x3a: {  	p0 =	por $0x0, $0x0;
	[sflag:s28] =	ssyncset.done $0x0  }
0x3b: {  	s21 =	simm.s32 $0x2880;
	s3 =	simm.s32 @p0 $0x3;
	[sflag:s28] =	ssyncadd.s32 $0xFFFFE000  }
0x3c: {  	[spmem:s2] =	stream.indirect.scatter.add.f32 [tilespmem:s6], [sflag:$0xA], $0x40, s21, s13, $0xb8;
	[tilespmem:$0x1EE00] =	vst v63  }
0x3d: {  	_ =	swait.ge @p0 [sflag:s3], $0x2000  }
0x3e: {  	s0 =	simm.s32 @p0 $0x2900;
	s1 =	simm.s32 @p0 $0x80;
	[sflag:s3] =	ssyncset.done @p0 $0x0  }
0x3f: {  	s5 =	simm.s32 @p0 $0x9000;
	[sflag:s3] =	ssyncadd.s32 @p0 $0xFFFFE000;
	s3 =	simm.s32 @!p0 $0x9  }
0x40: {  	[spmem:s2] =	stream.indirect.scatter.add.f32 @p0 [tilespmem:s5], [sflag:$0xB], $0x40, s0, s1, $0xb8;
	[tilespmem:$0x1EE00] =	vst v63  }
0x41: {  	_ =	swait.ge @!p0 [sflag:s3], $0x2000  }
0x42: {  	s7 =	simm.s32 @!p0 $0x5000;
	s5 =	simm.s32 @!p0 $0x400;
	[sflag:s3] =	ssyncset.done @!p0 $0x0  }
0x43: {  	s0 =	simm.s32 @!p0 $0x80;
	[sflag:s3] =	ssyncadd.s32 @!p0 $0xFFFFE000;
	s3 =	simm.s32 @!p0 $0x3  }
0x44: {  	[tilespmem:s7], [sflag:$0x1] =	stream.indirect.gather @!p0 [hbm4b:s4+s0], $0x40, s5, s0, $0xb8;
	[tilespmem:$0x1EE00] =	vst v63  }
0x45: {  	_ =	swait.ge @!p0 [sflag:s3], $0x2000  }
0x46: {  	s5 =	simm.s32 @!p0 $0x2900;
	[sflag:s3] =	ssyncset.done @!p0 $0x0  }
0x47: {  	s7 =	simm.s32 @!p0 $0x9000;
	[sflag:s3] =	ssyncadd.s32 @!p0 $0xFFFFE000;
	s3 =	simm.s32 @!p0 $0xA  }
0x48: {  	[spmem:s2] =	stream.indirect.scatter.add.f32 @!p0 [tilespmem:s7], [sflag:$0xB], $0x40, s5, s0, $0xb8;
	[tilespmem:$0x1EE00] =	vst v63  }
0x49: {  	_ =	swait.ge @!p0 [sflag:s3], $0x2000  }
0x4a: {  	[sflag:s3] =	ssyncset.done @!p0 $0x0  }
0x4b: {  	s5 =	simm.s32 @!p0 $0x480;
	[sflag:s3] =	ssyncadd.s32 @!p0 $0xFFFFE000;
	s3 =	simm.s32 @!p0 $0x7000  }
0x4c: {  	[tilespmem:s3], [sflag:$0x2] =	stream.indirect.gather @!p0 [hbm4b:s4+s0], $0x40, s5, s0, $0xb8;
	[tilespmem:$0x1EE00] =	vst v63  }
0x4d: {  	_ =	swait.ge [sflag:s29], $0x2000  }
0x4e: {  	[sflag:s29] =	ssyncset.done $0x0  }
0x4f: {  	s22 =	simm.s32 $0x2980;
	s5 =	simm.s32 @p0 $0x5;
	[sflag:s29] =	ssyncadd.s32 $0xFFFFE000  }
0x50: {  	[spmem:s2] =	stream.indirect.scatter.add.f32 [tilespmem:s10], [sflag:$0xC], $0x40, s22, s13, $0xb8;
	[tilespmem:$0x1EE00] =	vst v63  }
0x51: {  	_ =	swait.ge @p0 [sflag:s5], $0x2000  }
0x52: {  	[sflag:s5] =	ssyncset.done @p0 $0x0  }
0x53: {  	s3 =	simm.s32 @p0 $0x2A00;
	[sflag:s5] =	ssyncadd.s32 @p0 $0xFFFFE000;
	s5 =	simm.s32 @p0 $0xD000  }
0x54: {  	[spmem:s2] =	stream.indirect.scatter.add.f32 @p0 [tilespmem:s5], [sflag:$0xD], $0x40, s3, s1, $0xb8;
	[tilespmem:$0x1EE00] =	vst v63  }
0x55: {  	s3 =	simm.s32 @!p0 $0xB  }
0x56: {  	_ =	swait.ge @!p0 [sflag:s3], $0x2000  }
0x57: {  	[sflag:s3] =	ssyncset.done @!p0 $0x0  }
0x58: {  	s5 =	simm.s32 @!p0 $0x500;
	[sflag:s3] =	ssyncadd.s32 @!p0 $0xFFFFE000;
	s3 =	simm.s32 @!p0 $0x5  }
0x59: {  	[tilespmem:s7], [sflag:$0x3] =	stream.indirect.gather @!p0 [hbm4b:s4+s0], $0x40, s5, s0, $0xb8;
	[tilespmem:$0x1EE00] =	vst v63  }
0x5a: {  	_ =	swait.ge @!p0 [sflag:s3], $0x2000  }
0x5b: {  	s5 =	simm.s32 @!p0 $0x2A00;
	[sflag:s3] =	ssyncset.done @!p0 $0x0  }
0x5c: {  	s7 =	simm.s32 @!p0 $0xD000;
	[sflag:s3] =	ssyncadd.s32 @!p0 $0xFFFFE000;
	s3 =	simm.s32 @!p0 $0xC  }
0x5d: {  	[spmem:s2] =	stream.indirect.scatter.add.f32 @!p0 [tilespmem:s7], [sflag:$0xD], $0x40, s5, s0, $0xb8;
	[tilespmem:$0x1EE00] =	vst v63  }
0x5e: {  	_ =	swait.ge @!p0 [sflag:s3], $0x2000  }
0x5f: {  	[sflag:s3] =	ssyncset.done @!p0 $0x0  }
0x60: {  	s5 =	simm.s32 @!p0 $0x580;
	[sflag:s3] =	ssyncadd.s32 @!p0 $0xFFFFE000;
	s3 =	simm.s32 @!p0 $0xB000  }
0x61: {  	[tilespmem:s3], [sflag:$0x4] =	stream.indirect.gather @!p0 [hbm4b:s4+s0], $0x40, s5, s0, $0xb8;
	[tilespmem:$0x1EE00] =	vst v63  }
0x62: {  	_ =	swait.ge [sflag:s30], $0x2000  }
0x63: {  	[sflag:s30] =	ssyncset.done $0x0  }
0x64: {  	s24 =	simm.s32 $0x2A80;
	s5 =	simm.s32 @p0 $0x7;
	[sflag:s30] =	ssyncadd.s32 $0xFFFFE000  }
0x65: {  	[spmem:s2] =	stream.indirect.scatter.add.f32 [tilespmem:s8], [sflag:$0xE], $0x40, s24, s13, $0xb8;
	[tilespmem:$0x1EE00] =	vst v63  }
0x66: {  	_ =	swait.ge @p0 [sflag:s5], $0x2000  }
0x67: {  	[sflag:s5] =	ssyncset.done @p0 $0x0  }
0x68: {  	s3 =	simm.s32 @p0 $0x2B00;
	[sflag:s5] =	ssyncadd.s32 @p0 $0xFFFFE000;
	s5 =	simm.s32 @p0 $0x11000  }
0x69: {  	[spmem:s2] =	stream.indirect.scatter.add.f32 @p0 [tilespmem:s5], [sflag:$0xF], $0x40, s3, s1, $0xb8;
	[tilespmem:$0x1EE00] =	vst v63  }
0x6a: {  	s1 =	simm.s32 @!p0 $0xD  }
0x6b: {  	_ =	swait.ge @!p0 [sflag:s1], $0x2000  }
0x6c: {  	[sflag:s1] =	ssyncset.done @!p0 $0x0  }
0x6d: {  	[sflag:s1] =	ssyncadd.s32 @!p0 $0xFFFFE000;
	s1 =	simm.s32 @!p0 $0x600  }
0x6e: {  	[tilespmem:s7], [sflag:$0x5] =	stream.indirect.gather @!p0 [hbm4b:s4+s0], $0x40, s1, s0, $0xb8;
	[tilespmem:$0x1EE00] =	vst v63  }
0x6f: {  	s1 =	simm.s32 @!p0 $0x7  }
0x70: {  	_ =	swait.ge @!p0 [sflag:s1], $0x2000  }
0x71: {  	[sflag:s1] =	ssyncset.done @!p0 $0x0  }
0x72: {  	s3 =	simm.s32 @!p0 $0x2B00;
	[sflag:s1] =	ssyncadd.s32 @!p0 $0xFFFFE000;
	s1 =	simm.s32 @!p0 $0x11000  }
0x73: {  	[spmem:s2] =	stream.indirect.scatter.add.f32 @!p0 [tilespmem:s1], [sflag:$0xF], $0x40, s3, s0, $0xb8;
	[tilespmem:$0x1EE00] =	vst v63  }
0x74: {  	s1 =	simm.s32 @!p0 $0xE  }
0x75: {  	_ =	swait.ge @!p0 [sflag:s1], $0x2000  }
0x76: {  	p1 =	por $0x0, $0x0;
	s8 =	simm.s32 $0x1000;
	[sflag:s1] =	ssyncset.done @!p0 $0x0  }
0x77: {  	s3 =	simm.s32 @!p0 $0x680;
	[sflag:s1] =	ssyncadd.s32 @!p0 $0xFFFFE000;
	s1 =	simm.s32 @!p0 $0xF000  }
0x78: {  	[tilespmem:s1], [sflag:$0x6] =	stream.indirect.gather @!p0 [hbm4b:s4+s0], $0x40, s3, s0, $0xb8;
	[tilespmem:$0x1EE00] =	vst v63  }
0x79: {  	s5 =	simm.s32 $0x2000;
	s7 =	simm.s32 $0x2B80;
	_ =	swait.ge [sflag:s31], $0x2000  }
.LBB2_2:
0x7a: {  	[sflag:s31] =	ssyncset.done $0x0  }
0x7b: {  	s0 =	simm.s32 @!p1 $0xF;
	[sflag:s31] =	ssyncadd.s32 $0xFFFFE000  }
0x7c: {  	[spmem:s2] =	stream.indirect.scatter.add.f32 [tilespmem:s26], [sflag:$0x10], $0x40, s7, s13, $0xb8;
	[tilespmem:$0x1EE00] =	vst v63  }
0x7d: {  	_ =	swait.ge @!p1 [sflag:s0], $0x2000  }
0x7e: {  	s9 =	sshra.s32 s8, $0x2;
	[sflag:s0] =	ssyncset.done @!p1 $0x0  }
0x7f: {  	s14 =	sadd.s32 $0x300, s9;
	s3 =	rddreg [dreg:$0x3];
	[sflag:s0] =	ssyncadd.s32 @!p1 $0xFFFFE000  }
0x80: {  	[tilespmem:s3], [sflag:$0x7] =	stream.indirect.gather [hbm4b:s4+s13], $0x40, s14, s13, $0xb8;
	[tilespmem:$0x1EE00] =	vst v63  }
0x81: {  	_ =	swait.ge [sflag:s25], $0x2000  }
0x82: {  	[sflag:s25] =	ssyncset.done $0x0  }
0x83: {  	s16 =	sadd.s32 $0x2800, s9;
	s3 =	simm.s32 @!p1 $0x10;
	[sflag:s25] =	ssyncadd.s32 $0xFFFFE000  }
0x84: {  	[spmem:s2] =	stream.indirect.scatter.add.f32 [tilespmem:s15], [sflag:$0x9], $0x40, s16, s13, $0xb8;
	[tilespmem:$0x1EE00] =	vst v63  }
0x85: {  	_ =	swait.ge @!p1 [sflag:s3], $0x2000  }
0x86: {  	[sflag:s3] =	ssyncset.done @!p1 $0x0  }
0x87: {  	s17 =	sadd.s32 $0x380, s9;
	[sflag:s3] =	ssyncadd.s32 @!p1 $0xFFFFE000  }
0x88: {  	[tilespmem:s26], [sflag:$0x8] =	stream.indirect.gather [hbm4b:s4+s13], $0x40, s17, s13, $0xb8;
	[tilespmem:$0x1EE00] =	vst v63  }
0x89: {  	_ =	swait.ge [sflag:s28], $0x2000  }
0x8a: {  	p1 =	seq.s32 s8, $0x9000;
	[sflag:s28] =	ssyncset.done $0x0  }
0x8b: {  	s18 =	sadd.s32 $0x2880, s9;
	s12 =	simm.s32 @p1 $0x3;
	[sflag:s28] =	ssyncadd.s32 $0xFFFFE000  }
0x8c: {  	[spmem:s2] =	stream.indirect.scatter.add.f32 [tilespmem:s19], [sflag:$0xA], $0x40, s18, s13, $0xb8;
	[tilespmem:$0x1EE00] =	vst v63  }
0x8d: {  	s16 =	sshra.s32 @p1 s8, $0x2;
	_ =	swait.ge @p1 [sflag:s12], $0x2000  }
0x8e: {  	s3 =	simm.s32 @p1 $0x80;
	s17 =	simm.s32 @p1 $0x9000;
	[sflag:s12] =	ssyncset.done @p1 $0x0  }
0x8f: {  	s0 =	sadd.s32 @p1 $0x2900, s16;
	[sflag:s12] =	ssyncadd.s32 @p1 $0xFFFFE000;
	s12 =	simm.s32 @!p1 $0x9  }
0x90: {  	[spmem:s2] =	stream.indirect.scatter.add.f32 @p1 [tilespmem:s17], [sflag:$0xB], $0x40, s0, s3, $0xb8;
	[tilespmem:$0x1EE00] =	vst v63  }
0x91: {  	s8 =	sshra.s32 @!p1 s8, $0x2;
	_ =	swait.ge @!p1 [sflag:s12], $0x2000  }
0x92: {  	s24 =	simm.s32 @!p1 $0x80;
	s18 =	sadd.s32 @!p1 $0x400, s8;
	[sflag:s12] =	ssyncset.done @!p1 $0x0  }
0x93: {  	s17 =	simm.s32 @!p1 $0x5000;
	[sflag:s12] =	ssyncadd.s32 @!p1 $0xFFFFE000;
	s12 =	simm.s32 @!p1 $0x3  }
0x94: {  	[tilespmem:s17], [sflag:$0x1] =	stream.indirect.gather @!p1 [hbm4b:s4+s24], $0x40, s18, s24, $0xb8;
	[tilespmem:$0x1EE00] =	vst v63  }
0x95: {  	_ =	swait.ge @!p1 [sflag:s12], $0x2000  }
0x96: {  	s11 =	simm.s32 @!p1 $0x9000;
	[sflag:s12] =	ssyncset.done @!p1 $0x0  }
0x97: {  	s22 =	simm.s32 @!p1 $0xA;
	s0 =	sadd.s32 @!p1 $0x2900, s8;
	[sflag:s12] =	ssyncadd.s32 @!p1 $0xFFFFE000  }
0x98: {  	[spmem:s2] =	stream.indirect.scatter.add.f32 @!p1 [tilespmem:s11], [sflag:$0xB], $0x40, s0, s24, $0xb8;
	[tilespmem:$0x1EE00] =	vst v63  }
0x99: {  	s1 =	smov.u32 s5;
	_ =	swait.ge @!p1 [sflag:s22], $0x2000  }
0x9a: {  	s14 =	simm.s32 @!p1 $0x7000;
	s20 =	sadd.s32 @!p1 $0x480, s8;
	[sflag:s22] =	ssyncset.done @!p1 $0x0  }
0x9b: {  	s21 =	sadd.s32 @p1 $0x2A00, s16;
	s6 =	sadd.s32 @!p1 $0x500, s8;
	[sflag:s22] =	ssyncadd.s32 @!p1 $0xFFFFE000  }
0x9c: {  	[tilespmem:s14], [sflag:$0x2] =	stream.indirect.gather @!p1 [hbm4b:s4+s24], $0x40, s20, s24, $0xb8;
	[tilespmem:$0x1EE00] =	vst v63  }
0x9d: {  	s10 =	sadd.s32 @!p1 $0x2A00, s8;
	s18 =	sadd.s32 @!p1 $0x580, s8;
	_ =	swait.ge [sflag:s29], $0x2000  }
0x9e: {  	s17 =	sadd.s32 @p1 $0x2B00, s16;
	s22 =	simm.s32 $0xB000;
	[sflag:s29] =	ssyncset.done $0x0  }
0x9f: {  	s20 =	sadd.s32 $0x2980, s9;
	s14 =	simm.s32 @p1 $0x5;
	[sflag:s29] =	ssyncadd.s32 $0xFFFFE000  }
0xa0: {  	[spmem:s2] =	stream.indirect.scatter.add.f32 [tilespmem:s22], [sflag:$0xC], $0x40, s20, s13, $0xb8;
	[tilespmem:$0x1EE00] =	vst v63  }
0xa1: {  	s16 =	sadd.s32 @!p1 $0x600, s8;
	s12 =	sadd.s32 @!p1 $0x2B00, s8;
	_ =	swait.ge @p1 [sflag:s14], $0x2000  }
0xa2: {  	s0 =	sadd.s32 @!p1 $0x680, s8;
	s8 =	smov.u32 s1;
	[sflag:s14] =	ssyncset.done @p1 $0x0  }
0xa3: {  	s1 =	simm.s32 @p1 $0xD000;
	[sflag:s14] =	ssyncadd.s32 @p1 $0xFFFFE000;
	s14 =	simm.s32 @!p1 $0xB  }
0xa4: {  	[spmem:s2] =	stream.indirect.scatter.add.f32 @p1 [tilespmem:s1], [sflag:$0xD], $0x40, s21, s3, $0xb8;
	[tilespmem:$0x1EE00] =	vst v63  }
0xa5: {  	_ =	swait.ge @!p1 [sflag:s14], $0x2000  }
0xa6: {  	[sflag:s14] =	ssyncset.done @!p1 $0x0  }
0xa7: {  	s1 =	simm.s32 @!p1 $0x5;
	[sflag:s14] =	ssyncadd.s32 @!p1 $0xFFFFE000  }
0xa8: {  	[tilespmem:s11], [sflag:$0x3] =	stream.indirect.gather @!p1 [hbm4b:s4+s24], $0x40, s6, s24, $0xb8;
	[tilespmem:$0x1EE00] =	vst v63  }
0xa9: {  	_ =	swait.ge @!p1 [sflag:s1], $0x2000  }
0xaa: {  	[sflag:s1] =	ssyncset.done @!p1 $0x0  }
0xab: {  	s6 =	simm.s32 @!p1 $0xD000;
	[sflag:s1] =	ssyncadd.s32 @!p1 $0xFFFFE000;
	s1 =	simm.s32 @!p1 $0xC  }
0xac: {  	[spmem:s2] =	stream.indirect.scatter.add.f32 @!p1 [tilespmem:s6], [sflag:$0xD], $0x40, s10, s24, $0xb8;
	[tilespmem:$0x1EE00] =	vst v63  }
0xad: {  	_ =	swait.ge @!p1 [sflag:s1], $0x2000  }
0xae: {  	[sflag:s1] =	ssyncset.done @!p1 $0x0  }
0xaf: {  	s10 =	simm.s32 @!p1 $0xB000;
	[sflag:s1] =	ssyncadd.s32 @!p1 $0xFFFFE000  }
0xb0: {  	[tilespmem:s10], [sflag:$0x4] =	stream.indirect.gather @!p1 [hbm4b:s4+s24], $0x40, s18, s24, $0xb8;
	[tilespmem:$0x1EE00] =	vst v63  }
0xb1: {  	_ =	swait.ge [sflag:s30], $0x2000  }
0xb2: {  	s7 =	sadd.s32 $0x2B80, s9;
	[sflag:s30] =	ssyncset.done $0x0  }
0xb3: {  	s22 =	sadd.s32 $0x2A80, s9;
	s9 =	simm.s32 @p1 $0x7;
	[sflag:s30] =	ssyncadd.s32 $0xFFFFE000  }
0xb4: {  	[spmem:s2] =	stream.indirect.scatter.add.f32 [tilespmem:s23], [sflag:$0xE], $0x40, s22, s13, $0xb8;
	[tilespmem:$0x1EE00] =	vst v63  }
0xb5: {  	_ =	swait.ge @p1 [sflag:s9], $0x2000  }
0xb6: {  	[sflag:s9] =	ssyncset.done @p1 $0x0  }
0xb7: {  	s1 =	simm.s32 @p1 $0x11000;
	[sflag:s9] =	ssyncadd.s32 @p1 $0xFFFFE000;
	s9 =	simm.s32 @!p1 $0xD  }
0xb8: {  	[spmem:s2] =	stream.indirect.scatter.add.f32 @p1 [tilespmem:s1], [sflag:$0xF], $0x40, s17, s3, $0xb8;
	[tilespmem:$0x1EE00] =	vst v63  }
0xb9: {  	_ =	swait.ge @!p1 [sflag:s9], $0x2000  }
0xba: {  	[sflag:s9] =	ssyncset.done @!p1 $0x0  }
0xbb: {  	s1 =	simm.s32 @!p1 $0x7;
	[sflag:s9] =	ssyncadd.s32 @!p1 $0xFFFFE000  }
0xbc: {  	[tilespmem:s6], [sflag:$0x5] =	stream.indirect.gather @!p1 [hbm4b:s4+s24], $0x40, s16, s24, $0xb8;
	[tilespmem:$0x1EE00] =	vst v63  }
0xbd: {  	s5 =	sadd.s32 $0x1000, s5;
	_ =	swait.ge @!p1 [sflag:s1], $0x2000  }
0xbe: {  	p0 =	sne.s32 s5, $0xA000;
	[sflag:s1] =	ssyncset.done @!p1 $0x0  }
0xbf: {  	s3 =	simm.s32 @!p1 $0x11000;
	[sflag:s1] =	ssyncadd.s32 @!p1 $0xFFFFE000;
	s1 =	simm.s32 @!p1 $0xE  }
0xc0: {  	[spmem:s2] =	stream.indirect.scatter.add.f32 @!p1 [tilespmem:s3], [sflag:$0xF], $0x40, s12, s24, $0xb8;
	[tilespmem:$0x1EE00] =	vst v63  }
.Ltmp0:
0xc1: {  	_ =	swait.ge @!p1 [sflag:s1], $0x2000;
	(pc) =	sbr.rel @p0 .LBB2_2-.Ltmp0, $4  }
0xc2: {  	[sflag:s1] =	ssyncset.done @!p1 $0x0  }
0xc3: {  	s3 =	simm.s32 @!p1 $0xF000;
	[sflag:s1] =	ssyncadd.s32 @!p1 $0xFFFFE000  }
0xc4: {  	[tilespmem:s3], [sflag:$0x6] =	stream.indirect.gather @!p1 [hbm4b:s4+s24], $0x40, s0, s24, $0xb8;
	[tilespmem:$0x1EE00] =	vst v63  }
0xc5: {  	p1 =	seq.s32 s8, $0x0;
	_ =	swait.ge [sflag:s31], $0x2000  }
0xc6: {  	[sflag:s31] =	ssyncset.done $0x0  }
0xc7: {  	s0 =	simm.s32 @!p1 $0xF;
	[sflag:s31] =	ssyncadd.s32 $0xFFFFE000  }
0xc8: {  	[spmem:s2] =	stream.indirect.scatter.add.f32 [tilespmem:s26], [sflag:$0x10], $0x40, s7, s13, $0xb8;
	[tilespmem:$0x1EE00] =	vst v63  }
0xc9: {  	_ =	swait.ge @!p1 [sflag:s0], $0x2000  }
0xca: {  	s5 =	sshra.s32 s8, $0x2;
	[sflag:s0] =	ssyncset.done @!p1 $0x0  }
0xcb: {  	s18 =	sadd.s32 $0x300, s5;
	s1 =	rddreg [dreg:$0x3];
	[sflag:s0] =	ssyncadd.s32 @!p1 $0xFFFFE000  }
0xcc: {  	[tilespmem:s1], [sflag:$0x7] =	stream.indirect.gather [hbm4b:s4+s13], $0x40, s18, s13, $0xb8;
	[tilespmem:$0x1EE00] =	vst v63  }
0xcd: {  	_ =	swait.ge [sflag:s25], $0x2000  }
0xce: {  	[sflag:s25] =	ssyncset.done $0x0  }
0xcf: {  	s20 =	sadd.s32 $0x2800, s5;
	s1 =	simm.s32 @!p1 $0x10;
	[sflag:s25] =	ssyncadd.s32 $0xFFFFE000  }
0xd0: {  	[spmem:s2] =	stream.indirect.scatter.add.f32 [tilespmem:s15], [sflag:$0x9], $0x40, s20, s13, $0xb8;
	[tilespmem:$0x1EE00] =	vst v63  }
0xd1: {  	_ =	swait.ge @!p1 [sflag:s1], $0x2000  }
0xd2: {  	[sflag:s1] =	ssyncset.done @!p1 $0x0  }
0xd3: {  	s21 =	sadd.s32 $0x380, s5;
	[sflag:s1] =	ssyncadd.s32 @!p1 $0xFFFFE000  }
0xd4: {  	[tilespmem:s26], [sflag:$0x8] =	stream.indirect.gather [hbm4b:s4+s13], $0x40, s21, s13, $0xb8;
	[tilespmem:$0x1EE00] =	vst v63  }
0xd5: {  	_ =	swait.ge [sflag:s28], $0x2000  }
0xd6: {  	p0 =	seq.s32 s8, $0x9000;
	[sflag:s28] =	ssyncset.done $0x0  }
0xd7: {  	s22 =	sadd.s32 $0x2880, s5;
	s1 =	simm.s32 @p0 $0x3;
	[sflag:s28] =	ssyncadd.s32 $0xFFFFE000  }
0xd8: {  	[spmem:s2] =	stream.indirect.scatter.add.f32 [tilespmem:s19], [sflag:$0xA], $0x40, s22, s13, $0xb8;
	[tilespmem:$0x1EE00] =	vst v63  }
0xd9: {  	s3 =	sshra.s32 @p0 s8, $0x2;
	_ =	swait.ge @p0 [sflag:s1], $0x2000  }
0xda: {  	s6 =	simm.s32 @p0 $0x9000;
	s9 =	simm.s32 @!p0 $0x9;
	[sflag:s1] =	ssyncset.done @p0 $0x0  }
0xdb: {  	s7 =	simm.s32 @p0 $0x80;
	s0 =	sadd.s32 @p0 $0x2900, s3;
	[sflag:s1] =	ssyncadd.s32 @p0 $0xFFFFE000  }
0xdc: {  	[spmem:s2] =	stream.indirect.scatter.add.f32 @p0 [tilespmem:s6], [sflag:$0xB], $0x40, s0, s7, $0xb8;
	[tilespmem:$0x1EE00] =	vst v63  }
0xdd: {  	s1 =	simm.s32 @!p0 $0x80;
	_ =	swait.ge @!p0 [sflag:s9], $0x2000  }
0xde: {  	s0 =	sshra.s32 @!p0 s8, $0x2;
	s8 =	simm.s32 @!p0 $0x5000;
	[sflag:s9] =	ssyncset.done @!p0 $0x0  }
0xdf: {  	s6 =	sadd.s32 @!p0 $0x400, s0;
	[sflag:s9] =	ssyncadd.s32 @!p0 $0xFFFFE000;
	s9 =	simm.s32 @!p0 $0x3  }
0xe0: {  	[tilespmem:s8], [sflag:$0x1] =	stream.indirect.gather @!p0 [hbm4b:s4+s1], $0x40, s6, s1, $0xb8;
	[tilespmem:$0x1EE00] =	vst v63  }
0xe1: {  	_ =	swait.ge @!p0 [sflag:s9], $0x2000  }
0xe2: {  	s6 =	sadd.s32 @!p0 $0x2900, s0;
	[sflag:s9] =	ssyncset.done @!p0 $0x0  }
0xe3: {  	s8 =	simm.s32 @!p0 $0x9000;
	[sflag:s9] =	ssyncadd.s32 @!p0 $0xFFFFE000;
	s9 =	simm.s32 @!p0 $0xA  }
0xe4: {  	[spmem:s2] =	stream.indirect.scatter.add.f32 @!p0 [tilespmem:s8], [sflag:$0xB], $0x40, s6, s1, $0xb8;
	[tilespmem:$0x1EE00] =	vst v63  }
0xe5: {  	_ =	swait.ge @!p0 [sflag:s9], $0x2000  }
0xe6: {  	[sflag:s9] =	ssyncset.done @!p0 $0x0  }
0xe7: {  	s6 =	sadd.s32 @!p0 $0x480, s0;
	[sflag:s9] =	ssyncadd.s32 @!p0 $0xFFFFE000;
	s9 =	simm.s32 @!p0 $0x7000  }
0xe8: {  	[tilespmem:s9], [sflag:$0x2] =	stream.indirect.gather @!p0 [hbm4b:s4+s1], $0x40, s6, s1, $0xb8;
	[tilespmem:$0x1EE00] =	vst v63  }
0xe9: {  	_ =	swait.ge [sflag:s29], $0x2000  }
0xea: {  	s10 =	simm.s32 $0xB000;
	[sflag:s29] =	ssyncset.done $0x0  }
0xeb: {  	s24 =	sadd.s32 $0x2980, s5;
	s9 =	simm.s32 @p0 $0x5;
	[sflag:s29] =	ssyncadd.s32 $0xFFFFE000  }
0xec: {  	[spmem:s2] =	stream.indirect.scatter.add.f32 [tilespmem:s10], [sflag:$0xC], $0x40, s24, s13, $0xb8;
	[tilespmem:$0x1EE00] =	vst v63  }
0xed: {  	_ =	swait.ge @p0 [sflag:s9], $0x2000  }
0xee: {  	[sflag:s9] =	ssyncset.done @p0 $0x0  }
0xef: {  	s6 =	sadd.s32 @p0 $0x2A00, s3;
	[sflag:s9] =	ssyncadd.s32 @p0 $0xFFFFE000;
	s9 =	simm.s32 @p0 $0xD000  }
0xf0: {  	[spmem:s2] =	stream.indirect.scatter.add.f32 @p0 [tilespmem:s9], [sflag:$0xD], $0x40, s6, s7, $0xb8;
	[tilespmem:$0x1EE00] =	vst v63  }
0xf1: {  	s6 =	simm.s32 @!p0 $0xB  }
0xf2: {  	_ =	swait.ge @!p0 [sflag:s6], $0x2000  }
0xf3: {  	[sflag:s6] =	ssyncset.done @!p0 $0x0  }
0xf4: {  	s9 =	sadd.s32 @!p0 $0x500, s0;
	[sflag:s6] =	ssyncadd.s32 @!p0 $0xFFFFE000;
	s6 =	simm.s32 @!p0 $0x5  }
0xf5: {  	[tilespmem:s8], [sflag:$0x3] =	stream.indirect.gather @!p0 [hbm4b:s4+s1], $0x40, s9, s1, $0xb8;
	[tilespmem:$0x1EE00] =	vst v63  }
0xf6: {  	_ =	swait.ge @!p0 [sflag:s6], $0x2000  }
0xf7: {  	s8 =	sadd.s32 @!p0 $0x2A00, s0;
	[sflag:s6] =	ssyncset.done @!p0 $0x0  }
0xf8: {  	s9 =	simm.s32 @!p0 $0xD000;
	[sflag:s6] =	ssyncadd.s32 @!p0 $0xFFFFE000;
	s6 =	simm.s32 @!p0 $0xC  }
0xf9: {  	[spmem:s2] =	stream.indirect.scatter.add.f32 @!p0 [tilespmem:s9], [sflag:$0xD], $0x40, s8, s1, $0xb8;
	[tilespmem:$0x1EE00] =	vst v63  }
0xfa: {  	_ =	swait.ge @!p0 [sflag:s6], $0x2000  }
0xfb: {  	[sflag:s6] =	ssyncset.done @!p0 $0x0  }
0xfc: {  	s8 =	sadd.s32 @!p0 $0x580, s0;
	[sflag:s6] =	ssyncadd.s32 @!p0 $0xFFFFE000;
	s6 =	simm.s32 @!p0 $0xB000  }
0xfd: {  	[tilespmem:s6], [sflag:$0x4] =	stream.indirect.gather @!p0 [hbm4b:s4+s1], $0x40, s8, s1, $0xb8;
	[tilespmem:$0x1EE00] =	vst v63  }
0xfe: {  	_ =	swait.ge [sflag:s30], $0x2000  }
0xff: {  	[sflag:s30] =	ssyncset.done $0x0  }
0x100: {  	s8 =	sadd.s32 $0x2A80, s5;
	s6 =	simm.s32 @p0 $0x7;
	[sflag:s30] =	ssyncadd.s32 $0xFFFFE000  }
0x101: {  	[spmem:s2] =	stream.indirect.scatter.add.f32 [tilespmem:s23], [sflag:$0xE], $0x40, s8, s13, $0xb8;
	[tilespmem:$0x1EE00] =	vst v63  }
0x102: {  	_ =	swait.ge @p0 [sflag:s6], $0x2000  }
0x103: {  	[sflag:s6] =	ssyncset.done @p0 $0x0  }
0x104: {  	s3 =	sadd.s32 @p0 $0x2B00, s3;
	[sflag:s6] =	ssyncadd.s32 @p0 $0xFFFFE000;
	s6 =	simm.s32 @p0 $0x11000  }
0x105: {  	[spmem:s2] =	stream.indirect.scatter.add.f32 @p0 [tilespmem:s6], [sflag:$0xF], $0x40, s3, s7, $0xb8;
	[tilespmem:$0x1EE00] =	vst v63  }
0x106: {  	s3 =	simm.s32 @!p0 $0xD  }
0x107: {  	_ =	swait.ge @!p0 [sflag:s3], $0x2000  }
0x108: {  	[sflag:s3] =	ssyncset.done @!p0 $0x0  }
0x109: {  	[sflag:s3] =	ssyncadd.s32 @!p0 $0xFFFFE000;
	s3 =	sadd.s32 @!p0 $0x600, s0  }
0x10a: {  	[tilespmem:s9], [sflag:$0x5] =	stream.indirect.gather @!p0 [hbm4b:s4+s1], $0x40, s3, s1, $0xb8;
	[tilespmem:$0x1EE00] =	vst v63  }
0x10b: {  	s3 =	simm.s32 @!p0 $0x7  }
0x10c: {  	_ =	swait.ge @!p0 [sflag:s3], $0x2000  }
0x10d: {  	[sflag:s3] =	ssyncset.done @!p0 $0x0  }
0x10e: {  	s6 =	sadd.s32 @!p0 $0x2B00, s0;
	[sflag:s3] =	ssyncadd.s32 @!p0 $0xFFFFE000;
	s3 =	simm.s32 @!p0 $0x11000  }
0x10f: {  	[spmem:s2] =	stream.indirect.scatter.add.f32 @!p0 [tilespmem:s3], [sflag:$0xF], $0x40, s6, s1, $0xb8;
	[tilespmem:$0x1EE00] =	vst v63  }
0x110: {  	s3 =	simm.s32 @!p0 $0xE  }
0x111: {  	_ =	swait.ge @!p0 [sflag:s3], $0x2000  }
0x112: {  	[sflag:s3] =	ssyncset.done @!p0 $0x0  }
0x113: {  	s0 =	sadd.s32 @!p0 $0x680, s0;
	[sflag:s3] =	ssyncadd.s32 @!p0 $0xFFFFE000;
	s3 =	simm.s32 @!p0 $0xF000  }
0x114: {  	[tilespmem:s3], [sflag:$0x6] =	stream.indirect.gather @!p0 [hbm4b:s4+s1], $0x40, s0, s1, $0xb8;
	[tilespmem:$0x1EE00] =	vst v63  }
0x115: {  	_ =	swait.ge [sflag:s31], $0x2000  }
0x116: {  	[sflag:s31] =	ssyncset.done $0x0  }
0x117: {  	s10 =	simm.s32 $0x9;
	s9 =	sadd.s32 $0x2B80, s5;
	[sflag:s31] =	ssyncadd.s32 $0xFFFFE000  }
0x118: {  	[spmem:s2] =	stream.indirect.scatter.add.f32 [tilespmem:s26], [sflag:$0x10], $0x40, s9, s13, $0xb8;
	[tilespmem:$0x1EE00] =	vst v63  }
0x119: {  	_ =	swait.ge [sflag:s10], $0x2000  }
0x11a: {  	[sflag:s10] =	ssyncset.done $0x0  }
0x11b: {  	s11 =	simm.s32 $0xA;
	[sflag:s10] =	ssyncadd.s32 $0xFFFFE000  }
0x11c: {  	_ =	swait.ge [sflag:s11], $0x2000  }
0x11d: {  	[sflag:s11] =	ssyncset.done $0x0  }
0x11e: {  	s12 =	simm.s32 $0xB;
	[sflag:s11] =	ssyncadd.s32 $0xFFFFE000  }
0x11f: {  	_ =	swait.ge [sflag:s12], $0x2000  }
0x120: {  	[sflag:s12] =	ssyncset.done $0x0  }
0x121: {  	s14 =	simm.s32 $0xC;
	[sflag:s12] =	ssyncadd.s32 $0xFFFFE000  }
0x122: {  	_ =	swait.ge [sflag:s14], $0x2000  }
0x123: {  	[sflag:s14] =	ssyncset.done $0x0  }
0x124: {  	s16 =	simm.s32 $0xD;
	[sflag:s14] =	ssyncadd.s32 $0xFFFFE000  }
0x125: {  	_ =	swait.ge [sflag:s16], $0x2000  }
0x126: {  	[sflag:s16] =	ssyncset.done $0x0  }
0x127: {  	s17 =	simm.s32 $0xE;
	[sflag:s16] =	ssyncadd.s32 $0xFFFFE000  }
0x128: {  	_ =	swait.ge [sflag:s17], $0x2000  }
0x129: {  	[sflag:s17] =	ssyncset.done $0x0  }
0x12a: {  	s18 =	simm.s32 $0xF;
	[sflag:s17] =	ssyncadd.s32 $0xFFFFE000  }
0x12b: {  	_ =	swait.ge [sflag:s18], $0x2000  }
0x12c: {  	[sflag:s18] =	ssyncset.done $0x0  }
0x12d: {  	s20 =	simm.s32 $0x10;
	[sflag:s18] =	ssyncadd.s32 $0xFFFFE000  }
0x12e: {  	_ =	swait.ge [sflag:s20], $0x2000  }
0x12f: {  	[sflag:s20] =	ssyncset.done $0x0  }
0x130: {  	[sflag:s20] =	ssyncadd.s32 $0xFFFFE000  }
0x131: {  	[bflag:$0x0] =	sbarrier.arrive $0xFFFF  }
0x132: {  	s5 =	rddreg [dreg:$0x5]  }
0x133: {  	s6 =	rddreg [dreg:$0x9]  }
0x134: {  	s7 =	simm.s32 $0x11;
	s21 =	rddreg [dreg:$0xa]  }
0x135: {  	[hbm:s21], [sflag:s5] =	dma.local [spmem:s6], $0x13C0  }
0x136: {  	_ =	swait.ge [sflag:s7], $0x13C0  }
0x137: {  	s22 =	rddreg [dreg:$0xb]  }
0x138: {  	s24 =	rddreg [dreg:$0x8];
	s1 =	sadd.s32 $0x1, s22  }
0x139: {  	p0 =	sne.s32 s1, s24  }
.Ltmp1:
0x13a: {  	_ = 	snop;
	(pc) =	sbr.rel @p0 .LBB2_1-.Ltmp1, $3  }
0x13b: {  	_ =	sdelay $0x1  }
0x13c: {  	[sflag:s7] =	ssyncset.done $0x0  }
0x13d: {  	[sflag:s7] =	ssyncadd.s32 $0xFFFFEC40  }
0x13e: {  	_ =	sfence.sel $0x180000  }
0x13f: {  	[bflag:$0x0] =	sbarrier.arrive $0xFFFF  }
0x140: {  	_ =	strace $0x9000004D  }
0x141: {  	s0 =	stileid.u32;
	[bflag:$0x2] =	sbarrier.arrive $0xFFFF  }
0x142: {  	p0 =	sne.s32 s0, $0x0;
	s0 =	rddreg [dreg:$0x2]  }
0x143: {  	s0 =	sadd.s32 @!p0 $0x100000, s0  }
0x144: {  	[sflag:s0] =	ssyncadd.tile.s32 @!p0 $0x1;
	_ =	shalt  }
.Lfunc_end2:
_tile_overlayer_lowered:
.L_overlay_start_2:
0x145: {  	(tag) =	ssettag $0x2  }
0x146: {  	s0 =	rddreg [dreg:$0x0];
	s2 =	stileid.u32  }
0x147: {  	s1 =	rddreg [dreg:$0x1];
	p0 =	sne.s32 s2, $0x0  }
0x148: {  	s3 =	rddreg [dreg:$0x2];
	[bflag:$0x3] =	sbarrier.arrive $0xFFFF;
	s2 =	simm.s32 @!p0 $0x1C11  }
0x149: {  	[timem:s3], [sflag:s2] =	dma.local @!p0 [hbm:s0], s1  }
0x14a: {  	s0 =	simm.s32 @!p0 $0x11  }
0x14b: {  	_ =	swait.ge @!p0 [sflag:s0], s1  }
0x14c: {  	s1 =	ssub.s32 @!p0 $0x0, s1;
	[sflag:s0] =	ssyncset.done @!p0 $0x0  }
0x14d: {  	[sflag:s0] =	ssyncadd.s32 @!p0 s1  }
0x14e: {  	[bflag:$0x3] =	sbarrier.arrive $0xFFFF  }
0x14f: {  	_ =	shalt  }

// kernel: kernel.8.cloned.1.call-start
scs
__scs_entry_jumppad:
0x0: {  	(pc) =	sbr.rel $0x88, $3  }
0x1: {  	(tag) =	ssettag $0x0;
	lr =	simm.s32 $0x1  }
0x2: {  	[smem:$0x3F96] =	sst lr;
	_ =	strace $0xD0000000  }
0x3: {  	_ = 	snop  }
0x4: {  	_ = 	snop  }
0x5: {  	_ = 	snop  }
0x6: {  	_ = 	snop  }
0x7: {  	_ = 	snop  }
__scs_overlays_trampoline_lowered:
0x8: {  	[smem:$0x3FA5] =	sst s0  }
0x9: {  	[smem:$0x3FA6] =	sst s1  }
0xa: {  	[smem:$0x3FA7] =	sst s2  }
0xb: {  	[smem:$0x3FA8] =	sst s3  }
0xc: {  	[smem:$0x3FA9] =	sst s4  }
0xd: {  	[smem:$0x3FAA] =	sst s5  }
0xe: {  	[smem:$0x3FAB] =	sst s6  }
0xf: {  	[smem:$0x3FAC] =	sst s7  }
0x10: {  	[smem:$0x3FAD] =	sst s8  }
0x11: {  	[smem:$0x3FAE] =	sst s9;
	s0 =	simm.s32 @!p0 $0x0  }
0x12: {  	s1 =	sld [smem:$0x3F94];
	s0 =	simm.s32 @p0 $0x1  }
0x13: {  	[smem:$0x3FAF] =	sst s0;
	s0 =	simm.s32 @!p1 $0x0  }
0x14: {  	s2 =	sld [smem:$0x3F93];
	s0 =	simm.s32 @p1 $0x1  }
0x15: {  	[smem:$0x3FB0] =	sst s0;
	s0 =	simm.s32 @!p2 $0x0  }
0x16: {  	s3 =	sld [smem:$0x3FDB];
	s0 =	simm.s32 @p2 $0x1  }
0x17: {  	s4 =	simm.s32 $0x1BF5;
	[smem:$0x3FB2] =	sst s0  }
0x18: {  	s0 =	sld [smem:$0x3F95];
	_ =	swait.ge [sflag:s4], $0x0  }
0x19: {  	s7 =	sld [smem:$0x3F96]  }
0x1a: {  	s8 =	sadd.s32 $0xFFFFE003, lr  }
0x1b: {  	s9 =	sadd.s32 $0xFFFFFEF7, lr;
	s5 =	simm.s32 $0xFFFFFFFF;
	p2 =	slt.u32 s8, $0xFFFFF086  }
0x1c: {  	p1 =	slt.u32 s9, $0xF7A;
	s5 =	simm.s32 @!p2 $0x0  }
0x1d: {  	s5 =	simm.s32 @p1 $0x1;
	p0 =	seq.s32 s7, s2  }
0x1e: {  	s7 =	smul.u32 @!p0 $0xF7A, s2;
	p2 =	seq.s32 @!p0 s5, $0x0  }
0x1f: {  	s9 =	smul.u32 $0xF7A, s1;
	s8 =	simm.s32 @!p0 $0x1BF5;
	p2 =	por !p2, p0  }
0x20: {  	[sflag:s8] =	ssyncset.s32 @!p0 $0xFFFFF086;
	s6 =	sadd.s32 @!p0 s3, s7;
	s7 =	simm.s32 @!p0 $0x108  }
0x21: {  	s3 =	sadd.s32 s3, s9;
	s6 =	sadd.s32 @!p0 $0x88, s6;
	s7 =	simm.s32 @p2 $0x1082  }
0x22: {  	[simem:s7], [sflag:s8] =	dma.local @!p0 [hbm:s6], $0xF7A  }
0x23: {  	s9 =	sor.u32 $0xD0000000, s2;
	s6 =	simm.s32 $0x108;
	_ =	swait.ge @!p0 [sflag:s8], $0x0  }
0x24: {  	s3 =	sadd.s32 $0x88, s3;
	s6 =	simm.s32 @!p1 $0x1082;
	[sflag:s4] =	ssyncset.s32 $0xFFFFF086  }
0x25: {  	[simem:s6], [sflag:s4] =	dma.local [hbm:s3], $0xF7A  }
0x26: {  	[smem:$0x3F96] =	sst s1;
	(tag) =	ssettag s2;
	_ =	strace s9  }
0x27: {  	s1 =	sld [smem:$0x3FA6]  }
0x28: {  	s2 =	sld [smem:$0x3FA7]  }
0x29: {  	s4 =	sld [smem:$0x3FA9]  }
0x2a: {  	p0 =	seq.s32 s5, $0x0;
	s5 =	sld [smem:$0x3FAA]  }
0x2b: {  	s6 =	sld [smem:$0x3FAB]  }
0x2c: {  	s7 =	sld [smem:$0x3FAC]  }
0x2d: {  	s3 =	simm.s32 $0x108;
	s8 =	sld [smem:$0x3FAD]  }
0x2e: {  	s3 =	simm.s32 @!p0 $0x1082;
	s9 =	sld [smem:$0x3FAE]  }
0x2f: {  	lr =	sadd.s32 s0, s3;
	s0 =	sld [smem:$0x3FA5]  }
0x30: {  	s3 =	sld [smem:$0x3FA8]  }
0x31: {  	[smem:$0x3FB1] =	sst s10  }
0x32: {  	s10 =	sld [smem:$0x3FAF];
	_ =	sdelay $0x3  }
0x33: {  	p0 =	seq.s32 s10, $0x1;
	s10 =	sld [smem:$0x3FB1];
	_ =	sdelay $0x3  }
0x34: {  	[smem:$0x3FB1] =	sst s10  }
0x35: {  	s10 =	sld [smem:$0x3FB0];
	_ =	sdelay $0x3  }
0x36: {  	p1 =	seq.s32 s10, $0x1;
	s10 =	sld [smem:$0x3FB1];
	_ =	sdelay $0x3  }
0x37: {  	[smem:$0x3FB1] =	sst s10  }
0x38: {  	s10 =	sld [smem:$0x3FB2]  }
0x39: {  	_ = 	snop;
	(pc) =	sbr.ind lr, $3  }
0x3a: {  	_ = 	snop  }
0x3b: {  	_ = 	snop  }
0x3c: {  	p2 =	seq.s32 s10, $0x1;
	s10 =	sld [smem:$0x3FB1]  }
0x3d: {  	_ =	shalt  }
0x3e: {  	_ =	shalt  }
0x3f: {  	_ =	shalt  }
0x40: {  	_ =	shalt  }
0x41: {  	_ =	shalt  }
0x42: {  	_ =	shalt  }
0x43: {  	_ =	shalt  }
0x44: {  	_ =	shalt  }
0x45: {  	_ =	shalt  }
0x46: {  	_ =	shalt  }
0x47: {  	_ =	shalt  }
0x48: {  	_ =	shalt  }
0x49: {  	_ =	shalt  }
0x4a: {  	_ =	shalt  }
0x4b: {  	_ =	shalt  }
0x4c: {  	_ =	shalt  }
0x4d: {  	_ =	shalt  }
0x4e: {  	_ =	shalt  }
0x4f: {  	_ =	shalt  }
0x50: {  	_ =	shalt  }
0x51: {  	_ =	shalt  }
0x52: {  	_ =	shalt  }
0x53: {  	_ =	shalt  }
0x54: {  	_ =	shalt  }
0x55: {  	_ =	shalt  }
0x56: {  	_ =	shalt  }
0x57: {  	_ =	shalt  }
0x58: {  	_ =	shalt  }
0x59: {  	_ =	shalt  }
0x5a: {  	_ =	shalt  }
0x5b: {  	_ =	shalt  }
0x5c: {  	_ =	shalt  }
0x5d: {  	_ =	shalt  }
0x5e: {  	_ =	shalt  }
0x5f: {  	_ =	shalt  }
0x60: {  	_ =	shalt  }
0x61: {  	_ =	shalt  }
0x62: {  	_ =	shalt  }
0x63: {  	_ =	shalt  }
0x64: {  	_ =	shalt  }
0x65: {  	_ =	shalt  }
0x66: {  	_ =	shalt  }
0x67: {  	_ =	shalt  }
0x68: {  	_ =	shalt  }
0x69: {  	_ =	shalt  }
0x6a: {  	_ =	shalt  }
0x6b: {  	_ =	shalt  }
0x6c: {  	_ =	shalt  }
0x6d: {  	_ =	shalt  }
0x6e: {  	_ =	shalt  }
0x6f: {  	_ =	shalt  }
0x70: {  	_ =	shalt  }
0x71: {  	_ =	shalt  }
0x72: {  	_ =	shalt  }
0x73: {  	_ =	shalt  }
0x74: {  	_ =	shalt  }
0x75: {  	_ =	shalt  }
0x76: {  	_ =	shalt  }
0x77: {  	_ =	shalt  }
0x78: {  	_ =	shalt  }
0x79: {  	_ =	shalt  }
0x7a: {  	_ =	shalt  }
0x7b: {  	_ =	shalt  }
0x7c: {  	_ =	shalt  }
0x7d: {  	_ =	shalt  }
0x7e: {  	_ =	shalt  }
0x7f: {  	_ =	shalt  }
0x80: {  	_ =	shalt  }
0x81: {  	_ =	shalt  }
0x82: {  	_ =	shalt  }
0x83: {  	_ =	shalt  }
0x84: {  	_ =	shalt  }
0x85: {  	_ =	shalt  }
0x86: {  	_ =	shalt  }
0x87: {  	_ =	shalt  }
.Lfunc_end0:
.L_simem_size_0:
called_computation_lowered:
.L_overlay_start_0:
0x88: {  	s2 =	sld [smem:$0x3FD9]  }
0x89: {  	s3 =	sld [smem:$0x3FFE];
	_ =	sdelay $0x1  }
0x8a: {  	s1 =	srdreg.scid  }
0x8b: {  	s0 =	sand.u32 $0x1, s1  }
0x8c: {  	s16 =	sshll.u32 s0, $0xA;
	s2 =	sadd.s32 s3, s2  }
0x8d: {  	s2 =	sadd.s32 s2, s16  }
0x8e: {  	[smem:$0x3FBD] =	sst s2  }
0x8f: {  	_ = 	snop  }
0x90: {  	(tm) =	ssettm $0x1  }
0x91: {  	s17 =	sld [smem:$0x3FFB];
	_ =	sdelay $0x3  }
0x92: {  	_ =	strace s17  }
0x93: {  	s2 =	sld [smem:$0x3FFC];
	_ =	sdelay $0x3  }
0x94: {  	_ =	strace s2  }
0x95: {  	s2 =	sld [smem:$0x3FFD];
	_ =	sdelay $0x3  }
0x96: {  	_ =	strace s2  }
0x97: {  	_ =	strace $0x8FFFFFFF  }
0x98: {  	s18 =	sld [smem:$0x3FDB];
	_ =	sdelay $0x1  }
0x99: {  	s19 =	simm.s32 $_scs_section_size  }
0x9a: {  	s4 =	simm.s32 $_size__tile_overlayer_lowered;
	s5 =	simm.s32 $_tile_overlayer_lowered  }
0x9b: {  	s22 =	simm.s32 $0x1BFF;
	s21 =	sshll.u32 s5, $0x1;
	s2 =	sadd.s32 s19, s18  }
0x9c: {  	s6 =	simm.s32 $0x0;
	s20 =	sshll.u32 s4, $0x1;
	s4 =	sadd.s32 s21, s2  }
0x9d: {  	[timem:s6], [sflag:s22] =	dma.local [hbm:s4], s20  }
0x9e: {  	_ =	swait.ge [sflag:s22], s20  }
0x9f: {  	s3 =	ssub.s32 $0x0, s20;
	[sflag:s22] =	ssyncset.done $0x0  }
0xa0: {  	[sflag:s22] =	ssyncadd.s32 s3;
	_ =	sdelay $0x1  }
0xa1: {  	s23 =	simm.s32 $0x1B8B  }
0xa2: {  	_ =	swait.ge [sflag:s23], $0x1  }
0xa3: {  	[sflag:s23] =	ssyncset.done $0x0  }
0xa4: {  	s25 =	simm.s32 $0x1B8E;
	s24 =	sld [smem:$0x3FFE];
	[sflag:s23] =	ssyncadd.s32 $0xFFFFFFFF  }
0xa5: {  	s26 =	simm.s32 $execute0_lowered;
	[smem:$0x3FD2] =	sst s25  }
0xa6: {  	s4 =	sshll.u32 s26, $0x1;
	_ =	strace $0x80000046;
	[dreg:$0x1] =	wrdreg $0xFFFFFFFF  }
0xa7: {  	s28 =	simm.s32 $_size_execute0_lowered;
	s2 =	sadd.s32 s2, s4;
	[dreg:$0x0] =	wrdreg $0x0  }
0xa8: {  	s4 =	sshll.u32 s28, $0x1;
	[dreg:$0x2] =	wrdreg s2  }
0xa9: {  	[dreg:$0x3] =	wrdreg s4  }
0xaa: {  	[dreg:$0x4] =	wrdreg $0xC0  }
0xab: {  	_ =	task [dreg:s6], $0x5FFFF  }
0xac: {  	[dreg:$0x1] =	wrdreg $0xFFFFFFFF  }
0xad: {  	[dreg:$0x0] =	wrdreg $0x60  }
0xae: {  	[dreg:$0x2] =	wrdreg s24  }
0xaf: {  	[dreg:$0x3] =	wrdreg $0x9  }
0xb0: {  	_ =	task.clear_ibuf [dreg:s6], $0x4FFFF;
	_ =	strace $0x90000046  }
0xb1: {  	s29 =	simm.s32 $0x9;
	_ =	strace $0x80000048  }
0xb2: {  	_ =	swait.ge [sflag:s29], $0x1  }
0xb3: {  	[sflag:s29] =	ssyncadd.s32 $0xFFFFFFFF  }
0xb4: {  	_ =	strace $0x90000048  }
0xb5: {  	_ =	sfence  }
0xb6: {  	s30 =	sld [smem:$0x0];
	_ =	sdelay $0x2  }
0xb7: {  	s31 =	sshll.u32 s1, $0xD;
	s1 =	sshrl.u32 s1, $0x2  }
0xb8: {  	s3 =	sand.u32 $0x4000, s31;
	s1 =	sadd.s32 s1, s30  }
0xb9: {  	s0 =	sor.u32 s3, s0;
	s1 =	sshll.u32 s1, $0x11  }
0xba: {  	s0 =	sor.u32 s1, s0  }
0xbb: {  	s0 =	sadd.s32 $0x8F2B, s0  }
0xbc: {  	[sflag:s0] =	ssyncadd.remote.s32 $0x1  }
0xbd: {  	_ =	sfence.sel $0xFFFF  }
0xbe: {  	[dreg:$0x0] =	wrdreg $0xFFFFFFFF;
	(pc) =	sbr.abs _section_cstart, $3  }
0xbf: {  	[dreg:$0x1] =	wrdreg $0xFFFFFFFF  }
0xc0: {  	_ =	task.clear_ibuf [dreg:s6], $0x2FFFF;
	_ =	strace $0x9FFFFFFF  }
0xc1: {  	(tm) =	ssettm $0x7FFFFFFF  }
tec
execute0_lowered:
.L_overlay_start_1:
0x0: {  	(tag) =	ssettag $0x1  }
0x1: {  	s1 =	srdreg.scid;
	s0 =	stileid.u32  }
0x2: {  	s4 =	rddreg [dreg:$0x0];
	s3 =	sand.u32 $0x1, s1;
	s30 =	sshll.u32 s0, $0x1  }
0x3: {  	s2 =	simm.s32 $0x0;
	s8 =	simm.s32 $0x0;
	s5 =	sor.u32 s3, s30  }
0x4: {  	s1 =	rddreg [dreg:$0x1];
	s3 =	ssub.s32 $0x2, s3;
	s6 =	smul.u32 $0x500, s5  }
0x5: {  	[smem:$0x7FF] =	sst s2;
	s5 =	smul.u32 $0x4F0, s5;
	s7 =	sshrl.u32 s3, $0x1  }
0x6: {  	_ =	strace $0x80000047;
	s31 =	ssub.s32 s3, s7;
	s7 =	simm.s32 $0x2800  }
0x7: {  	s6 =	sadd.s32 s6, s4;
	s4 =	sadd.s32 s5, s4;
	s5 =	smax.u32 s31, $0x1  }
0x8: {  	v0 =	vimm.f32 $0.0e+00;
	v1 =	vimm.f32 $1.000000000e+00;
	s3 =	sadd.s32 $0x1A00, s6;
	s4 =	sadd.s32 $0xBA00, s4;
	s6 =	simm.s32 $0x1  }
.LBB2_1:
0x9: {  	s9 =	simm.s32 $0x2840  }
0xa: {  	[tilespmem:s9+$0xFFFFFFC0] =	vst v0  }
0xb: {  	[tilespmem:s9+$0x30] =	vst v0  }
0xc: {  	[tilespmem:s9+$0x20] =	vst v0  }
0xd: {  	[tilespmem:s9+$0x10] =	vst v0  }
0xe: {  	[tilespmem:s9+$0x0] =	vst v0  }
0xf: {  	[tilespmem:s9+$0xFFFFFFF0] =	vst v0  }
0x10: {  	s10 =	simm.s32 $0x0;
	[tilespmem:s9+$0xFFFFFFE0] =	vst v0  }
.LBB2_2:
0x11: {  	s10 =	sadd.s32 $0x8, s10;
	[tilespmem:s9+$0xFFFFFFD0] =	vst v0;
	s9 =	sadd.s32 $0x80, s9  }
0x12: {  	[tilespmem:s9+$0xFFFFFFC0] =	vst v0;
	p0 =	slt.u32 s10, $0x270  }
0x13: {  	[tilespmem:s9+$0x30] =	vst v0  }
.Ltmp0:
0x14: {  	[tilespmem:s9+$0x20] =	vst v0;
	(pc) =	sbr.rel @p0 .LBB2_2-.Ltmp0, $4  }
0x15: {  	[tilespmem:s9+$0x10] =	vst v0  }
0x16: {  	[tilespmem:s9+$0x0] =	vst v0  }
0x17: {  	[tilespmem:s9+$0xFFFFFFF0] =	vst v0  }
0x18: {  	[tilespmem:s9+$0xFFFFFFE0] =	vst v0  }
0x19: {  	[tilespmem:s9+$0xFFFFFFD0] =	vst v0  }
0x1a: {  	[tilespmem:s2], [sflag:$0x1] =	stream.linear.gather [hbm4b:s3+s2], $0x2800, $0x38;
	[tilespmem:$0x4F80] =	vst v63  }
0x1b: {  	_ =	swait.ge [sflag:s6], $0x2800  }
0x1c: {  	[sflag:s6] =	ssyncset.done $0x0  }
0x1d: {  	s9 =	simm.s32 $0xFFFFFFF8;
	s10 =	simm.s32 $0x40;
	[sflag:s6] =	ssyncadd.s32 $0xFFFFD800  }
.LBB2_4:
0x1e: {  	v2 =	vld [tilespmem:s10+$0xFFFFFFC0];
	_ =	sdelay $0x7  }
0x1f: {  	[tilespmem:v2+s7+$0x0] =	vst.idx.add.f32.msk $0xffff, v1  }
0x20: {  	v2 =	vld [tilespmem:s10+$0xFFFFFFD0];
	_ =	sdelay $0x7  }
0x21: {  	[tilespmem:v2+s7+$0x0] =	vst.idx.add.f32.msk $0xffff, v1  }
0x22: {  	v2 =	vld [tilespmem:s10+$0xFFFFFFE0];
	_ =	sdelay $0x7  }
0x23: {  	[tilespmem:v2+s7+$0x0] =	vst.idx.add.f32.msk $0xffff, v1  }
0x24: {  	v2 =	vld [tilespmem:s10+$0xFFFFFFF0];
	_ =	sdelay $0x7  }
0x25: {  	[tilespmem:v2+s7+$0x0] =	vst.idx.add.f32.msk $0xffff, v1  }
0x26: {  	v2 =	vld [tilespmem:s10+$0x0];
	_ =	sdelay $0x7  }
0x27: {  	[tilespmem:v2+s7+$0x0] =	vst.idx.add.f32.msk $0xffff, v1  }
0x28: {  	v2 =	vld [tilespmem:s10+$0x10];
	_ =	sdelay $0x7  }
0x29: {  	[tilespmem:v2+s7+$0x0] =	vst.idx.add.f32.msk $0xffff, v1  }
0x2a: {  	v2 =	vld [tilespmem:s10+$0x20];
	_ =	sdelay $0x7  }
0x2b: {  	[tilespmem:v2+s7+$0x0] =	vst.idx.add.f32.msk $0xffff, v1  }
0x2c: {  	v2 =	vld [tilespmem:s10+$0x30];
	_ =	sdelay $0x1  }
0x2d: {  	s9 =	sadd.s32 $0x8, s9  }
0x2e: {  	p0 =	slt.u32 s9, $0x278  }
.Ltmp1:
0x2f: {  	_ = 	snop;
	(pc) =	sbr.rel @p0 .LBB2_4-.Ltmp1, $2  }
0x30: {  	_ =	sdelay $0x2  }
0x31: {  	s10 =	sadd.s32 $0x80, s10;
	[tilespmem:v2+s7+$0x0] =	vst.idx.add.f32.msk $0xffff, v1  }
0x32: {  	s8 =	sadd.s32 $0x1, s8  }
0x33: {  	p0 =	sne.s32 s8, s5  }
.Ltmp2:
0x34: {  	_ = 	snop;
	(pc) =	sbr.rel @p0 .LBB2_1-.Ltmp2, $4  }
0x35: {  	[hbm4b:s4+s2] =	stream.linear.scatter [tilespmem:s7], [sflag:$0x1], $0x2780, $0x38;
	[tilespmem:$0x4F80] =	vst v63  }
0x36: {  	_ =	swait.ge [sflag:s6], $0x2780  }
0x37: {  	[sflag:s6] =	ssyncset.done $0x0  }
0x38: {  	[sflag:s6] =	ssyncadd.s32 $0xFFFFD880  }
0x39: {  	_ =	sfence.sel $0x180000  }
0x3a: {  	[bflag:$0x0] =	sbarrier.arrive $0xFFFF  }
0x3b: {  	p0 =	sne.s32 s0, $0x0;
	_ =	strace $0x90000047  }
0x3c: {  	s0 =	sadd.s32 @!p0 $0x100000, s1;
	[bflag:$0x2] =	sbarrier.arrive $0xFFFF  }
0x3d: {  	[sflag:s0] =	ssyncadd.tile.s32 @!p0 $0x1;
	_ =	shalt  }
.Lfunc_end2:
_tile_overlayer_lowered:
.L_overlay_start_2:
0x3e: {  	(tag) =	ssettag $0x2  }
0x3f: {  	s0 =	rddreg [dreg:$0x0];
	s2 =	stileid.u32  }
0x40: {  	s1 =	rddreg [dreg:$0x1];
	p0 =	sne.s32 s2, $0x0  }
0x41: {  	s3 =	rddreg [dreg:$0x2];
	[bflag:$0x3] =	sbarrier.arrive $0xFFFF;
	s2 =	simm.s32 @!p0 $0x1C01  }
0x42: {  	[timem:s3], [sflag:s2] =	dma.local @!p0 [hbm:s0], s1  }
0x43: {  	s0 =	simm.s32 @!p0 $0x1  }
0x44: {  	_ =	swait.ge @!p0 [sflag:s0], s1  }
0x45: {  	s1 =	ssub.s32 @!p0 $0x0, s1;
	[sflag:s0] =	ssyncset.done @!p0 $0x0  }
0x46: {  	[sflag:s0] =	ssyncadd.s32 @!p0 s1  }
0x47: {  	[bflag:$0x3] =	sbarrier.arrive $0xFFFF  }
0x48: {  	_ =	shalt  }

</sc_bundles>
